<compile_context>
chip_gen: v7x
topology: tpu7x:2x2x1
jax: 0.10.2.dev20260603
libtpu: 0.0.44.dev20260713+nightly
codegen_flags: <defaults>
</compile_context>

<pallas_src>
import functools

import jax
import jax.numpy as jnp
from jax import lax
from jax.experimental import pallas as pl
from jax.experimental.pallas import tpu as pltpu
from jax.experimental.pallas import tpu_sc as plsc

N = 10000
D = 128
H = 128
K = 5000
N_PAD = 10240

_BR = 1024
_KP = 5008
_G = 8
_NS = 16
_NW = 32
_WMAIN = 9984
_WPAD = 10112



def _scores_body(x_ref, w1_ref, b1_ref, w2_ref, b2_ref, out_ref):
    xb = x_ref[...]
    h = jnp.tanh(jnp.dot(xb, w1_ref[...], preferred_element_type=jnp.float32) + b1_ref[...])
    logit = jnp.dot(h, w2_ref[...], preferred_element_type=jnp.float32) + b2_ref[...]
    out_ref[...] = logit


def _scores(x_pad, W1, b1, W2, b2):
    BR = 1024
    return pl.pallas_call(
        _scores_body,
        grid=(N_PAD // BR,),
        in_specs=[
            pl.BlockSpec((BR, D), lambda i: (i, 0)),
            pl.BlockSpec((D, H), lambda i: (0, 0)),
            pl.BlockSpec((1, H), lambda i: (0, 0)),
            pl.BlockSpec((H, 1), lambda i: (0, 0)),
            pl.BlockSpec((1, 1), lambda i: (0, 0)),
        ],
        out_specs=pl.BlockSpec((BR, 1), lambda i: (i, 0)),
        out_shape=jax.ShapeDtypeStruct((N_PAD, 1), jnp.float32),
    )(x_pad, W1, b1.reshape(1, H), W2, b2.reshape(1, 1))



def _rank_body(scol_ref, srow_ref, out_ref):
    pid = pl.program_id(0)
    ig = lax.broadcasted_iota(jnp.int32, (_BR, 1), 0) + pid * _BR
    si = jnp.where(ig < N, scol_ref[...], -1.0)
    jg0 = lax.broadcasted_iota(jnp.int32, (1, _BR), 1)
    acc = jnp.zeros((_BR, 1), jnp.int32)
    for jb in range(N_PAD // _BR):
        jg = jg0 + jb * _BR
        sj = jnp.where(jg < N, srow_ref[pl.ds(jb, 1), :], -1.0)
        contrib = (sj > si) | ((sj == si) & (jg < ig))
        acc = acc + jnp.sum(contrib.astype(jnp.int32), axis=1, keepdims=True)
    out_ref[...] = acc


def _ranks(scores_col, scores_row):
    return pl.pallas_call(
        _rank_body,
        grid=(N_PAD // _BR,),
        in_specs=[
            pl.BlockSpec((_BR, 1), lambda i: (i, 0)),
            pl.BlockSpec((N_PAD // _BR, _BR), lambda i: (0, 0)),
        ],
        out_specs=pl.BlockSpec((_BR, 1), lambda i: (i, 0)),
        out_shape=jax.ShapeDtypeStruct((N_PAD, 1), jnp.int32),
    )(scores_col, scores_row)



def _sc_pool(ranks1, adj, tail, x):
    mesh = plsc.VectorSubcoreMesh(core_axis_name="c", subcore_axis_name="s")

    @functools.partial(
        pl.kernel,
        out_type=(jax.ShapeDtypeStruct((K * K,), jnp.float32),
                  jax.ShapeDtypeStruct((K, D), jnp.float32)),
        mesh=mesh,
        compiler_params=pltpu.CompilerParams(needs_layout_passes=False),
        scratch_types=[
            pltpu.VMEM((640,), jnp.int32),
            pltpu.VMEM((640,), jnp.int32),
            pltpu.VMEM((_KP,), jnp.int32),
            pltpu.VMEM((_G, _WPAD), jnp.float32),
            pltpu.VMEM((_G * _KP,), jnp.float32),
            pltpu.VMEM((16, D), jnp.float32),
            pltpu.VMEM_SHARED((N_PAD,), jnp.int32),
            pltpu.SemaphoreType.DMA,
            pltpu.SemaphoreType.DMA,
        ],
    )
    def k(ranks_hbm, adj_hbm, tail_hbm, x_hbm, adjp_hbm, xp_hbm,
          ranks_v, vals_v, idx_v, octb, outb_v, xb,
          idx_shared, sem_in, sem_out):
        cid = lax.axis_index("c")
        sid = lax.axis_index("s")
        wid = cid * _NS + sid

        pltpu.sync_copy(ranks_hbm.at[pl.ds(sid * 640, 640)], ranks_v)
        base = sid * 640
        for j in range(40):
            vals_v[pl.ds(j * 16, 16)] = lax.iota(jnp.int32, 16) + (base + j * 16)
        for j in range(40):
            rvec = ranks_v[pl.ds(j * 16, 16)]
            pltpu.async_copy(vals_v.at[pl.ds(j * 16, 16)],
                             idx_shared.at[rvec], sem_out)
        for j in range(40):
            rvec = ranks_v[pl.ds(j * 16, 16)]
            pltpu.make_async_copy(vals_v.at[pl.ds(j * 16, 16)],
                                  idx_shared.at[rvec], sem_out).wait()
        plsc.subcore_barrier()

        pltpu.sync_copy(idx_shared.at[pl.ds(0, _KP)], idx_v)
        r0 = pl.multiple_of(
            jnp.where(wid < 17, wid * 160, 2720 + (wid - 17) * 152), 8)
        cnt = jnp.where(wid < 17, 160, 152)

        rowids = [jnp.full((16,), r, jnp.int32) for r in range(_G)]

        def group_body(g, _):
            b = pl.multiple_of(r0 + g * _G, 8)
            gidx = idx_v.at[pl.ds(b, _G)]
            pltpu.async_copy(adj_hbm.at[gidx, pl.ds(0, _WMAIN)],
                             octb.at[:, pl.ds(0, _WMAIN)], sem_in)
            pltpu.async_copy(tail_hbm.at[gidx],
                             octb.at[:, pl.ds(_WMAIN, 128)], sem_in)
            @pl.when(g > 0)
            def _():
                bp = pl.multiple_of(r0 + (g - 1) * _G, 8)
                for r in range(_G):
                    dstp = pl.multiple_of((bp + r) * K, 8)
                    pltpu.make_async_copy(outb_v.at[pl.ds(r * _KP, K)],
                                          adjp_hbm.at[pl.ds(dstp, K)],
                                          sem_out).wait()
            pltpu.make_async_copy(adj_hbm.at[gidx, pl.ds(0, _WMAIN)],
                                  octb.at[:, pl.ds(0, _WMAIN)], sem_in).wait()
            pltpu.make_async_copy(tail_hbm.at[gidx],
                                  octb.at[:, pl.ds(_WMAIN, 128)], sem_in).wait()

            @plsc.parallel_loop(0, _KP // 16, 1, unroll=2)
            def col_body(c):
                c16 = pl.multiple_of(c * 16, 16)
                colv = idx_v[pl.ds(c16, 16)]
                for r in range(_G):
                    outb_v[pl.ds(r * _KP + c16, 16)] = plsc.load_gather(
                        octb, [rowids[r], colv])
            for r in range(_G):
                dst = pl.multiple_of((b + r) * K, 8)
                pltpu.async_copy(outb_v.at[pl.ds(r * _KP, K)],
                                 adjp_hbm.at[pl.ds(dst, K)], sem_out)
            return 0

        lax.fori_loop(0, cnt // _G, group_body, 0)
        blast = pl.multiple_of(r0 + cnt - _G, 8)
        for r in range(_G):
            dstl = pl.multiple_of((blast + r) * K, 8)
            pltpu.make_async_copy(outb_v.at[pl.ds(r * _KP, K)],
                                  adjp_hbm.at[pl.ds(dstl, K)], sem_out).wait()

        def x_body(h2, _):
            bx = pl.multiple_of(r0 + jnp.minimum(h2 * 16, cnt - 16), 8)
            pltpu.async_copy(x_hbm.at[idx_v.at[pl.ds(bx, 16)]], xb,
                             sem_in).wait()
            pltpu.sync_copy(xb, xp_hbm.at[pl.ds(bx, 16)])
            return 0

        lax.fori_loop(0, 10, x_body, 0)

    return k(ranks1, adj, tail, x)



def _proj_body(xp_ref, wp_ref, bp_ref, out_ref, acc_ref):
    pid = pl.program_id(0)
    y = jnp.maximum(
        jnp.dot(xp_ref[...], wp_ref[...], preferred_element_type=jnp.float32)
        + bp_ref[...], 0.0)
    out_ref[...] = y

    @pl.when(pid == 0)
    def _():
        acc_ref[...] = jnp.zeros_like(acc_ref)

    acc_ref[...] += jnp.sum(y, axis=0, keepdims=True)


def _project(xp, Wp, bp):
    BRP = 1000
    return pl.pallas_call(
        _proj_body,
        grid=(K // BRP,),
        in_specs=[
            pl.BlockSpec((BRP, D), lambda i: (i, 0)),
            pl.BlockSpec((D, H), lambda i: (0, 0)),
            pl.BlockSpec((1, H), lambda i: (0, 0)),
        ],
        out_specs=[
            pl.BlockSpec((BRP, H), lambda i: (i, 0)),
            pl.BlockSpec((1, H), lambda i: (0, 0)),
        ],
        out_shape=[
            jax.ShapeDtypeStruct((K, H), jnp.float32),
            jax.ShapeDtypeStruct((1, H), jnp.float32),
        ],
    )(xp, Wp, bp.reshape(1, H))



def kernel(x, adj, W1, b1, W2, b2, Wp, bp):
    x_pad = jnp.pad(x, ((0, N_PAD - N), (0, 0)))
    logits = _scores(x_pad, W1, b1, W2, b2)
    scores = jax.nn.sigmoid(logits)
    ranks = _ranks(scores, scores.reshape(N_PAD // _BR, _BR))
    tail = jnp.pad(adj[:, _WMAIN:], ((0, 0), (0, 128 - (N - _WMAIN))))
    adj_flat, x_pooled = _sc_pool(ranks.reshape(N_PAD), adj, tail, x)
    adj_pooled = adj_flat.reshape(K, K)
    x_projected, colsum = _project(x_pooled, Wp, bp)
    graph_rep = (colsum * (1.0 / K)).reshape(H)
    return (x_projected, adj_pooled, graph_rep)

# --- scband reference (transcript-rebuilt; emitter-appended) ---
"""Pipeline reference for scband-hierarchical-pooling-75376676045020 (READ-ONLY COPY).

The authoritative reference and input builder live on the scoring server;
editing this copy changes nothing except your own understanding.
"""

import jax, jax.numpy as jnp
import numpy as np

N = 10000
D = 128
H = 128
RATIO = 0.5


def setup_inputs(seed: int = 0) -> dict:
    key = jax.random.key(seed)
    ks = jax.random.split(key, 8)
    x = jax.random.normal(ks[0], (N, D), dtype=jnp.float32)
    adj = jax.random.uniform(ks[1], (N, N), dtype=jnp.float32)
    W1 = jax.random.normal(ks[2], (D, H), dtype=jnp.float32) * 0.05
    b1 = jnp.zeros((H,), dtype=jnp.float32)
    W2 = jax.random.normal(ks[3], (H, 1), dtype=jnp.float32) * 0.05
    b2 = jnp.zeros((1,), dtype=jnp.float32)
    Wp = jax.random.normal(ks[4], (D, H), dtype=jnp.float32) * 0.05
    bp = jnp.zeros((H,), dtype=jnp.float32)
    return {"x": x, "adj": adj, "W1": W1, "b1": b1, "W2": W2, "b2": b2, "Wp": Wp, "bp": bp}


def reference(x, adj, W1, b1, W2, b2, Wp, bp):
    # score_layer: Linear -> Tanh -> Linear, then sigmoid
    scores = jnp.tanh(x @ W1 + b1) @ W2 + b2
    scores = jax.nn.sigmoid(scores).reshape(-1)
    k = max(1, min(int(N * RATIO), N))
    _, idx = jax.lax.top_k(scores, k)
    x_pooled = jnp.take(x, idx, axis=0)
    adj_pooled = jnp.take(jnp.take(adj, idx, axis=0), idx, axis=1)
    # projection + relu; dropout is identity in eval mode
    x_projected = jax.nn.relu(x_pooled @ Wp + bp)
    graph_rep = x_projected.mean(axis=0)
    return (x_projected, adj_pooled, graph_rep)

if __name__ == "__main__":
    import jax
    _d = setup_inputs()
    print(jax.jit(kernel)(*tuple(_d.values())))

</pallas_src>

<mosaic_0001>
#map = affine_map<(d0, d1) -> (0)>
#map1 = affine_map<(d0, d1) -> (0, 0)>
module attributes {stable_mosaic.version = 14 : i64} {
  func.func @k(%arg0: i32, %arg1: i32, %arg2: memref<10240xi32, #tpu.memory_space<hbm>>, %arg3: memref<10000x10000xf32, #tpu.memory_space<hbm>>, %arg4: memref<10000x128xf32, #tpu.memory_space<hbm>>, %arg5: memref<10000x128xf32, #tpu.memory_space<hbm>>, %arg6: memref<25000000xf32, #tpu.memory_space<hbm>>, %arg7: memref<5000x128xf32, #tpu.memory_space<hbm>>, %arg8: memref<640xi32, #tpu.memory_space<vmem>>, %arg9: memref<640xi32, #tpu.memory_space<vmem>>, %arg10: memref<5008xi32, #tpu.memory_space<vmem>>, %arg11: memref<8x10112xf32, #tpu.memory_space<vmem>>, %arg12: memref<40064xf32, #tpu.memory_space<vmem>>, %arg13: memref<16x128xf32, #tpu.memory_space<vmem>>, %arg14: memref<10240xi32, #tpu.memory_space<vmem_shared>>, %arg15: memref<!tpu.dma_semaphore, #tpu.memory_space<semaphore_mem>>, %arg16: memref<!tpu.dma_semaphore, #tpu.memory_space<semaphore_mem>>) attributes {dimension_semantics = [#tpu.dimension_semantics<core_parallel>, #tpu.dimension_semantics<subcore_parallel>], iteration_bounds = array<i64: 2, 16>, scalar_prefetch = 0 : i64, scratch_operands = 9 : i64, tpu.core_type = #tpu.core_type<sc_vector_subcore>, window_params = [{transform_indices = #map}, {transform_indices = #map1}, {transform_indices = #map1}, {transform_indices = #map1}, {transform_indices = #map}, {transform_indices = #map1}]} {
    %mul3A = arith.constant 16 : i32
    %mul3A_0 = arith.muli %arg0, %mul3A : i32
    %add3A = arith.addi %mul3A_0, %arg1 : i32
    %mul3A_1 = arith.constant 640 : i32
    %mul3A_2 = arith.muli %arg1, %mul3A_1 : i32
    "tpu.region"() ({
      %run_scoped3A = tpu.sem_alloc : memref<!tpu.dma_semaphore, #tpu.memory_space<semaphore_mem>>
      %dma_start3A_915 = tpu.memref_slice %arg2[%mul3A_2] : memref<10240xi32, #tpu.memory_space<hbm>> -> memref<640xi32, #tpu.memory_space<hbm>>
      %dma_start3A_916 = tpu.memref_slice %arg2[%mul3A_2] : memref<10240xi32, #tpu.memory_space<hbm>> -> memref<640xi32, #tpu.memory_space<hbm>>
      tpu.enqueue_dma source(%dma_start3A_916 : memref<640xi32, #tpu.memory_space<hbm>>) target(%arg8 : memref<640xi32, #tpu.memory_space<vmem>>) target_semaphore(%run_scoped3A : memref<!tpu.dma_semaphore, #tpu.memory_space<semaphore_mem>>)
      %dma_wait3A_917 = tpu.memref_slice %arg2[%mul3A_2] : memref<10240xi32, #tpu.memory_space<hbm>> -> memref<640xi32, #tpu.memory_space<hbm>>
      %dma_wait3A_918 = tpu.memref_slice %arg2[%mul3A_2] : memref<10240xi32, #tpu.memory_space<hbm>> -> memref<640xi32, #tpu.memory_space<hbm>>
      tpu.wait_dma2 semaphore(%run_scoped3A : memref<!tpu.dma_semaphore, #tpu.memory_space<semaphore_mem>>) src(%dma_wait3A_918 : memref<640xi32, #tpu.memory_space<hbm>>) dst(%arg8 : memref<640xi32, #tpu.memory_space<vmem>>)
      tpu.yield
    }) : () -> ()
    %mul3A_3 = arith.constant 640 : i32
    %mul3A_4 = arith.muli %arg1, %mul3A_3 : i32
    %iota3A = tpu.iota {dimensions = array<i32: 0>} : vector<16xi32>
    %add3A_5 = arith.constant 0 : i32
    %add3A_6 = arith.addi %mul3A_4, %add3A_5 : i32
    %add3A_7 = vector.broadcast %add3A_6 : i32 to vector<16xi32>
    %add3A_8 = arith.addi %iota3A, %add3A_7 : vector<16xi32>
    %swap3A = arith.constant 0 : index
    %swap3A_9 = tpu.vector_load %arg9[%swap3A] {strides = array<i32>} : memref<640xi32, #tpu.memory_space<vmem>>, vector<16xi32>,
    tpu.vector_store %arg9[%swap3A], %add3A_8 {strides = array<i32>} : memref<640xi32, #tpu.memory_space<vmem>>, vector<16xi32>,
    %iota3A_10 = tpu.iota {dimensions = array<i32: 0>} : vector<16xi32>
    %add3A_11 = arith.constant 16 : i32
    %add3A_12 = arith.addi %mul3A_4, %add3A_11 : i32
    %add3A_13 = vector.broadcast %add3A_12 : i32 to vector<16xi32>
    %add3A_14 = arith.addi %iota3A_10, %add3A_13 : vector<16xi32>
    %swap3A_15 = arith.constant 16 : index
    %swap3A_16 = tpu.vector_load %arg9[%swap3A_15] {strides = array<i32>} : memref<640xi32, #tpu.memory_space<vmem>>, vector<16xi32>,
    tpu.vector_store %arg9[%swap3A_15], %add3A_14 {strides = array<i32>} : memref<640xi32, #tpu.memory_space<vmem>>, vector<16xi32>,
    %iota3A_17 = tpu.iota {dimensions = array<i32: 0>} : vector<16xi32>
    %add3A_18 = arith.constant 32 : i32
    %add3A_19 = arith.addi %mul3A_4, %add3A_18 : i32
    %add3A_20 = vector.broadcast %add3A_19 : i32 to vector<16xi32>
    %add3A_21 = arith.addi %iota3A_17, %add3A_20 : vector<16xi32>
    %swap3A_22 = arith.constant 32 : index
    %swap3A_23 = tpu.vector_load %arg9[%swap3A_22] {strides = array<i32>} : memref<640xi32, #tpu.memory_space<vmem>>, vector<16xi32>,
    tpu.vector_store %arg9[%swap3A_22], %add3A_21 {strides = array<i32>} : memref<640xi32, #tpu.memory_space<vmem>>, vector<16xi32>,
    %iota3A_24 = tpu.iota {dimensions = array<i32: 0>} : vector<16xi32>
    %add3A_25 = arith.constant 48 : i32
    %add3A_26 = arith.addi %mul3A_4, %add3A_25 : i32
    %add3A_27 = vector.broadcast %add3A_26 : i32 to vector<16xi32>
    %add3A_28 = arith.addi %iota3A_24, %add3A_27 : vector<16xi32>
    %swap3A_29 = arith.constant 48 : index
    %swap3A_30 = tpu.vector_load %arg9[%swap3A_29] {strides = array<i32>} : memref<640xi32, #tpu.memory_space<vmem>>, vector<16xi32>,
    tpu.vector_store %arg9[%swap3A_29], %add3A_28 {strides = array<i32>} : memref<640xi32, #tpu.memory_space<vmem>>, vector<16xi32>,
    %iota3A_31 = tpu.iota {dimensions = array<i32: 0>} : vector<16xi32>
    %add3A_32 = arith.constant 64 : i32
    %add3A_33 = arith.addi %mul3A_4, %add3A_32 : i32
    %add3A_34 = vector.broadcast %add3A_33 : i32 to vector<16xi32>
    %add3A_35 = arith.addi %iota3A_31, %add3A_34 : vector<16xi32>
    %swap3A_36 = arith.constant 64 : index
    %swap3A_37 = tpu.vector_load %arg9[%swap3A_36] {strides = array<i32>} : memref<640xi32, #tpu.memory_space<vmem>>, vector<16xi32>,
    tpu.vector_store %arg9[%swap3A_36], %add3A_35 {strides = array<i32>} : memref<640xi32, #tpu.memory_space<vmem>>, vector<16xi32>,
    %iota3A_38 = tpu.iota {dimensions = array<i32: 0>} : vector<16xi32>
    %add3A_39 = arith.constant 80 : i32
    %add3A_40 = arith.addi %mul3A_4, %add3A_39 : i32
    %add3A_41 = vector.broadcast %add3A_40 : i32 to vector<16xi32>
    %add3A_42 = arith.addi %iota3A_38, %add3A_41 : vector<16xi32>
    %swap3A_43 = arith.constant 80 : index
    %swap3A_44 = tpu.vector_load %arg9[%swap3A_43] {strides = array<i32>} : memref<640xi32, #tpu.memory_space<vmem>>, vector<16xi32>,
    tpu.vector_store %arg9[%swap3A_43], %add3A_42 {strides = array<i32>} : memref<640xi32, #tpu.memory_space<vmem>>, vector<16xi32>,
    %iota3A_45 = tpu.iota {dimensions = array<i32: 0>} : vector<16xi32>
    %add3A_46 = arith.constant 96 : i32
    %add3A_47 = arith.addi %mul3A_4, %add3A_46 : i32
    %add3A_48 = vector.broadcast %add3A_47 : i32 to vector<16xi32>
    %add3A_49 = arith.addi %iota3A_45, %add3A_48 : vector<16xi32>
    %swap3A_50 = arith.constant 96 : index
    %swap3A_51 = tpu.vector_load %arg9[%swap3A_50] {strides = array<i32>} : memref<640xi32, #tpu.memory_space<vmem>>, vector<16xi32>,
    tpu.vector_store %arg9[%swap3A_50], %add3A_49 {strides = array<i32>} : memref<640xi32, #tpu.memory_space<vmem>>, vector<16xi32>,
    %iota3A_52 = tpu.iota {dimensions = array<i32: 0>} : vector<16xi32>
    %add3A_53 = arith.constant 112 : i32
    %add3A_54 = arith.addi %mul3A_4, %add3A_53 : i32
    %add3A_55 = vector.broadcast %add3A_54 : i32 to vector<16xi32>
    %add3A_56 = arith.addi %iota3A_52, %add3A_55 : vector<16xi32>
    %swap3A_57 = arith.constant 112 : index
    %swap3A_58 = tpu.vector_load %arg9[%swap3A_57] {strides = array<i32>} : memref<640xi32, #tpu.memory_space<vmem>>, vector<16xi32>,
    tpu.vector_store %arg9[%swap3A_57], %add3A_56 {strides = array<i32>} : memref<640xi32, #tpu.memory_space<vmem>>, vector<16xi32>,
    %iota3A_59 = tpu.iota {dimensions = array<i32: 0>} : vector<16xi32>
    %add3A_60 = arith.constant 128 : i32
    %add3A_61 = arith.addi %mul3A_4, %add3A_60 : i32
    %add3A_62 = vector.broadcast %add3A_61 : i32 to vector<16xi32>
    %add3A_63 = arith.addi %iota3A_59, %add3A_62 : vector<16xi32>
    %swap3A_64 = arith.constant 128 : index
    %swap3A_65 = tpu.vector_load %arg9[%swap3A_64] {strides = array<i32>} : memref<640xi32, #tpu.memory_space<vmem>>, vector<16xi32>,
    tpu.vector_store %arg9[%swap3A_64], %add3A_63 {strides = array<i32>} : memref<640xi32, #tpu.memory_space<vmem>>, vector<16xi32>,
    %iota3A_66 = tpu.iota {dimensions = array<i32: 0>} : vector<16xi32>
    %add3A_67 = arith.constant 144 : i32
    %add3A_68 = arith.addi %mul3A_4, %add3A_67 : i32
    %add3A_69 = vector.broadcast %add3A_68 : i32 to vector<16xi32>
    %add3A_70 = arith.addi %iota3A_66, %add3A_69 : vector<16xi32>
    %swap3A_71 = arith.constant 144 : index
    %swap3A_72 = tpu.vector_load %arg9[%swap3A_71] {strides = array<i32>} : memref<640xi32, #tpu.memory_space<vmem>>, vector<16xi32>,
    tpu.vector_store %arg9[%swap3A_71], %add3A_70 {strides = array<i32>} : memref<640xi32, #tpu.memory_space<vmem>>, vector<16xi32>,
    %iota3A_73 = tpu.iota {dimensions = array<i32: 0>} : vector<16xi32>
    %add3A_74 = arith.constant 160 : i32
    %add3A_75 = arith.addi %mul3A_4, %add3A_74 : i32
    %add3A_76 = vector.broadcast %add3A_75 : i32 to vector<16xi32>
    %add3A_77 = arith.addi %iota3A_73, %add3A_76 : vector<16xi32>
    %swap3A_78 = arith.constant 160 : index
    %swap3A_79 = tpu.vector_load %arg9[%swap3A_78] {strides = array<i32>} : memref<640xi32, #tpu.memory_space<vmem>>, vector<16xi32>,
    tpu.vector_store %arg9[%swap3A_78], %add3A_77 {strides = array<i32>} : memref<640xi32, #tpu.memory_space<vmem>>, vector<16xi32>,
    %iota3A_80 = tpu.iota {dimensions = array<i32: 0>} : vector<16xi32>
    %add3A_81 = arith.constant 176 : i32
    %add3A_82 = arith.addi %mul3A_4, %add3A_81 : i32
    %add3A_83 = vector.broadcast %add3A_82 : i32 to vector<16xi32>
    %add3A_84 = arith.addi %iota3A_80, %add3A_83 : vector<16xi32>
    %swap3A_85 = arith.constant 176 : index
    %swap3A_86 = tpu.vector_load %arg9[%swap3A_85] {strides = array<i32>} : memref<640xi32, #tpu.memory_space<vmem>>, vector<16xi32>,
    tpu.vector_store %arg9[%swap3A_85], %add3A_84 {strides = array<i32>} : memref<640xi32, #tpu.memory_space<vmem>>, vector<16xi32>,
    %iota3A_87 = tpu.iota {dimensions = array<i32: 0>} : vector<16xi32>
    %add3A_88 = arith.constant 192 : i32
    %add3A_89 = arith.addi %mul3A_4, %add3A_88 : i32
    %add3A_90 = vector.broadcast %add3A_89 : i32 to vector<16xi32>
    %add3A_91 = arith.addi %iota3A_87, %add3A_90 : vector<16xi32>
    %swap3A_92 = arith.constant 192 : index
    %swap3A_93 = tpu.vector_load %arg9[%swap3A_92] {strides = array<i32>} : memref<640xi32, #tpu.memory_space<vmem>>, vector<16xi32>,
    tpu.vector_store %arg9[%swap3A_92], %add3A_91 {strides = array<i32>} : memref<640xi32, #tpu.memory_space<vmem>>, vector<16xi32>,
    %iota3A_94 = tpu.iota {dimensions = array<i32: 0>} : vector<16xi32>
    %add3A_95 = arith.constant 208 : i32
    %add3A_96 = arith.addi %mul3A_4, %add3A_95 : i32
    %add3A_97 = vector.broadcast %add3A_96 : i32 to vector<16xi32>
    %add3A_98 = arith.addi %iota3A_94, %add3A_97 : vector<16xi32>
    %swap3A_99 = arith.constant 208 : index
    %swap3A_100 = tpu.vector_load %arg9[%swap3A_99] {strides = array<i32>} : memref<640xi32, #tpu.memory_space<vmem>>, vector<16xi32>,
    tpu.vector_store %arg9[%swap3A_99], %add3A_98 {strides = array<i32>} : memref<640xi32, #tpu.memory_space<vmem>>, vector<16xi32>,
    %iota3A_101 = tpu.iota {dimensions = array<i32: 0>} : vector<16xi32>
    %add3A_102 = arith.constant 224 : i32
    %add3A_103 = arith.addi %mul3A_4, %add3A_102 : i32
    %add3A_104 = vector.broadcast %add3A_103 : i32 to vector<16xi32>
    %add3A_105 = arith.addi %iota3A_101, %add3A_104 : vector<16xi32>
    %swap3A_106 = arith.constant 224 : index
    %swap3A_107 = tpu.vector_load %arg9[%swap3A_106] {strides = array<i32>} : memref<640xi32, #tpu.memory_space<vmem>>, vector<16xi32>,
    tpu.vector_store %arg9[%swap3A_106], %add3A_105 {strides = array<i32>} : memref<640xi32, #tpu.memory_space<vmem>>, vector<16xi32>,
    %iota3A_108 = tpu.iota {dimensions = array<i32: 0>} : vector<16xi32>
    %add3A_109 = arith.constant 240 : i32
    %add3A_110 = arith.addi %mul3A_4, %add3A_109 : i32
    %add3A_111 = vector.broadcast %add3A_110 : i32 to vector<16xi32>
    %add3A_112 = arith.addi %iota3A_108, %add3A_111 : vector<16xi32>
    %swap3A_113 = arith.constant 240 : index
    %swap3A_114 = tpu.vector_load %arg9[%swap3A_113] {strides = array<i32>} : memref<640xi32, #tpu.memory_space<vmem>>, vector<16xi32>,
    tpu.vector_store %arg9[%swap3A_113], %add3A_112 {strides = array<i32>} : memref<640xi32, #tpu.memory_space<vmem>>, vector<16xi32>,
    %iota3A_115 = tpu.iota {dimensions = array<i32: 0>} : vector<16xi32>
    %add3A_116 = arith.constant 256 : i32
    %add3A_117 = arith.addi %mul3A_4, %add3A_116 : i32
    %add3A_118 = vector.broadcast %add3A_117 : i32 to vector<16xi32>
    %add3A_119 = arith.addi %iota3A_115, %add3A_118 : vector<16xi32>
    %swap3A_120 = arith.constant 256 : index
    %swap3A_121 = tpu.vector_load %arg9[%swap3A_120] {strides = array<i32>} : memref<640xi32, #tpu.memory_space<vmem>>, vector<16xi32>,
    tpu.vector_store %arg9[%swap3A_120], %add3A_119 {strides = array<i32>} : memref<640xi32, #tpu.memory_space<vmem>>, vector<16xi32>,
    %iota3A_122 = tpu.iota {dimensions = array<i32: 0>} : vector<16xi32>
    %add3A_123 = arith.constant 272 : i32
    %add3A_124 = arith.addi %mul3A_4, %add3A_123 : i32
    %add3A_125 = vector.broadcast %add3A_124 : i32 to vector<16xi32>
    %add3A_126 = arith.addi %iota3A_122, %add3A_125 : vector<16xi32>
    %swap3A_127 = arith.constant 272 : index
    %swap3A_128 = tpu.vector_load %arg9[%swap3A_127] {strides = array<i32>} : memref<640xi32, #tpu.memory_space<vmem>>, vector<16xi32>,
    tpu.vector_store %arg9[%swap3A_127], %add3A_126 {strides = array<i32>} : memref<640xi32, #tpu.memory_space<vmem>>, vector<16xi32>,
    %iota3A_129 = tpu.iota {dimensions = array<i32: 0>} : vector<16xi32>
    %add3A_130 = arith.constant 288 : i32
    %add3A_131 = arith.addi %mul3A_4, %add3A_130 : i32
    %add3A_132 = vector.broadcast %add3A_131 : i32 to vector<16xi32>
    %add3A_133 = arith.addi %iota3A_129, %add3A_132 : vector<16xi32>
    %swap3A_134 = arith.constant 288 : index
    %swap3A_135 = tpu.vector_load %arg9[%swap3A_134] {strides = array<i32>} : memref<640xi32, #tpu.memory_space<vmem>>, vector<16xi32>,
    tpu.vector_store %arg9[%swap3A_134], %add3A_133 {strides = array<i32>} : memref<640xi32, #tpu.memory_space<vmem>>, vector<16xi32>,
    %iota3A_136 = tpu.iota {dimensions = array<i32: 0>} : vector<16xi32>
    %add3A_137 = arith.constant 304 : i32
    %add3A_138 = arith.addi %mul3A_4, %add3A_137 : i32
    %add3A_139 = vector.broadcast %add3A_138 : i32 to vector<16xi32>
    %add3A_140 = arith.addi %iota3A_136, %add3A_139 : vector<16xi32>
    %swap3A_141 = arith.constant 304 : index
    %swap3A_142 = tpu.vector_load %arg9[%swap3A_141] {strides = array<i32>} : memref<640xi32, #tpu.memory_space<vmem>>, vector<16xi32>,
    tpu.vector_store %arg9[%swap3A_141], %add3A_140 {strides = array<i32>} : memref<640xi32, #tpu.memory_space<vmem>>, vector<16xi32>,
    %iota3A_143 = tpu.iota {dimensions = array<i32: 0>} : vector<16xi32>
    %add3A_144 = arith.constant 320 : i32
    %add3A_145 = arith.addi %mul3A_4, %add3A_144 : i32
    %add3A_146 = vector.broadcast %add3A_145 : i32 to vector<16xi32>
    %add3A_147 = arith.addi %iota3A_143, %add3A_146 : vector<16xi32>
    %swap3A_148 = arith.constant 320 : index
    %swap3A_149 = tpu.vector_load %arg9[%swap3A_148] {strides = array<i32>} : memref<640xi32, #tpu.memory_space<vmem>>, vector<16xi32>,
    tpu.vector_store %arg9[%swap3A_148], %add3A_147 {strides = array<i32>} : memref<640xi32, #tpu.memory_space<vmem>>, vector<16xi32>,
    %iota3A_150 = tpu.iota {dimensions = array<i32: 0>} : vector<16xi32>
    %add3A_151 = arith.constant 336 : i32
    %add3A_152 = arith.addi %mul3A_4, %add3A_151 : i32
    %add3A_153 = vector.broadcast %add3A_152 : i32 to vector<16xi32>
    %add3A_154 = arith.addi %iota3A_150, %add3A_153 : vector<16xi32>
    %swap3A_155 = arith.constant 336 : index
    %swap3A_156 = tpu.vector_load %arg9[%swap3A_155] {strides = array<i32>} : memref<640xi32, #tpu.memory_space<vmem>>, vector<16xi32>,
    tpu.vector_store %arg9[%swap3A_155], %add3A_154 {strides = array<i32>} : memref<640xi32, #tpu.memory_space<vmem>>, vector<16xi32>,
    %iota3A_157 = tpu.iota {dimensions = array<i32: 0>} : vector<16xi32>
    %add3A_158 = arith.constant 352 : i32
    %add3A_159 = arith.addi %mul3A_4, %add3A_158 : i32
    %add3A_160 = vector.broadcast %add3A_159 : i32 to vector<16xi32>
    %add3A_161 = arith.addi %iota3A_157, %add3A_160 : vector<16xi32>
    %swap3A_162 = arith.constant 352 : index
    %swap3A_163 = tpu.vector_load %arg9[%swap3A_162] {strides = array<i32>} : memref<640xi32, #tpu.memory_space<vmem>>, vector<16xi32>,
    tpu.vector_store %arg9[%swap3A_162], %add3A_161 {strides = array<i32>} : memref<640xi32, #tpu.memory_space<vmem>>, vector<16xi32>,
    %iota3A_164 = tpu.iota {dimensions = array<i32: 0>} : vector<16xi32>
    %add3A_165 = arith.constant 368 : i32
    %add3A_166 = arith.addi %mul3A_4, %add3A_165 : i32
    %add3A_167 = vector.broadcast %add3A_166 : i32 to vector<16xi32>
    %add3A_168 = arith.addi %iota3A_164, %add3A_167 : vector<16xi32>
    %swap3A_169 = arith.constant 368 : index
    %swap3A_170 = tpu.vector_load %arg9[%swap3A_169] {strides = array<i32>} : memref<640xi32, #tpu.memory_space<vmem>>, vector<16xi32>,
    tpu.vector_store %arg9[%swap3A_169], %add3A_168 {strides = array<i32>} : memref<640xi32, #tpu.memory_space<vmem>>, vector<16xi32>,
    %iota3A_171 = tpu.iota {dimensions = array<i32: 0>} : vector<16xi32>
    %add3A_172 = arith.constant 384 : i32
    %add3A_173 = arith.addi %mul3A_4, %add3A_172 : i32
    %add3A_174 = vector.broadcast %add3A_173 : i32 to vector<16xi32>
    %add3A_175 = arith.addi %iota3A_171, %add3A_174 : vector<16xi32>
    %swap3A_176 = arith.constant 384 : index
    %swap3A_177 = tpu.vector_load %arg9[%swap3A_176] {strides = array<i32>} : memref<640xi32, #tpu.memory_space<vmem>>, vector<16xi32>,
    tpu.vector_store %arg9[%swap3A_176], %add3A_175 {strides = array<i32>} : memref<640xi32, #tpu.memory_space<vmem>>, vector<16xi32>,
    %iota3A_178 = tpu.iota {dimensions = array<i32: 0>} : vector<16xi32>
    %add3A_179 = arith.constant 400 : i32
    %add3A_180 = arith.addi %mul3A_4, %add3A_179 : i32
    %add3A_181 = vector.broadcast %add3A_180 : i32 to vector<16xi32>
    %add3A_182 = arith.addi %iota3A_178, %add3A_181 : vector<16xi32>
    %swap3A_183 = arith.constant 400 : index
    %swap3A_184 = tpu.vector_load %arg9[%swap3A_183] {strides = array<i32>} : memref<640xi32, #tpu.memory_space<vmem>>, vector<16xi32>,
    tpu.vector_store %arg9[%swap3A_183], %add3A_182 {strides = array<i32>} : memref<640xi32, #tpu.memory_space<vmem>>, vector<16xi32>,
    %iota3A_185 = tpu.iota {dimensions = array<i32: 0>} : vector<16xi32>
    %add3A_186 = arith.constant 416 : i32
    %add3A_187 = arith.addi %mul3A_4, %add3A_186 : i32
    %add3A_188 = vector.broadcast %add3A_187 : i32 to vector<16xi32>
    %add3A_189 = arith.addi %iota3A_185, %add3A_188 : vector<16xi32>
    %swap3A_190 = arith.constant 416 : index
    %swap3A_191 = tpu.vector_load %arg9[%swap3A_190] {strides = array<i32>} : memref<640xi32, #tpu.memory_space<vmem>>, vector<16xi32>,
    tpu.vector_store %arg9[%swap3A_190], %add3A_189 {strides = array<i32>} : memref<640xi32, #tpu.memory_space<vmem>>, vector<16xi32>,
    %iota3A_192 = tpu.iota {dimensions = array<i32: 0>} : vector<16xi32>
    %add3A_193 = arith.constant 432 : i32
    %add3A_194 = arith.addi %mul3A_4, %add3A_193 : i32
    %add3A_195 = vector.broadcast %add3A_194 : i32 to vector<16xi32>
    %add3A_196 = arith.addi %iota3A_192, %add3A_195 : vector<16xi32>
    %swap3A_197 = arith.constant 432 : index
    %swap3A_198 = tpu.vector_load %arg9[%swap3A_197] {strides = array<i32>} : memref<640xi32, #tpu.memory_space<vmem>>, vector<16xi32>,
    tpu.vector_store %arg9[%swap3A_197], %add3A_196 {strides = array<i32>} : memref<640xi32, #tpu.memory_space<vmem>>, vector<16xi32>,
    %iota3A_199 = tpu.iota {dimensions = array<i32: 0>} : vector<16xi32>
    %add3A_200 = arith.constant 448 : i32
    %add3A_201 = arith.addi %mul3A_4, %add3A_200 : i32
    %add3A_202 = vector.broadcast %add3A_201 : i32 to vector<16xi32>
    %add3A_203 = arith.addi %iota3A_199, %add3A_202 : vector<16xi32>
    %swap3A_204 = arith.constant 448 : index
    %swap3A_205 = tpu.vector_load %arg9[%swap3A_204] {strides = array<i32>} : memref<640xi32, #tpu.memory_space<vmem>>, vector<16xi32>,
    tpu.vector_store %arg9[%swap3A_204], %add3A_203 {strides = array<i32>} : memref<640xi32, #tpu.memory_space<vmem>>, vector<16xi32>,
    %iota3A_206 = tpu.iota {dimensions = array<i32: 0>} : vector<16xi32>
    %add3A_207 = arith.constant 464 : i32
    %add3A_208 = arith.addi %mul3A_4, %add3A_207 : i32
    %add3A_209 = vector.broadcast %add3A_208 : i32 to vector<16xi32>
    %add3A_210 = arith.addi %iota3A_206, %add3A_209 : vector<16xi32>
    %swap3A_211 = arith.constant 464 : index
    %swap3A_212 = tpu.vector_load %arg9[%swap3A_211] {strides = array<i32>} : memref<640xi32, #tpu.memory_space<vmem>>, vector<16xi32>,
    tpu.vector_store %arg9[%swap3A_211], %add3A_210 {strides = array<i32>} : memref<640xi32, #tpu.memory_space<vmem>>, vector<16xi32>,
    %iota3A_213 = tpu.iota {dimensions = array<i32: 0>} : vector<16xi32>
    %add3A_214 = arith.constant 480 : i32
    %add3A_215 = arith.addi %mul3A_4, %add3A_214 : i32
    %add3A_216 = vector.broadcast %add3A_215 : i32 to vector<16xi32>
    %add3A_217 = arith.addi %iota3A_213, %add3A_216 : vector<16xi32>
    %swap3A_218 = arith.constant 480 : index
    %swap3A_219 = tpu.vector_load %arg9[%swap3A_218] {strides = array<i32>} : memref<640xi32, #tpu.memory_space<vmem>>, vector<16xi32>,
    tpu.vector_store %arg9[%swap3A_218], %add3A_217 {strides = array<i32>} : memref<640xi32, #tpu.memory_space<vmem>>, vector<16xi32>,
    %iota3A_220 = tpu.iota {dimensions = array<i32: 0>} : vector<16xi32>
    %add3A_221 = arith.constant 496 : i32
    %add3A_222 = arith.addi %mul3A_4, %add3A_221 : i32
    %add3A_223 = vector.broadcast %add3A_222 : i32 to vector<16xi32>
    %add3A_224 = arith.addi %iota3A_220, %add3A_223 : vector<16xi32>
    %swap3A_225 = arith.constant 496 : index
    %swap3A_226 = tpu.vector_load %arg9[%swap3A_225] {strides = array<i32>} : memref<640xi32, #tpu.memory_space<vmem>>, vector<16xi32>,
    tpu.vector_store %arg9[%swap3A_225], %add3A_224 {strides = array<i32>} : memref<640xi32, #tpu.memory_space<vmem>>, vector<16xi32>,
    %iota3A_227 = tpu.iota {dimensions = array<i32: 0>} : vector<16xi32>
    %add3A_228 = arith.constant 512 : i32
    %add3A_229 = arith.addi %mul3A_4, %add3A_228 : i32
    %add3A_230 = vector.broadcast %add3A_229 : i32 to vector<16xi32>
    %add3A_231 = arith.addi %iota3A_227, %add3A_230 : vector<16xi32>
    %swap3A_232 = arith.constant 512 : index
    %swap3A_233 = tpu.vector_load %arg9[%swap3A_232] {strides = array<i32>} : memref<640xi32, #tpu.memory_space<vmem>>, vector<16xi32>,
    tpu.vector_store %arg9[%swap3A_232], %add3A_231 {strides = array<i32>} : memref<640xi32, #tpu.memory_space<vmem>>, vector<16xi32>,
    %iota3A_234 = tpu.iota {dimensions = array<i32: 0>} : vector<16xi32>
    %add3A_235 = arith.constant 528 : i32
    %add3A_236 = arith.addi %mul3A_4, %add3A_235 : i32
    %add3A_237 = vector.broadcast %add3A_236 : i32 to vector<16xi32>
    %add3A_238 = arith.addi %iota3A_234, %add3A_237 : vector<16xi32>
    %swap3A_239 = arith.constant 528 : index
    %swap3A_240 = tpu.vector_load %arg9[%swap3A_239] {strides = array<i32>} : memref<640xi32, #tpu.memory_space<vmem>>, vector<16xi32>,
    tpu.vector_store %arg9[%swap3A_239], %add3A_238 {strides = array<i32>} : memref<640xi32, #tpu.memory_space<vmem>>, vector<16xi32>,
    %iota3A_241 = tpu.iota {dimensions = array<i32: 0>} : vector<16xi32>
    %add3A_242 = arith.constant 544 : i32
    %add3A_243 = arith.addi %mul3A_4, %add3A_242 : i32
    %add3A_244 = vector.broadcast %add3A_243 : i32 to vector<16xi32>
    %add3A_245 = arith.addi %iota3A_241, %add3A_244 : vector<16xi32>
    %swap3A_246 = arith.constant 544 : index
    %swap3A_247 = tpu.vector_load %arg9[%swap3A_246] {strides = array<i32>} : memref<640xi32, #tpu.memory_space<vmem>>, vector<16xi32>,
    tpu.vector_store %arg9[%swap3A_246], %add3A_245 {strides = array<i32>} : memref<640xi32, #tpu.memory_space<vmem>>, vector<16xi32>,
    %iota3A_248 = tpu.iota {dimensions = array<i32: 0>} : vector<16xi32>
    %add3A_249 = arith.constant 560 : i32
    %add3A_250 = arith.addi %mul3A_4, %add3A_249 : i32
    %add3A_251 = vector.broadcast %add3A_250 : i32 to vector<16xi32>
    %add3A_252 = arith.addi %iota3A_248, %add3A_251 : vector<16xi32>
    %swap3A_253 = arith.constant 560 : index
    %swap3A_254 = tpu.vector_load %arg9[%swap3A_253] {strides = array<i32>} : memref<640xi32, #tpu.memory_space<vmem>>, vector<16xi32>,
    tpu.vector_store %arg9[%swap3A_253], %add3A_252 {strides = array<i32>} : memref<640xi32, #tpu.memory_space<vmem>>, vector<16xi32>,
    %iota3A_255 = tpu.iota {dimensions = array<i32: 0>} : vector<16xi32>
    %add3A_256 = arith.constant 576 : i32
    %add3A_257 = arith.addi %mul3A_4, %add3A_256 : i32
    %add3A_258 = vector.broadcast %add3A_257 : i32 to vector<16xi32>
    %add3A_259 = arith.addi %iota3A_255, %add3A_258 : vector<16xi32>
    %swap3A_260 = arith.constant 576 : index
    %swap3A_261 = tpu.vector_load %arg9[%swap3A_260] {strides = array<i32>} : memref<640xi32, #tpu.memory_space<vmem>>, vector<16xi32>,
    tpu.vector_store %arg9[%swap3A_260], %add3A_259 {strides = array<i32>} : memref<640xi32, #tpu.memory_space<vmem>>, vector<16xi32>,
    %iota3A_262 = tpu.iota {dimensions = array<i32: 0>} : vector<16xi32>
    %add3A_263 = arith.constant 592 : i32
    %add3A_264 = arith.addi %mul3A_4, %add3A_263 : i32
    %add3A_265 = vector.broadcast %add3A_264 : i32 to vector<16xi32>
    %add3A_266 = arith.addi %iota3A_262, %add3A_265 : vector<16xi32>
    %swap3A_267 = arith.constant 592 : index
    %swap3A_268 = tpu.vector_load %arg9[%swap3A_267] {strides = array<i32>} : memref<640xi32, #tpu.memory_space<vmem>>, vector<16xi32>,
    tpu.vector_store %arg9[%swap3A_267], %add3A_266 {strides = array<i32>} : memref<640xi32, #tpu.memory_space<vmem>>, vector<16xi32>,
    %iota3A_269 = tpu.iota {dimensions = array<i32: 0>} : vector<16xi32>
    %add3A_270 = arith.constant 608 : i32
    %add3A_271 = arith.addi %mul3A_4, %add3A_270 : i32
    %add3A_272 = vector.broadcast %add3A_271 : i32 to vector<16xi32>
    %add3A_273 = arith.addi %iota3A_269, %add3A_272 : vector<16xi32>
    %swap3A_274 = arith.constant 608 : index
    %swap3A_275 = tpu.vector_load %arg9[%swap3A_274] {strides = array<i32>} : memref<640xi32, #tpu.memory_space<vmem>>, vector<16xi32>,
    tpu.vector_store %arg9[%swap3A_274], %add3A_273 {strides = array<i32>} : memref<640xi32, #tpu.memory_space<vmem>>, vector<16xi32>,
    %iota3A_276 = tpu.iota {dimensions = array<i32: 0>} : vector<16xi32>
    %add3A_277 = arith.constant 624 : i32
    %add3A_278 = arith.addi %mul3A_4, %add3A_277 : i32
    %add3A_279 = vector.broadcast %add3A_278 : i32 to vector<16xi32>
    %add3A_280 = arith.addi %iota3A_276, %add3A_279 : vector<16xi32>
    %swap3A_281 = arith.constant 624 : index
    %swap3A_282 = tpu.vector_load %arg9[%swap3A_281] {strides = array<i32>} : memref<640xi32, #tpu.memory_space<vmem>>, vector<16xi32>,
    tpu.vector_store %arg9[%swap3A_281], %add3A_280 {strides = array<i32>} : memref<640xi32, #tpu.memory_space<vmem>>, vector<16xi32>,
    %get3A = arith.constant 0 : index
    %get3A_283 = tpu.vector_load %arg8[%get3A] {strides = array<i32>} : memref<640xi32, #tpu.memory_space<vmem>>, vector<16xi32>,
    %dma_start3A = arith.constant 0 : i32
    %dma_start3A_284 = tpu.memref_slice %arg9[%dma_start3A] : memref<640xi32, #tpu.memory_space<vmem>> -> memref<16xi32, #tpu.memory_space<vmem>>
    %dma_start3A_285 = arith.constant 0 : i32
    %dma_start3A_286 = tpu.memref_slice %arg14[%dma_start3A_285] : memref<10240xi32, #tpu.memory_space<vmem_shared>> -> memref<10240xi32, #tpu.memory_space<vmem_shared>>
    tpu.enqueue_indirect_dma source(%dma_start3A_284 : memref<16xi32, #tpu.memory_space<vmem>>) target(%dma_start3A_286 : memref<10240xi32, #tpu.memory_space<vmem_shared>>) offsets(%get3A_283 : vector<16xi32>) semaphore(%arg16 : memref<!tpu.dma_semaphore, #tpu.memory_space<semaphore_mem>>)
    %get3A_287 = arith.constant 16 : index
    %get3A_288 = tpu.vector_load %arg8[%get3A_287] {strides = array<i32>} : memref<640xi32, #tpu.memory_space<vmem>>, vector<16xi32>,
    %dma_start3A_289 = arith.constant 16 : i32
    %dma_start3A_290 = tpu.memref_slice %arg9[%dma_start3A_289] : memref<640xi32, #tpu.memory_space<vmem>> -> memref<16xi32, #tpu.memory_space<vmem>>
    %dma_start3A_291 = arith.constant 0 : i32
    %dma_start3A_292 = tpu.memref_slice %arg14[%dma_start3A_291] : memref<10240xi32, #tpu.memory_space<vmem_shared>> -> memref<10240xi32, #tpu.memory_space<vmem_shared>>
    tpu.enqueue_indirect_dma source(%dma_start3A_290 : memref<16xi32, #tpu.memory_space<vmem>>) target(%dma_start3A_292 : memref<10240xi32, #tpu.memory_space<vmem_shared>>) offsets(%get3A_288 : vector<16xi32>) semaphore(%arg16 : memref<!tpu.dma_semaphore, #tpu.memory_space<semaphore_mem>>)
    %get3A_293 = arith.constant 32 : index
    %get3A_294 = tpu.vector_load %arg8[%get3A_293] {strides = array<i32>} : memref<640xi32, #tpu.memory_space<vmem>>, vector<16xi32>,
    %dma_start3A_295 = arith.constant 32 : i32
    %dma_start3A_296 = tpu.memref_slice %arg9[%dma_start3A_295] : memref<640xi32, #tpu.memory_space<vmem>> -> memref<16xi32, #tpu.memory_space<vmem>>
    %dma_start3A_297 = arith.constant 0 : i32
    %dma_start3A_298 = tpu.memref_slice %arg14[%dma_start3A_297] : memref<10240xi32, #tpu.memory_space<vmem_shared>> -> memref<10240xi32, #tpu.memory_space<vmem_shared>>
    tpu.enqueue_indirect_dma source(%dma_start3A_296 : memref<16xi32, #tpu.memory_space<vmem>>) target(%dma_start3A_298 : memref<10240xi32, #tpu.memory_space<vmem_shared>>) offsets(%get3A_294 : vector<16xi32>) semaphore(%arg16 : memref<!tpu.dma_semaphore, #tpu.memory_space<semaphore_mem>>)
    %get3A_299 = arith.constant 48 : index
    %get3A_300 = tpu.vector_load %arg8[%get3A_299] {strides = array<i32>} : memref<640xi32, #tpu.memory_space<vmem>>, vector<16xi32>,
    %dma_start3A_301 = arith.constant 48 : i32
    %dma_start3A_302 = tpu.memref_slice %arg9[%dma_start3A_301] : memref<640xi32, #tpu.memory_space<vmem>> -> memref<16xi32, #tpu.memory_space<vmem>>
    %dma_start3A_303 = arith.constant 0 : i32
    %dma_start3A_304 = tpu.memref_slice %arg14[%dma_start3A_303] : memref<10240xi32, #tpu.memory_space<vmem_shared>> -> memref<10240xi32, #tpu.memory_space<vmem_shared>>
    tpu.enqueue_indirect_dma source(%dma_start3A_302 : memref<16xi32, #tpu.memory_space<vmem>>) target(%dma_start3A_304 : memref<10240xi32, #tpu.memory_space<vmem_shared>>) offsets(%get3A_300 : vector<16xi32>) semaphore(%arg16 : memref<!tpu.dma_semaphore, #tpu.memory_space<semaphore_mem>>)
    %get3A_305 = arith.constant 64 : index
    %get3A_306 = tpu.vector_load %arg8[%get3A_305] {strides = array<i32>} : memref<640xi32, #tpu.memory_space<vmem>>, vector<16xi32>,
    %dma_start3A_307 = arith.constant 64 : i32
    %dma_start3A_308 = tpu.memref_slice %arg9[%dma_start3A_307] : memref<640xi32, #tpu.memory_space<vmem>> -> memref<16xi32, #tpu.memory_space<vmem>>
    %dma_start3A_309 = arith.constant 0 : i32
    %dma_start3A_310 = tpu.memref_slice %arg14[%dma_start3A_309] : memref<10240xi32, #tpu.memory_space<vmem_shared>> -> memref<10240xi32, #tpu.memory_space<vmem_shared>>
    tpu.enqueue_indirect_dma source(%dma_start3A_308 : memref<16xi32, #tpu.memory_space<vmem>>) target(%dma_start3A_310 : memref<10240xi32, #tpu.memory_space<vmem_shared>>) offsets(%get3A_306 : vector<16xi32>) semaphore(%arg16 : memref<!tpu.dma_semaphore, #tpu.memory_space<semaphore_mem>>)
    %get3A_311 = arith.constant 80 : index
    %get3A_312 = tpu.vector_load %arg8[%get3A_311] {strides = array<i32>} : memref<640xi32, #tpu.memory_space<vmem>>, vector<16xi32>,
    %dma_start3A_313 = arith.constant 80 : i32
    %dma_start3A_314 = tpu.memref_slice %arg9[%dma_start3A_313] : memref<640xi32, #tpu.memory_space<vmem>> -> memref<16xi32, #tpu.memory_space<vmem>>
    %dma_start3A_315 = arith.constant 0 : i32
    %dma_start3A_316 = tpu.memref_slice %arg14[%dma_start3A_315] : memref<10240xi32, #tpu.memory_space<vmem_shared>> -> memref<10240xi32, #tpu.memory_space<vmem_shared>>
    tpu.enqueue_indirect_dma source(%dma_start3A_314 : memref<16xi32, #tpu.memory_space<vmem>>) target(%dma_start3A_316 : memref<10240xi32, #tpu.memory_space<vmem_shared>>) offsets(%get3A_312 : vector<16xi32>) semaphore(%arg16 : memref<!tpu.dma_semaphore, #tpu.memory_space<semaphore_mem>>)
    %get3A_317 = arith.constant 96 : index
    %get3A_318 = tpu.vector_load %arg8[%get3A_317] {strides = array<i32>} : memref<640xi32, #tpu.memory_space<vmem>>, vector<16xi32>,
    %dma_start3A_319 = arith.constant 96 : i32
    %dma_start3A_320 = tpu.memref_slice %arg9[%dma_start3A_319] : memref<640xi32, #tpu.memory_space<vmem>> -> memref<16xi32, #tpu.memory_space<vmem>>
    %dma_start3A_321 = arith.constant 0 : i32
    %dma_start3A_322 = tpu.memref_slice %arg14[%dma_start3A_321] : memref<10240xi32, #tpu.memory_space<vmem_shared>> -> memref<10240xi32, #tpu.memory_space<vmem_shared>>
    tpu.enqueue_indirect_dma source(%dma_start3A_320 : memref<16xi32, #tpu.memory_space<vmem>>) target(%dma_start3A_322 : memref<10240xi32, #tpu.memory_space<vmem_shared>>) offsets(%get3A_318 : vector<16xi32>) semaphore(%arg16 : memref<!tpu.dma_semaphore, #tpu.memory_space<semaphore_mem>>)
    %get3A_323 = arith.constant 112 : index
    %get3A_324 = tpu.vector_load %arg8[%get3A_323] {strides = array<i32>} : memref<640xi32, #tpu.memory_space<vmem>>, vector<16xi32>,
    %dma_start3A_325 = arith.constant 112 : i32
    %dma_start3A_326 = tpu.memref_slice %arg9[%dma_start3A_325] : memref<640xi32, #tpu.memory_space<vmem>> -> memref<16xi32, #tpu.memory_space<vmem>>
    %dma_start3A_327 = arith.constant 0 : i32
    %dma_start3A_328 = tpu.memref_slice %arg14[%dma_start3A_327] : memref<10240xi32, #tpu.memory_space<vmem_shared>> -> memref<10240xi32, #tpu.memory_space<vmem_shared>>
    tpu.enqueue_indirect_dma source(%dma_start3A_326 : memref<16xi32, #tpu.memory_space<vmem>>) target(%dma_start3A_328 : memref<10240xi32, #tpu.memory_space<vmem_shared>>) offsets(%get3A_324 : vector<16xi32>) semaphore(%arg16 : memref<!tpu.dma_semaphore, #tpu.memory_space<semaphore_mem>>)
    %get3A_329 = arith.constant 128 : index
    %get3A_330 = tpu.vector_load %arg8[%get3A_329] {strides = array<i32>} : memref<640xi32, #tpu.memory_space<vmem>>, vector<16xi32>,
    %dma_start3A_331 = arith.constant 128 : i32
    %dma_start3A_332 = tpu.memref_slice %arg9[%dma_start3A_331] : memref<640xi32, #tpu.memory_space<vmem>> -> memref<16xi32, #tpu.memory_space<vmem>>
    %dma_start3A_333 = arith.constant 0 : i32
    %dma_start3A_334 = tpu.memref_slice %arg14[%dma_start3A_333] : memref<10240xi32, #tpu.memory_space<vmem_shared>> -> memref<10240xi32, #tpu.memory_space<vmem_shared>>
    tpu.enqueue_indirect_dma source(%dma_start3A_332 : memref<16xi32, #tpu.memory_space<vmem>>) target(%dma_start3A_334 : memref<10240xi32, #tpu.memory_space<vmem_shared>>) offsets(%get3A_330 : vector<16xi32>) semaphore(%arg16 : memref<!tpu.dma_semaphore, #tpu.memory_space<semaphore_mem>>)
    %get3A_335 = arith.constant 144 : index
    %get3A_336 = tpu.vector_load %arg8[%get3A_335] {strides = array<i32>} : memref<640xi32, #tpu.memory_space<vmem>>, vector<16xi32>,
    %dma_start3A_337 = arith.constant 144 : i32
    %dma_start3A_338 = tpu.memref_slice %arg9[%dma_start3A_337] : memref<640xi32, #tpu.memory_space<vmem>> -> memref<16xi32, #tpu.memory_space<vmem>>
    %dma_start3A_339 = arith.constant 0 : i32
    %dma_start3A_340 = tpu.memref_slice %arg14[%dma_start3A_339] : memref<10240xi32, #tpu.memory_space<vmem_shared>> -> memref<10240xi32, #tpu.memory_space<vmem_shared>>
    tpu.enqueue_indirect_dma source(%dma_start3A_338 : memref<16xi32, #tpu.memory_space<vmem>>) target(%dma_start3A_340 : memref<10240xi32, #tpu.memory_space<vmem_shared>>) offsets(%get3A_336 : vector<16xi32>) semaphore(%arg16 : memref<!tpu.dma_semaphore, #tpu.memory_space<semaphore_mem>>)
    %get3A_341 = arith.constant 160 : index
    %get3A_342 = tpu.vector_load %arg8[%get3A_341] {strides = array<i32>} : memref<640xi32, #tpu.memory_space<vmem>>, vector<16xi32>,
    %dma_start3A_343 = arith.constant 160 : i32
    %dma_start3A_344 = tpu.memref_slice %arg9[%dma_start3A_343] : memref<640xi32, #tpu.memory_space<vmem>> -> memref<16xi32, #tpu.memory_space<vmem>>
    %dma_start3A_345 = arith.constant 0 : i32
    %dma_start3A_346 = tpu.memref_slice %arg14[%dma_start3A_345] : memref<10240xi32, #tpu.memory_space<vmem_shared>> -> memref<10240xi32, #tpu.memory_space<vmem_shared>>
    tpu.enqueue_indirect_dma source(%dma_start3A_344 : memref<16xi32, #tpu.memory_space<vmem>>) target(%dma_start3A_346 : memref<10240xi32, #tpu.memory_space<vmem_shared>>) offsets(%get3A_342 : vector<16xi32>) semaphore(%arg16 : memref<!tpu.dma_semaphore, #tpu.memory_space<semaphore_mem>>)
    %get3A_347 = arith.constant 176 : index
    %get3A_348 = tpu.vector_load %arg8[%get3A_347] {strides = array<i32>} : memref<640xi32, #tpu.memory_space<vmem>>, vector<16xi32>,
    %dma_start3A_349 = arith.constant 176 : i32
    %dma_start3A_350 = tpu.memref_slice %arg9[%dma_start3A_349] : memref<640xi32, #tpu.memory_space<vmem>> -> memref<16xi32, #tpu.memory_space<vmem>>
    %dma_start3A_351 = arith.constant 0 : i32
    %dma_start3A_352 = tpu.memref_slice %arg14[%dma_start3A_351] : memref<10240xi32, #tpu.memory_space<vmem_shared>> -> memref<10240xi32, #tpu.memory_space<vmem_shared>>
    tpu.enqueue_indirect_dma source(%dma_start3A_350 : memref<16xi32, #tpu.memory_space<vmem>>) target(%dma_start3A_352 : memref<10240xi32, #tpu.memory_space<vmem_shared>>) offsets(%get3A_348 : vector<16xi32>) semaphore(%arg16 : memref<!tpu.dma_semaphore, #tpu.memory_space<semaphore_mem>>)
    %get3A_353 = arith.constant 192 : index
    %get3A_354 = tpu.vector_load %arg8[%get3A_353] {strides = array<i32>} : memref<640xi32, #tpu.memory_space<vmem>>, vector<16xi32>,
    %dma_start3A_355 = arith.constant 192 : i32
    %dma_start3A_356 = tpu.memref_slice %arg9[%dma_start3A_355] : memref<640xi32, #tpu.memory_space<vmem>> -> memref<16xi32, #tpu.memory_space<vmem>>
    %dma_start3A_357 = arith.constant 0 : i32
    %dma_start3A_358 = tpu.memref_slice %arg14[%dma_start3A_357] : memref<10240xi32, #tpu.memory_space<vmem_shared>> -> memref<10240xi32, #tpu.memory_space<vmem_shared>>
    tpu.enqueue_indirect_dma source(%dma_start3A_356 : memref<16xi32, #tpu.memory_space<vmem>>) target(%dma_start3A_358 : memref<10240xi32, #tpu.memory_space<vmem_shared>>) offsets(%get3A_354 : vector<16xi32>) semaphore(%arg16 : memref<!tpu.dma_semaphore, #tpu.memory_space<semaphore_mem>>)
    %get3A_359 = arith.constant 208 : index
    %get3A_360 = tpu.vector_load %arg8[%get3A_359] {strides = array<i32>} : memref<640xi32, #tpu.memory_space<vmem>>, vector<16xi32>,
    %dma_start3A_361 = arith.constant 208 : i32
    %dma_start3A_362 = tpu.memref_slice %arg9[%dma_start3A_361] : memref<640xi32, #tpu.memory_space<vmem>> -> memref<16xi32, #tpu.memory_space<vmem>>
    %dma_start3A_363 = arith.constant 0 : i32
    %dma_start3A_364 = tpu.memref_slice %arg14[%dma_start3A_363] : memref<10240xi32, #tpu.memory_space<vmem_shared>> -> memref<10240xi32, #tpu.memory_space<vmem_shared>>
    tpu.enqueue_indirect_dma source(%dma_start3A_362 : memref<16xi32, #tpu.memory_space<vmem>>) target(%dma_start3A_364 : memref<10240xi32, #tpu.memory_space<vmem_shared>>) offsets(%get3A_360 : vector<16xi32>) semaphore(%arg16 : memref<!tpu.dma_semaphore, #tpu.memory_space<semaphore_mem>>)
    %get3A_365 = arith.constant 224 : index
    %get3A_366 = tpu.vector_load %arg8[%get3A_365] {strides = array<i32>} : memref<640xi32, #tpu.memory_space<vmem>>, vector<16xi32>,
    %dma_start3A_367 = arith.constant 224 : i32
    %dma_start3A_368 = tpu.memref_slice %arg9[%dma_start3A_367] : memref<640xi32, #tpu.memory_space<vmem>> -> memref<16xi32, #tpu.memory_space<vmem>>
    %dma_start3A_369 = arith.constant 0 : i32
    %dma_start3A_370 = tpu.memref_slice %arg14[%dma_start3A_369] : memref<10240xi32, #tpu.memory_space<vmem_shared>> -> memref<10240xi32, #tpu.memory_space<vmem_shared>>
    tpu.enqueue_indirect_dma source(%dma_start3A_368 : memref<16xi32, #tpu.memory_space<vmem>>) target(%dma_start3A_370 : memref<10240xi32, #tpu.memory_space<vmem_shared>>) offsets(%get3A_366 : vector<16xi32>) semaphore(%arg16 : memref<!tpu.dma_semaphore, #tpu.memory_space<semaphore_mem>>)
    %get3A_371 = arith.constant 240 : index
    %get3A_372 = tpu.vector_load %arg8[%get3A_371] {strides = array<i32>} : memref<640xi32, #tpu.memory_space<vmem>>, vector<16xi32>,
    %dma_start3A_373 = arith.constant 240 : i32
    %dma_start3A_374 = tpu.memref_slice %arg9[%dma_start3A_373] : memref<640xi32, #tpu.memory_space<vmem>> -> memref<16xi32, #tpu.memory_space<vmem>>
    %dma_start3A_375 = arith.constant 0 : i32
    %dma_start3A_376 = tpu.memref_slice %arg14[%dma_start3A_375] : memref<10240xi32, #tpu.memory_space<vmem_shared>> -> memref<10240xi32, #tpu.memory_space<vmem_shared>>
    tpu.enqueue_indirect_dma source(%dma_start3A_374 : memref<16xi32, #tpu.memory_space<vmem>>) target(%dma_start3A_376 : memref<10240xi32, #tpu.memory_space<vmem_shared>>) offsets(%get3A_372 : vector<16xi32>) semaphore(%arg16 : memref<!tpu.dma_semaphore, #tpu.memory_space<semaphore_mem>>)
    %get3A_377 = arith.constant 256 : index
    %get3A_378 = tpu.vector_load %arg8[%get3A_377] {strides = array<i32>} : memref<640xi32, #tpu.memory_space<vmem>>, vector<16xi32>,
    %dma_start3A_379 = arith.constant 256 : i32
    %dma_start3A_380 = tpu.memref_slice %arg9[%dma_start3A_379] : memref<640xi32, #tpu.memory_space<vmem>> -> memref<16xi32, #tpu.memory_space<vmem>>
    %dma_start3A_381 = arith.constant 0 : i32
    %dma_start3A_382 = tpu.memref_slice %arg14[%dma_start3A_381] : memref<10240xi32, #tpu.memory_space<vmem_shared>> -> memref<10240xi32, #tpu.memory_space<vmem_shared>>
    tpu.enqueue_indirect_dma source(%dma_start3A_380 : memref<16xi32, #tpu.memory_space<vmem>>) target(%dma_start3A_382 : memref<10240xi32, #tpu.memory_space<vmem_shared>>) offsets(%get3A_378 : vector<16xi32>) semaphore(%arg16 : memref<!tpu.dma_semaphore, #tpu.memory_space<semaphore_mem>>)
    %get3A_383 = arith.constant 272 : index
    %get3A_384 = tpu.vector_load %arg8[%get3A_383] {strides = array<i32>} : memref<640xi32, #tpu.memory_space<vmem>>, vector<16xi32>,
    %dma_start3A_385 = arith.constant 272 : i32
    %dma_start3A_386 = tpu.memref_slice %arg9[%dma_start3A_385] : memref<640xi32, #tpu.memory_space<vmem>> -> memref<16xi32, #tpu.memory_space<vmem>>
    %dma_start3A_387 = arith.constant 0 : i32
    %dma_start3A_388 = tpu.memref_slice %arg14[%dma_start3A_387] : memref<10240xi32, #tpu.memory_space<vmem_shared>> -> memref<10240xi32, #tpu.memory_space<vmem_shared>>
    tpu.enqueue_indirect_dma source(%dma_start3A_386 : memref<16xi32, #tpu.memory_space<vmem>>) target(%dma_start3A_388 : memref<10240xi32, #tpu.memory_space<vmem_shared>>) offsets(%get3A_384 : vector<16xi32>) semaphore(%arg16 : memref<!tpu.dma_semaphore, #tpu.memory_space<semaphore_mem>>)
    %get3A_389 = arith.constant 288 : index
    %get3A_390 = tpu.vector_load %arg8[%get3A_389] {strides = array<i32>} : memref<640xi32, #tpu.memory_space<vmem>>, vector<16xi32>,
    %dma_start3A_391 = arith.constant 288 : i32
    %dma_start3A_392 = tpu.memref_slice %arg9[%dma_start3A_391] : memref<640xi32, #tpu.memory_space<vmem>> -> memref<16xi32, #tpu.memory_space<vmem>>
    %dma_start3A_393 = arith.constant 0 : i32
    %dma_start3A_394 = tpu.memref_slice %arg14[%dma_start3A_393] : memref<10240xi32, #tpu.memory_space<vmem_shared>> -> memref<10240xi32, #tpu.memory_space<vmem_shared>>
    tpu.enqueue_indirect_dma source(%dma_start3A_392 : memref<16xi32, #tpu.memory_space<vmem>>) target(%dma_start3A_394 : memref<10240xi32, #tpu.memory_space<vmem_shared>>) offsets(%get3A_390 : vector<16xi32>) semaphore(%arg16 : memref<!tpu.dma_semaphore, #tpu.memory_space<semaphore_mem>>)
    %get3A_395 = arith.constant 304 : index
    %get3A_396 = tpu.vector_load %arg8[%get3A_395] {strides = array<i32>} : memref<640xi32, #tpu.memory_space<vmem>>, vector<16xi32>,
    %dma_start3A_397 = arith.constant 304 : i32
    %dma_start3A_398 = tpu.memref_slice %arg9[%dma_start3A_397] : memref<640xi32, #tpu.memory_space<vmem>> -> memref<16xi32, #tpu.memory_space<vmem>>
    %dma_start3A_399 = arith.constant 0 : i32
    %dma_start3A_400 = tpu.memref_slice %arg14[%dma_start3A_399] : memref<10240xi32, #tpu.memory_space<vmem_shared>> -> memref<10240xi32, #tpu.memory_space<vmem_shared>>
    tpu.enqueue_indirect_dma source(%dma_start3A_398 : memref<16xi32, #tpu.memory_space<vmem>>) target(%dma_start3A_400 : memref<10240xi32, #tpu.memory_space<vmem_shared>>) offsets(%get3A_396 : vector<16xi32>) semaphore(%arg16 : memref<!tpu.dma_semaphore, #tpu.memory_space<semaphore_mem>>)
    %get3A_401 = arith.constant 320 : index
    %get3A_402 = tpu.vector_load %arg8[%get3A_401] {strides = array<i32>} : memref<640xi32, #tpu.memory_space<vmem>>, vector<16xi32>,
    %dma_start3A_403 = arith.constant 320 : i32
    %dma_start3A_404 = tpu.memref_slice %arg9[%dma_start3A_403] : memref<640xi32, #tpu.memory_space<vmem>> -> memref<16xi32, #tpu.memory_space<vmem>>
    %dma_start3A_405 = arith.constant 0 : i32
    %dma_start3A_406 = tpu.memref_slice %arg14[%dma_start3A_405] : memref<10240xi32, #tpu.memory_space<vmem_shared>> -> memref<10240xi32, #tpu.memory_space<vmem_shared>>
    tpu.enqueue_indirect_dma source(%dma_start3A_404 : memref<16xi32, #tpu.memory_space<vmem>>) target(%dma_start3A_406 : memref<10240xi32, #tpu.memory_space<vmem_shared>>) offsets(%get3A_402 : vector<16xi32>) semaphore(%arg16 : memref<!tpu.dma_semaphore, #tpu.memory_space<semaphore_mem>>)
    %get3A_407 = arith.constant 336 : index
    %get3A_408 = tpu.vector_load %arg8[%get3A_407] {strides = array<i32>} : memref<640xi32, #tpu.memory_space<vmem>>, vector<16xi32>,
    %dma_start3A_409 = arith.constant 336 : i32
    %dma_start3A_410 = tpu.memref_slice %arg9[%dma_start3A_409] : memref<640xi32, #tpu.memory_space<vmem>> -> memref<16xi32, #tpu.memory_space<vmem>>
    %dma_start3A_411 = arith.constant 0 : i32
    %dma_start3A_412 = tpu.memref_slice %arg14[%dma_start3A_411] : memref<10240xi32, #tpu.memory_space<vmem_shared>> -> memref<10240xi32, #tpu.memory_space<vmem_shared>>
    tpu.enqueue_indirect_dma source(%dma_start3A_410 : memref<16xi32, #tpu.memory_space<vmem>>) target(%dma_start3A_412 : memref<10240xi32, #tpu.memory_space<vmem_shared>>) offsets(%get3A_408 : vector<16xi32>) semaphore(%arg16 : memref<!tpu.dma_semaphore, #tpu.memory_space<semaphore_mem>>)
    %get3A_413 = arith.constant 352 : index
    %get3A_414 = tpu.vector_load %arg8[%get3A_413] {strides = array<i32>} : memref<640xi32, #tpu.memory_space<vmem>>, vector<16xi32>,
    %dma_start3A_415 = arith.constant 352 : i32
    %dma_start3A_416 = tpu.memref_slice %arg9[%dma_start3A_415] : memref<640xi32, #tpu.memory_space<vmem>> -> memref<16xi32, #tpu.memory_space<vmem>>
    %dma_start3A_417 = arith.constant 0 : i32
    %dma_start3A_418 = tpu.memref_slice %arg14[%dma_start3A_417] : memref<10240xi32, #tpu.memory_space<vmem_shared>> -> memref<10240xi32, #tpu.memory_space<vmem_shared>>
    tpu.enqueue_indirect_dma source(%dma_start3A_416 : memref<16xi32, #tpu.memory_space<vmem>>) target(%dma_start3A_418 : memref<10240xi32, #tpu.memory_space<vmem_shared>>) offsets(%get3A_414 : vector<16xi32>) semaphore(%arg16 : memref<!tpu.dma_semaphore, #tpu.memory_space<semaphore_mem>>)
    %get3A_419 = arith.constant 368 : index
    %get3A_420 = tpu.vector_load %arg8[%get3A_419] {strides = array<i32>} : memref<640xi32, #tpu.memory_space<vmem>>, vector<16xi32>,
    %dma_start3A_421 = arith.constant 368 : i32
    %dma_start3A_422 = tpu.memref_slice %arg9[%dma_start3A_421] : memref<640xi32, #tpu.memory_space<vmem>> -> memref<16xi32, #tpu.memory_space<vmem>>
    %dma_start3A_423 = arith.constant 0 : i32
    %dma_start3A_424 = tpu.memref_slice %arg14[%dma_start3A_423] : memref<10240xi32, #tpu.memory_space<vmem_shared>> -> memref<10240xi32, #tpu.memory_space<vmem_shared>>
    tpu.enqueue_indirect_dma source(%dma_start3A_422 : memref<16xi32, #tpu.memory_space<vmem>>) target(%dma_start3A_424 : memref<10240xi32, #tpu.memory_space<vmem_shared>>) offsets(%get3A_420 : vector<16xi32>) semaphore(%arg16 : memref<!tpu.dma_semaphore, #tpu.memory_space<semaphore_mem>>)
    %get3A_425 = arith.constant 384 : index
    %get3A_426 = tpu.vector_load %arg8[%get3A_425] {strides = array<i32>} : memref<640xi32, #tpu.memory_space<vmem>>, vector<16xi32>,
    %dma_start3A_427 = arith.constant 384 : i32
    %dma_start3A_428 = tpu.memref_slice %arg9[%dma_start3A_427] : memref<640xi32, #tpu.memory_space<vmem>> -> memref<16xi32, #tpu.memory_space<vmem>>
    %dma_start3A_429 = arith.constant 0 : i32
    %dma_start3A_430 = tpu.memref_slice %arg14[%dma_start3A_429] : memref<10240xi32, #tpu.memory_space<vmem_shared>> -> memref<10240xi32, #tpu.memory_space<vmem_shared>>
    tpu.enqueue_indirect_dma source(%dma_start3A_428 : memref<16xi32, #tpu.memory_space<vmem>>) target(%dma_start3A_430 : memref<10240xi32, #tpu.memory_space<vmem_shared>>) offsets(%get3A_426 : vector<16xi32>) semaphore(%arg16 : memref<!tpu.dma_semaphore, #tpu.memory_space<semaphore_mem>>)
    %get3A_431 = arith.constant 400 : index
    %get3A_432 = tpu.vector_load %arg8[%get3A_431] {strides = array<i32>} : memref<640xi32, #tpu.memory_space<vmem>>, vector<16xi32>,
    %dma_start3A_433 = arith.constant 400 : i32
    %dma_start3A_434 = tpu.memref_slice %arg9[%dma_start3A_433] : memref<640xi32, #tpu.memory_space<vmem>> -> memref<16xi32, #tpu.memory_space<vmem>>
    %dma_start3A_435 = arith.constant 0 : i32
    %dma_start3A_436 = tpu.memref_slice %arg14[%dma_start3A_435] : memref<10240xi32, #tpu.memory_space<vmem_shared>> -> memref<10240xi32, #tpu.memory_space<vmem_shared>>
    tpu.enqueue_indirect_dma source(%dma_start3A_434 : memref<16xi32, #tpu.memory_space<vmem>>) target(%dma_start3A_436 : memref<10240xi32, #tpu.memory_space<vmem_shared>>) offsets(%get3A_432 : vector<16xi32>) semaphore(%arg16 : memref<!tpu.dma_semaphore, #tpu.memory_space<semaphore_mem>>)
    %get3A_437 = arith.constant 416 : index
    %get3A_438 = tpu.vector_load %arg8[%get3A_437] {strides = array<i32>} : memref<640xi32, #tpu.memory_space<vmem>>, vector<16xi32>,
    %dma_start3A_439 = arith.constant 416 : i32
    %dma_start3A_440 = tpu.memref_slice %arg9[%dma_start3A_439] : memref<640xi32, #tpu.memory_space<vmem>> -> memref<16xi32, #tpu.memory_space<vmem>>
    %dma_start3A_441 = arith.constant 0 : i32
    %dma_start3A_442 = tpu.memref_slice %arg14[%dma_start3A_441] : memref<10240xi32, #tpu.memory_space<vmem_shared>> -> memref<10240xi32, #tpu.memory_space<vmem_shared>>
    tpu.enqueue_indirect_dma source(%dma_start3A_440 : memref<16xi32, #tpu.memory_space<vmem>>) target(%dma_start3A_442 : memref<10240xi32, #tpu.memory_space<vmem_shared>>) offsets(%get3A_438 : vector<16xi32>) semaphore(%arg16 : memref<!tpu.dma_semaphore, #tpu.memory_space<semaphore_mem>>)
    %get3A_443 = arith.constant 432 : index
    %get3A_444 = tpu.vector_load %arg8[%get3A_443] {strides = array<i32>} : memref<640xi32, #tpu.memory_space<vmem>>, vector<16xi32>,
    %dma_start3A_445 = arith.constant 432 : i32
    %dma_start3A_446 = tpu.memref_slice %arg9[%dma_start3A_445] : memref<640xi32, #tpu.memory_space<vmem>> -> memref<16xi32, #tpu.memory_space<vmem>>
    %dma_start3A_447 = arith.constant 0 : i32
    %dma_start3A_448 = tpu.memref_slice %arg14[%dma_start3A_447] : memref<10240xi32, #tpu.memory_space<vmem_shared>> -> memref<10240xi32, #tpu.memory_space<vmem_shared>>
    tpu.enqueue_indirect_dma source(%dma_start3A_446 : memref<16xi32, #tpu.memory_space<vmem>>) target(%dma_start3A_448 : memref<10240xi32, #tpu.memory_space<vmem_shared>>) offsets(%get3A_444 : vector<16xi32>) semaphore(%arg16 : memref<!tpu.dma_semaphore, #tpu.memory_space<semaphore_mem>>)
    %get3A_449 = arith.constant 448 : index
    %get3A_450 = tpu.vector_load %arg8[%get3A_449] {strides = array<i32>} : memref<640xi32, #tpu.memory_space<vmem>>, vector<16xi32>,
    %dma_start3A_451 = arith.constant 448 : i32
    %dma_start3A_452 = tpu.memref_slice %arg9[%dma_start3A_451] : memref<640xi32, #tpu.memory_space<vmem>> -> memref<16xi32, #tpu.memory_space<vmem>>
    %dma_start3A_453 = arith.constant 0 : i32
    %dma_start3A_454 = tpu.memref_slice %arg14[%dma_start3A_453] : memref<10240xi32, #tpu.memory_space<vmem_shared>> -> memref<10240xi32, #tpu.memory_space<vmem_shared>>
    tpu.enqueue_indirect_dma source(%dma_start3A_452 : memref<16xi32, #tpu.memory_space<vmem>>) target(%dma_start3A_454 : memref<10240xi32, #tpu.memory_space<vmem_shared>>) offsets(%get3A_450 : vector<16xi32>) semaphore(%arg16 : memref<!tpu.dma_semaphore, #tpu.memory_space<semaphore_mem>>)
    %get3A_455 = arith.constant 464 : index
    %get3A_456 = tpu.vector_load %arg8[%get3A_455] {strides = array<i32>} : memref<640xi32, #tpu.memory_space<vmem>>, vector<16xi32>,
    %dma_start3A_457 = arith.constant 464 : i32
    %dma_start3A_458 = tpu.memref_slice %arg9[%dma_start3A_457] : memref<640xi32, #tpu.memory_space<vmem>> -> memref<16xi32, #tpu.memory_space<vmem>>
    %dma_start3A_459 = arith.constant 0 : i32
    %dma_start3A_460 = tpu.memref_slice %arg14[%dma_start3A_459] : memref<10240xi32, #tpu.memory_space<vmem_shared>> -> memref<10240xi32, #tpu.memory_space<vmem_shared>>
    tpu.enqueue_indirect_dma source(%dma_start3A_458 : memref<16xi32, #tpu.memory_space<vmem>>) target(%dma_start3A_460 : memref<10240xi32, #tpu.memory_space<vmem_shared>>) offsets(%get3A_456 : vector<16xi32>) semaphore(%arg16 : memref<!tpu.dma_semaphore, #tpu.memory_space<semaphore_mem>>)
    %get3A_461 = arith.constant 480 : index
    %get3A_462 = tpu.vector_load %arg8[%get3A_461] {strides = array<i32>} : memref<640xi32, #tpu.memory_space<vmem>>, vector<16xi32>,
    %dma_start3A_463 = arith.constant 480 : i32
    %dma_start3A_464 = tpu.memref_slice %arg9[%dma_start3A_463] : memref<640xi32, #tpu.memory_space<vmem>> -> memref<16xi32, #tpu.memory_space<vmem>>
    %dma_start3A_465 = arith.constant 0 : i32
    %dma_start3A_466 = tpu.memref_slice %arg14[%dma_start3A_465] : memref<10240xi32, #tpu.memory_space<vmem_shared>> -> memref<10240xi32, #tpu.memory_space<vmem_shared>>
    tpu.enqueue_indirect_dma source(%dma_start3A_464 : memref<16xi32, #tpu.memory_space<vmem>>) target(%dma_start3A_466 : memref<10240xi32, #tpu.memory_space<vmem_shared>>) offsets(%get3A_462 : vector<16xi32>) semaphore(%arg16 : memref<!tpu.dma_semaphore, #tpu.memory_space<semaphore_mem>>)
    %get3A_467 = arith.constant 496 : index
    %get3A_468 = tpu.vector_load %arg8[%get3A_467] {strides = array<i32>} : memref<640xi32, #tpu.memory_space<vmem>>, vector<16xi32>,
    %dma_start3A_469 = arith.constant 496 : i32
    %dma_start3A_470 = tpu.memref_slice %arg9[%dma_start3A_469] : memref<640xi32, #tpu.memory_space<vmem>> -> memref<16xi32, #tpu.memory_space<vmem>>
    %dma_start3A_471 = arith.constant 0 : i32
    %dma_start3A_472 = tpu.memref_slice %arg14[%dma_start3A_471] : memref<10240xi32, #tpu.memory_space<vmem_shared>> -> memref<10240xi32, #tpu.memory_space<vmem_shared>>
    tpu.enqueue_indirect_dma source(%dma_start3A_470 : memref<16xi32, #tpu.memory_space<vmem>>) target(%dma_start3A_472 : memref<10240xi32, #tpu.memory_space<vmem_shared>>) offsets(%get3A_468 : vector<16xi32>) semaphore(%arg16 : memref<!tpu.dma_semaphore, #tpu.memory_space<semaphore_mem>>)
    %get3A_473 = arith.constant 512 : index
    %get3A_474 = tpu.vector_load %arg8[%get3A_473] {strides = array<i32>} : memref<640xi32, #tpu.memory_space<vmem>>, vector<16xi32>,
    %dma_start3A_475 = arith.constant 512 : i32
    %dma_start3A_476 = tpu.memref_slice %arg9[%dma_start3A_475] : memref<640xi32, #tpu.memory_space<vmem>> -> memref<16xi32, #tpu.memory_space<vmem>>
    %dma_start3A_477 = arith.constant 0 : i32
    %dma_start3A_478 = tpu.memref_slice %arg14[%dma_start3A_477] : memref<10240xi32, #tpu.memory_space<vmem_shared>> -> memref<10240xi32, #tpu.memory_space<vmem_shared>>
    tpu.enqueue_indirect_dma source(%dma_start3A_476 : memref<16xi32, #tpu.memory_space<vmem>>) target(%dma_start3A_478 : memref<10240xi32, #tpu.memory_space<vmem_shared>>) offsets(%get3A_474 : vector<16xi32>) semaphore(%arg16 : memref<!tpu.dma_semaphore, #tpu.memory_space<semaphore_mem>>)
    %get3A_479 = arith.constant 528 : index
    %get3A_480 = tpu.vector_load %arg8[%get3A_479] {strides = array<i32>} : memref<640xi32, #tpu.memory_space<vmem>>, vector<16xi32>,
    %dma_start3A_481 = arith.constant 528 : i32
    %dma_start3A_482 = tpu.memref_slice %arg9[%dma_start3A_481] : memref<640xi32, #tpu.memory_space<vmem>> -> memref<16xi32, #tpu.memory_space<vmem>>
    %dma_start3A_483 = arith.constant 0 : i32
    %dma_start3A_484 = tpu.memref_slice %arg14[%dma_start3A_483] : memref<10240xi32, #tpu.memory_space<vmem_shared>> -> memref<10240xi32, #tpu.memory_space<vmem_shared>>
    tpu.enqueue_indirect_dma source(%dma_start3A_482 : memref<16xi32, #tpu.memory_space<vmem>>) target(%dma_start3A_484 : memref<10240xi32, #tpu.memory_space<vmem_shared>>) offsets(%get3A_480 : vector<16xi32>) semaphore(%arg16 : memref<!tpu.dma_semaphore, #tpu.memory_space<semaphore_mem>>)
    %get3A_485 = arith.constant 544 : index
    %get3A_486 = tpu.vector_load %arg8[%get3A_485] {strides = array<i32>} : memref<640xi32, #tpu.memory_space<vmem>>, vector<16xi32>,
    %dma_start3A_487 = arith.constant 544 : i32
    %dma_start3A_488 = tpu.memref_slice %arg9[%dma_start3A_487] : memref<640xi32, #tpu.memory_space<vmem>> -> memref<16xi32, #tpu.memory_space<vmem>>
    %dma_start3A_489 = arith.constant 0 : i32
    %dma_start3A_490 = tpu.memref_slice %arg14[%dma_start3A_489] : memref<10240xi32, #tpu.memory_space<vmem_shared>> -> memref<10240xi32, #tpu.memory_space<vmem_shared>>
    tpu.enqueue_indirect_dma source(%dma_start3A_488 : memref<16xi32, #tpu.memory_space<vmem>>) target(%dma_start3A_490 : memref<10240xi32, #tpu.memory_space<vmem_shared>>) offsets(%get3A_486 : vector<16xi32>) semaphore(%arg16 : memref<!tpu.dma_semaphore, #tpu.memory_space<semaphore_mem>>)
    %get3A_491 = arith.constant 560 : index
    %get3A_492 = tpu.vector_load %arg8[%get3A_491] {strides = array<i32>} : memref<640xi32, #tpu.memory_space<vmem>>, vector<16xi32>,
    %dma_start3A_493 = arith.constant 560 : i32
    %dma_start3A_494 = tpu.memref_slice %arg9[%dma_start3A_493] : memref<640xi32, #tpu.memory_space<vmem>> -> memref<16xi32, #tpu.memory_space<vmem>>
    %dma_start3A_495 = arith.constant 0 : i32
    %dma_start3A_496 = tpu.memref_slice %arg14[%dma_start3A_495] : memref<10240xi32, #tpu.memory_space<vmem_shared>> -> memref<10240xi32, #tpu.memory_space<vmem_shared>>
    tpu.enqueue_indirect_dma source(%dma_start3A_494 : memref<16xi32, #tpu.memory_space<vmem>>) target(%dma_start3A_496 : memref<10240xi32, #tpu.memory_space<vmem_shared>>) offsets(%get3A_492 : vector<16xi32>) semaphore(%arg16 : memref<!tpu.dma_semaphore, #tpu.memory_space<semaphore_mem>>)
    %get3A_497 = arith.constant 576 : index
    %get3A_498 = tpu.vector_load %arg8[%get3A_497] {strides = array<i32>} : memref<640xi32, #tpu.memory_space<vmem>>, vector<16xi32>,
    %dma_start3A_499 = arith.constant 576 : i32
    %dma_start3A_500 = tpu.memref_slice %arg9[%dma_start3A_499] : memref<640xi32, #tpu.memory_space<vmem>> -> memref<16xi32, #tpu.memory_space<vmem>>
    %dma_start3A_501 = arith.constant 0 : i32
    %dma_start3A_502 = tpu.memref_slice %arg14[%dma_start3A_501] : memref<10240xi32, #tpu.memory_space<vmem_shared>> -> memref<10240xi32, #tpu.memory_space<vmem_shared>>
    tpu.enqueue_indirect_dma source(%dma_start3A_500 : memref<16xi32, #tpu.memory_space<vmem>>) target(%dma_start3A_502 : memref<10240xi32, #tpu.memory_space<vmem_shared>>) offsets(%get3A_498 : vector<16xi32>) semaphore(%arg16 : memref<!tpu.dma_semaphore, #tpu.memory_space<semaphore_mem>>)
    %get3A_503 = arith.constant 592 : index
    %get3A_504 = tpu.vector_load %arg8[%get3A_503] {strides = array<i32>} : memref<640xi32, #tpu.memory_space<vmem>>, vector<16xi32>,
    %dma_start3A_505 = arith.constant 592 : i32
    %dma_start3A_506 = tpu.memref_slice %arg9[%dma_start3A_505] : memref<640xi32, #tpu.memory_space<vmem>> -> memref<16xi32, #tpu.memory_space<vmem>>
    %dma_start3A_507 = arith.constant 0 : i32
    %dma_start3A_508 = tpu.memref_slice %arg14[%dma_start3A_507] : memref<10240xi32, #tpu.memory_space<vmem_shared>> -> memref<10240xi32, #tpu.memory_space<vmem_shared>>
    tpu.enqueue_indirect_dma source(%dma_start3A_506 : memref<16xi32, #tpu.memory_space<vmem>>) target(%dma_start3A_508 : memref<10240xi32, #tpu.memory_space<vmem_shared>>) offsets(%get3A_504 : vector<16xi32>) semaphore(%arg16 : memref<!tpu.dma_semaphore, #tpu.memory_space<semaphore_mem>>)
    %get3A_509 = arith.constant 608 : index
    %get3A_510 = tpu.vector_load %arg8[%get3A_509] {strides = array<i32>} : memref<640xi32, #tpu.memory_space<vmem>>, vector<16xi32>,
    %dma_start3A_511 = arith.constant 608 : i32
    %dma_start3A_512 = tpu.memref_slice %arg9[%dma_start3A_511] : memref<640xi32, #tpu.memory_space<vmem>> -> memref<16xi32, #tpu.memory_space<vmem>>
    %dma_start3A_513 = arith.constant 0 : i32
    %dma_start3A_514 = tpu.memref_slice %arg14[%dma_start3A_513] : memref<10240xi32, #tpu.memory_space<vmem_shared>> -> memref<10240xi32, #tpu.memory_space<vmem_shared>>
    tpu.enqueue_indirect_dma source(%dma_start3A_512 : memref<16xi32, #tpu.memory_space<vmem>>) target(%dma_start3A_514 : memref<10240xi32, #tpu.memory_space<vmem_shared>>) offsets(%get3A_510 : vector<16xi32>) semaphore(%arg16 : memref<!tpu.dma_semaphore, #tpu.memory_space<semaphore_mem>>)
    %get3A_515 = arith.constant 624 : index
    %get3A_516 = tpu.vector_load %arg8[%get3A_515] {strides = array<i32>} : memref<640xi32, #tpu.memory_space<vmem>>, vector<16xi32>,
    %dma_start3A_517 = arith.constant 624 : i32
    %dma_start3A_518 = tpu.memref_slice %arg9[%dma_start3A_517] : memref<640xi32, #tpu.memory_space<vmem>> -> memref<16xi32, #tpu.memory_space<vmem>>
    %dma_start3A_519 = arith.constant 0 : i32
    %dma_start3A_520 = tpu.memref_slice %arg14[%dma_start3A_519] : memref<10240xi32, #tpu.memory_space<vmem_shared>> -> memref<10240xi32, #tpu.memory_space<vmem_shared>>
    tpu.enqueue_indirect_dma source(%dma_start3A_518 : memref<16xi32, #tpu.memory_space<vmem>>) target(%dma_start3A_520 : memref<10240xi32, #tpu.memory_space<vmem_shared>>) offsets(%get3A_516 : vector<16xi32>) semaphore(%arg16 : memref<!tpu.dma_semaphore, #tpu.memory_space<semaphore_mem>>)
    %get3A_521 = arith.constant 0 : index
    %get3A_522 = tpu.vector_load %arg8[%get3A_521] {strides = array<i32>} : memref<640xi32, #tpu.memory_space<vmem>>, vector<16xi32>,
    %dma_wait3A = arith.constant 0 : i32
    %dma_wait3A_523 = tpu.memref_slice %arg9[%dma_wait3A] : memref<640xi32, #tpu.memory_space<vmem>> -> memref<16xi32, #tpu.memory_space<vmem>>
    %dma_wait3A_524 = arith.constant 0 : i32
    %dma_wait3A_525 = tpu.memref_slice %arg14[%dma_wait3A_524] : memref<10240xi32, #tpu.memory_space<vmem_shared>> -> memref<10240xi32, #tpu.memory_space<vmem_shared>>
    tpu.wait_indirect_dma semaphore(%arg16 : memref<!tpu.dma_semaphore, #tpu.memory_space<semaphore_mem>>) src(%dma_wait3A_523 : memref<16xi32, #tpu.memory_space<vmem>>) dst(%dma_wait3A_525 : memref<10240xi32, #tpu.memory_space<vmem_shared>>)
    %get3A_526 = arith.constant 16 : index
    %get3A_527 = tpu.vector_load %arg8[%get3A_526] {strides = array<i32>} : memref<640xi32, #tpu.memory_space<vmem>>, vector<16xi32>,
    %dma_wait3A_528 = arith.constant 16 : i32
    %dma_wait3A_529 = tpu.memref_slice %arg9[%dma_wait3A_528] : memref<640xi32, #tpu.memory_space<vmem>> -> memref<16xi32, #tpu.memory_space<vmem>>
    %dma_wait3A_530 = arith.constant 0 : i32
    %dma_wait3A_531 = tpu.memref_slice %arg14[%dma_wait3A_530] : memref<10240xi32, #tpu.memory_space<vmem_shared>> -> memref<10240xi32, #tpu.memory_space<vmem_shared>>
    tpu.wait_indirect_dma semaphore(%arg16 : memref<!tpu.dma_semaphore, #tpu.memory_space<semaphore_mem>>) src(%dma_wait3A_529 : memref<16xi32, #tpu.memory_space<vmem>>) dst(%dma_wait3A_531 : memref<10240xi32, #tpu.memory_space<vmem_shared>>)
    %get3A_532 = arith.constant 32 : index
    %get3A_533 = tpu.vector_load %arg8[%get3A_532] {strides = array<i32>} : memref<640xi32, #tpu.memory_space<vmem>>, vector<16xi32>,
    %dma_wait3A_534 = arith.constant 32 : i32
    %dma_wait3A_535 = tpu.memref_slice %arg9[%dma_wait3A_534] : memref<640xi32, #tpu.memory_space<vmem>> -> memref<16xi32, #tpu.memory_space<vmem>>
    %dma_wait3A_536 = arith.constant 0 : i32
    %dma_wait3A_537 = tpu.memref_slice %arg14[%dma_wait3A_536] : memref<10240xi32, #tpu.memory_space<vmem_shared>> -> memref<10240xi32, #tpu.memory_space<vmem_shared>>
    tpu.wait_indirect_dma semaphore(%arg16 : memref<!tpu.dma_semaphore, #tpu.memory_space<semaphore_mem>>) src(%dma_wait3A_535 : memref<16xi32, #tpu.memory_space<vmem>>) dst(%dma_wait3A_537 : memref<10240xi32, #tpu.memory_space<vmem_shared>>)
    %get3A_538 = arith.constant 48 : index
    %get3A_539 = tpu.vector_load %arg8[%get3A_538] {strides = array<i32>} : memref<640xi32, #tpu.memory_space<vmem>>, vector<16xi32>,
    %dma_wait3A_540 = arith.constant 48 : i32
    %dma_wait3A_541 = tpu.memref_slice %arg9[%dma_wait3A_540] : memref<640xi32, #tpu.memory_space<vmem>> -> memref<16xi32, #tpu.memory_space<vmem>>
    %dma_wait3A_542 = arith.constant 0 : i32
    %dma_wait3A_543 = tpu.memref_slice %arg14[%dma_wait3A_542] : memref<10240xi32, #tpu.memory_space<vmem_shared>> -> memref<10240xi32, #tpu.memory_space<vmem_shared>>
    tpu.wait_indirect_dma semaphore(%arg16 : memref<!tpu.dma_semaphore, #tpu.memory_space<semaphore_mem>>) src(%dma_wait3A_541 : memref<16xi32, #tpu.memory_space<vmem>>) dst(%dma_wait3A_543 : memref<10240xi32, #tpu.memory_space<vmem_shared>>)
    %get3A_544 = arith.constant 64 : index
    %get3A_545 = tpu.vector_load %arg8[%get3A_544] {strides = array<i32>} : memref<640xi32, #tpu.memory_space<vmem>>, vector<16xi32>,
    %dma_wait3A_546 = arith.constant 64 : i32
    %dma_wait3A_547 = tpu.memref_slice %arg9[%dma_wait3A_546] : memref<640xi32, #tpu.memory_space<vmem>> -> memref<16xi32, #tpu.memory_space<vmem>>
    %dma_wait3A_548 = arith.constant 0 : i32
    %dma_wait3A_549 = tpu.memref_slice %arg14[%dma_wait3A_548] : memref<10240xi32, #tpu.memory_space<vmem_shared>> -> memref<10240xi32, #tpu.memory_space<vmem_shared>>
    tpu.wait_indirect_dma semaphore(%arg16 : memref<!tpu.dma_semaphore, #tpu.memory_space<semaphore_mem>>) src(%dma_wait3A_547 : memref<16xi32, #tpu.memory_space<vmem>>) dst(%dma_wait3A_549 : memref<10240xi32, #tpu.memory_space<vmem_shared>>)
    %get3A_550 = arith.constant 80 : index
    %get3A_551 = tpu.vector_load %arg8[%get3A_550] {strides = array<i32>} : memref<640xi32, #tpu.memory_space<vmem>>, vector<16xi32>,
    %dma_wait3A_552 = arith.constant 80 : i32
    %dma_wait3A_553 = tpu.memref_slice %arg9[%dma_wait3A_552] : memref<640xi32, #tpu.memory_space<vmem>> -> memref<16xi32, #tpu.memory_space<vmem>>
    %dma_wait3A_554 = arith.constant 0 : i32
    %dma_wait3A_555 = tpu.memref_slice %arg14[%dma_wait3A_554] : memref<10240xi32, #tpu.memory_space<vmem_shared>> -> memref<10240xi32, #tpu.memory_space<vmem_shared>>
    tpu.wait_indirect_dma semaphore(%arg16 : memref<!tpu.dma_semaphore, #tpu.memory_space<semaphore_mem>>) src(%dma_wait3A_553 : memref<16xi32, #tpu.memory_space<vmem>>) dst(%dma_wait3A_555 : memref<10240xi32, #tpu.memory_space<vmem_shared>>)
    %get3A_556 = arith.constant 96 : index
    %get3A_557 = tpu.vector_load %arg8[%get3A_556] {strides = array<i32>} : memref<640xi32, #tpu.memory_space<vmem>>, vector<16xi32>,
    %dma_wait3A_558 = arith.constant 96 : i32
    %dma_wait3A_559 = tpu.memref_slice %arg9[%dma_wait3A_558] : memref<640xi32, #tpu.memory_space<vmem>> -> memref<16xi32, #tpu.memory_space<vmem>>
    %dma_wait3A_560 = arith.constant 0 : i32
    %dma_wait3A_561 = tpu.memref_slice %arg14[%dma_wait3A_560] : memref<10240xi32, #tpu.memory_space<vmem_shared>> -> memref<10240xi32, #tpu.memory_space<vmem_shared>>
    tpu.wait_indirect_dma semaphore(%arg16 : memref<!tpu.dma_semaphore, #tpu.memory_space<semaphore_mem>>) src(%dma_wait3A_559 : memref<16xi32, #tpu.memory_space<vmem>>) dst(%dma_wait3A_561 : memref<10240xi32, #tpu.memory_space<vmem_shared>>)
    %get3A_562 = arith.constant 112 : index
    %get3A_563 = tpu.vector_load %arg8[%get3A_562] {strides = array<i32>} : memref<640xi32, #tpu.memory_space<vmem>>, vector<16xi32>,
    %dma_wait3A_564 = arith.constant 112 : i32
    %dma_wait3A_565 = tpu.memref_slice %arg9[%dma_wait3A_564] : memref<640xi32, #tpu.memory_space<vmem>> -> memref<16xi32, #tpu.memory_space<vmem>>
    %dma_wait3A_566 = arith.constant 0 : i32
    %dma_wait3A_567 = tpu.memref_slice %arg14[%dma_wait3A_566] : memref<10240xi32, #tpu.memory_space<vmem_shared>> -> memref<10240xi32, #tpu.memory_space<vmem_shared>>
    tpu.wait_indirect_dma semaphore(%arg16 : memref<!tpu.dma_semaphore, #tpu.memory_space<semaphore_mem>>) src(%dma_wait3A_565 : memref<16xi32, #tpu.memory_space<vmem>>) dst(%dma_wait3A_567 : memref<10240xi32, #tpu.memory_space<vmem_shared>>)
    %get3A_568 = arith.constant 128 : index
    %get3A_569 = tpu.vector_load %arg8[%get3A_568] {strides = array<i32>} : memref<640xi32, #tpu.memory_space<vmem>>, vector<16xi32>,
    %dma_wait3A_570 = arith.constant 128 : i32
    %dma_wait3A_571 = tpu.memref_slice %arg9[%dma_wait3A_570] : memref<640xi32, #tpu.memory_space<vmem>> -> memref<16xi32, #tpu.memory_space<vmem>>
    %dma_wait3A_572 = arith.constant 0 : i32
    %dma_wait3A_573 = tpu.memref_slice %arg14[%dma_wait3A_572] : memref<10240xi32, #tpu.memory_space<vmem_shared>> -> memref<10240xi32, #tpu.memory_space<vmem_shared>>
    tpu.wait_indirect_dma semaphore(%arg16 : memref<!tpu.dma_semaphore, #tpu.memory_space<semaphore_mem>>) src(%dma_wait3A_571 : memref<16xi32, #tpu.memory_space<vmem>>) dst(%dma_wait3A_573 : memref<10240xi32, #tpu.memory_space<vmem_shared>>)
    %get3A_574 = arith.constant 144 : index
    %get3A_575 = tpu.vector_load %arg8[%get3A_574] {strides = array<i32>} : memref<640xi32, #tpu.memory_space<vmem>>, vector<16xi32>,
    %dma_wait3A_576 = arith.constant 144 : i32
    %dma_wait3A_577 = tpu.memref_slice %arg9[%dma_wait3A_576] : memref<640xi32, #tpu.memory_space<vmem>> -> memref<16xi32, #tpu.memory_space<vmem>>
    %dma_wait3A_578 = arith.constant 0 : i32
    %dma_wait3A_579 = tpu.memref_slice %arg14[%dma_wait3A_578] : memref<10240xi32, #tpu.memory_space<vmem_shared>> -> memref<10240xi32, #tpu.memory_space<vmem_shared>>
    tpu.wait_indirect_dma semaphore(%arg16 : memref<!tpu.dma_semaphore, #tpu.memory_space<semaphore_mem>>) src(%dma_wait3A_577 : memref<16xi32, #tpu.memory_space<vmem>>) dst(%dma_wait3A_579 : memref<10240xi32, #tpu.memory_space<vmem_shared>>)
    %get3A_580 = arith.constant 160 : index
    %get3A_581 = tpu.vector_load %arg8[%get3A_580] {strides = array<i32>} : memref<640xi32, #tpu.memory_space<vmem>>, vector<16xi32>,
    %dma_wait3A_582 = arith.constant 160 : i32
    %dma_wait3A_583 = tpu.memref_slice %arg9[%dma_wait3A_582] : memref<640xi32, #tpu.memory_space<vmem>> -> memref<16xi32, #tpu.memory_space<vmem>>
    %dma_wait3A_584 = arith.constant 0 : i32
    %dma_wait3A_585 = tpu.memref_slice %arg14[%dma_wait3A_584] : memref<10240xi32, #tpu.memory_space<vmem_shared>> -> memref<10240xi32, #tpu.memory_space<vmem_shared>>
    tpu.wait_indirect_dma semaphore(%arg16 : memref<!tpu.dma_semaphore, #tpu.memory_space<semaphore_mem>>) src(%dma_wait3A_583 : memref<16xi32, #tpu.memory_space<vmem>>) dst(%dma_wait3A_585 : memref<10240xi32, #tpu.memory_space<vmem_shared>>)
    %get3A_586 = arith.constant 176 : index
    %get3A_587 = tpu.vector_load %arg8[%get3A_586] {strides = array<i32>} : memref<640xi32, #tpu.memory_space<vmem>>, vector<16xi32>,
    %dma_wait3A_588 = arith.constant 176 : i32
    %dma_wait3A_589 = tpu.memref_slice %arg9[%dma_wait3A_588] : memref<640xi32, #tpu.memory_space<vmem>> -> memref<16xi32, #tpu.memory_space<vmem>>
    %dma_wait3A_590 = arith.constant 0 : i32
    %dma_wait3A_591 = tpu.memref_slice %arg14[%dma_wait3A_590] : memref<10240xi32, #tpu.memory_space<vmem_shared>> -> memref<10240xi32, #tpu.memory_space<vmem_shared>>
    tpu.wait_indirect_dma semaphore(%arg16 : memref<!tpu.dma_semaphore, #tpu.memory_space<semaphore_mem>>) src(%dma_wait3A_589 : memref<16xi32, #tpu.memory_space<vmem>>) dst(%dma_wait3A_591 : memref<10240xi32, #tpu.memory_space<vmem_shared>>)
    %get3A_592 = arith.constant 192 : index
    %get3A_593 = tpu.vector_load %arg8[%get3A_592] {strides = array<i32>} : memref<640xi32, #tpu.memory_space<vmem>>, vector<16xi32>,
    %dma_wait3A_594 = arith.constant 192 : i32
    %dma_wait3A_595 = tpu.memref_slice %arg9[%dma_wait3A_594] : memref<640xi32, #tpu.memory_space<vmem>> -> memref<16xi32, #tpu.memory_space<vmem>>
    %dma_wait3A_596 = arith.constant 0 : i32
    %dma_wait3A_597 = tpu.memref_slice %arg14[%dma_wait3A_596] : memref<10240xi32, #tpu.memory_space<vmem_shared>> -> memref<10240xi32, #tpu.memory_space<vmem_shared>>
    tpu.wait_indirect_dma semaphore(%arg16 : memref<!tpu.dma_semaphore, #tpu.memory_space<semaphore_mem>>) src(%dma_wait3A_595 : memref<16xi32, #tpu.memory_space<vmem>>) dst(%dma_wait3A_597 : memref<10240xi32, #tpu.memory_space<vmem_shared>>)
    %get3A_598 = arith.constant 208 : index
    %get3A_599 = tpu.vector_load %arg8[%get3A_598] {strides = array<i32>} : memref<640xi32, #tpu.memory_space<vmem>>, vector<16xi32>,
    %dma_wait3A_600 = arith.constant 208 : i32
    %dma_wait3A_601 = tpu.memref_slice %arg9[%dma_wait3A_600] : memref<640xi32, #tpu.memory_space<vmem>> -> memref<16xi32, #tpu.memory_space<vmem>>
    %dma_wait3A_602 = arith.constant 0 : i32
    %dma_wait3A_603 = tpu.memref_slice %arg14[%dma_wait3A_602] : memref<10240xi32, #tpu.memory_space<vmem_shared>> -> memref<10240xi32, #tpu.memory_space<vmem_shared>>
    tpu.wait_indirect_dma semaphore(%arg16 : memref<!tpu.dma_semaphore, #tpu.memory_space<semaphore_mem>>) src(%dma_wait3A_601 : memref<16xi32, #tpu.memory_space<vmem>>) dst(%dma_wait3A_603 : memref<10240xi32, #tpu.memory_space<vmem_shared>>)
    %get3A_604 = arith.constant 224 : index
    %get3A_605 = tpu.vector_load %arg8[%get3A_604] {strides = array<i32>} : memref<640xi32, #tpu.memory_space<vmem>>, vector<16xi32>,
    %dma_wait3A_606 = arith.constant 224 : i32
    %dma_wait3A_607 = tpu.memref_slice %arg9[%dma_wait3A_606] : memref<640xi32, #tpu.memory_space<vmem>> -> memref<16xi32, #tpu.memory_space<vmem>>
    %dma_wait3A_608 = arith.constant 0 : i32
    %dma_wait3A_609 = tpu.memref_slice %arg14[%dma_wait3A_608] : memref<10240xi32, #tpu.memory_space<vmem_shared>> -> memref<10240xi32, #tpu.memory_space<vmem_shared>>
    tpu.wait_indirect_dma semaphore(%arg16 : memref<!tpu.dma_semaphore, #tpu.memory_space<semaphore_mem>>) src(%dma_wait3A_607 : memref<16xi32, #tpu.memory_space<vmem>>) dst(%dma_wait3A_609 : memref<10240xi32, #tpu.memory_space<vmem_shared>>)
    %get3A_610 = arith.constant 240 : index
    %get3A_611 = tpu.vector_load %arg8[%get3A_610] {strides = array<i32>} : memref<640xi32, #tpu.memory_space<vmem>>, vector<16xi32>,
    %dma_wait3A_612 = arith.constant 240 : i32
    %dma_wait3A_613 = tpu.memref_slice %arg9[%dma_wait3A_612] : memref<640xi32, #tpu.memory_space<vmem>> -> memref<16xi32, #tpu.memory_space<vmem>>
    %dma_wait3A_614 = arith.constant 0 : i32
    %dma_wait3A_615 = tpu.memref_slice %arg14[%dma_wait3A_614] : memref<10240xi32, #tpu.memory_space<vmem_shared>> -> memref<10240xi32, #tpu.memory_space<vmem_shared>>
    tpu.wait_indirect_dma semaphore(%arg16 : memref<!tpu.dma_semaphore, #tpu.memory_space<semaphore_mem>>) src(%dma_wait3A_613 : memref<16xi32, #tpu.memory_space<vmem>>) dst(%dma_wait3A_615 : memref<10240xi32, #tpu.memory_space<vmem_shared>>)
    %get3A_616 = arith.constant 256 : index
    %get3A_617 = tpu.vector_load %arg8[%get3A_616] {strides = array<i32>} : memref<640xi32, #tpu.memory_space<vmem>>, vector<16xi32>,
    %dma_wait3A_618 = arith.constant 256 : i32
    %dma_wait3A_619 = tpu.memref_slice %arg9[%dma_wait3A_618] : memref<640xi32, #tpu.memory_space<vmem>> -> memref<16xi32, #tpu.memory_space<vmem>>
    %dma_wait3A_620 = arith.constant 0 : i32
    %dma_wait3A_621 = tpu.memref_slice %arg14[%dma_wait3A_620] : memref<10240xi32, #tpu.memory_space<vmem_shared>> -> memref<10240xi32, #tpu.memory_space<vmem_shared>>
    tpu.wait_indirect_dma semaphore(%arg16 : memref<!tpu.dma_semaphore, #tpu.memory_space<semaphore_mem>>) src(%dma_wait3A_619 : memref<16xi32, #tpu.memory_space<vmem>>) dst(%dma_wait3A_621 : memref<10240xi32, #tpu.memory_space<vmem_shared>>)
    %get3A_622 = arith.constant 272 : index
    %get3A_623 = tpu.vector_load %arg8[%get3A_622] {strides = array<i32>} : memref<640xi32, #tpu.memory_space<vmem>>, vector<16xi32>,
    %dma_wait3A_624 = arith.constant 272 : i32
    %dma_wait3A_625 = tpu.memref_slice %arg9[%dma_wait3A_624] : memref<640xi32, #tpu.memory_space<vmem>> -> memref<16xi32, #tpu.memory_space<vmem>>
    %dma_wait3A_626 = arith.constant 0 : i32
    %dma_wait3A_627 = tpu.memref_slice %arg14[%dma_wait3A_626] : memref<10240xi32, #tpu.memory_space<vmem_shared>> -> memref<10240xi32, #tpu.memory_space<vmem_shared>>
    tpu.wait_indirect_dma semaphore(%arg16 : memref<!tpu.dma_semaphore, #tpu.memory_space<semaphore_mem>>) src(%dma_wait3A_625 : memref<16xi32, #tpu.memory_space<vmem>>) dst(%dma_wait3A_627 : memref<10240xi32, #tpu.memory_space<vmem_shared>>)
    %get3A_628 = arith.constant 288 : index
    %get3A_629 = tpu.vector_load %arg8[%get3A_628] {strides = array<i32>} : memref<640xi32, #tpu.memory_space<vmem>>, vector<16xi32>,
    %dma_wait3A_630 = arith.constant 288 : i32
    %dma_wait3A_631 = tpu.memref_slice %arg9[%dma_wait3A_630] : memref<640xi32, #tpu.memory_space<vmem>> -> memref<16xi32, #tpu.memory_space<vmem>>
    %dma_wait3A_632 = arith.constant 0 : i32
    %dma_wait3A_633 = tpu.memref_slice %arg14[%dma_wait3A_632] : memref<10240xi32, #tpu.memory_space<vmem_shared>> -> memref<10240xi32, #tpu.memory_space<vmem_shared>>
    tpu.wait_indirect_dma semaphore(%arg16 : memref<!tpu.dma_semaphore, #tpu.memory_space<semaphore_mem>>) src(%dma_wait3A_631 : memref<16xi32, #tpu.memory_space<vmem>>) dst(%dma_wait3A_633 : memref<10240xi32, #tpu.memory_space<vmem_shared>>)
    %get3A_634 = arith.constant 304 : index
    %get3A_635 = tpu.vector_load %arg8[%get3A_634] {strides = array<i32>} : memref<640xi32, #tpu.memory_space<vmem>>, vector<16xi32>,
    %dma_wait3A_636 = arith.constant 304 : i32
    %dma_wait3A_637 = tpu.memref_slice %arg9[%dma_wait3A_636] : memref<640xi32, #tpu.memory_space<vmem>> -> memref<16xi32, #tpu.memory_space<vmem>>
    %dma_wait3A_638 = arith.constant 0 : i32
    %dma_wait3A_639 = tpu.memref_slice %arg14[%dma_wait3A_638] : memref<10240xi32, #tpu.memory_space<vmem_shared>> -> memref<10240xi32, #tpu.memory_space<vmem_shared>>
    tpu.wait_indirect_dma semaphore(%arg16 : memref<!tpu.dma_semaphore, #tpu.memory_space<semaphore_mem>>) src(%dma_wait3A_637 : memref<16xi32, #tpu.memory_space<vmem>>) dst(%dma_wait3A_639 : memref<10240xi32, #tpu.memory_space<vmem_shared>>)
    %get3A_640 = arith.constant 320 : index
    %get3A_641 = tpu.vector_load %arg8[%get3A_640] {strides = array<i32>} : memref<640xi32, #tpu.memory_space<vmem>>, vector<16xi32>,
    %dma_wait3A_642 = arith.constant 320 : i32
    %dma_wait3A_643 = tpu.memref_slice %arg9[%dma_wait3A_642] : memref<640xi32, #tpu.memory_space<vmem>> -> memref<16xi32, #tpu.memory_space<vmem>>
    %dma_wait3A_644 = arith.constant 0 : i32
    %dma_wait3A_645 = tpu.memref_slice %arg14[%dma_wait3A_644] : memref<10240xi32, #tpu.memory_space<vmem_shared>> -> memref<10240xi32, #tpu.memory_space<vmem_shared>>
    tpu.wait_indirect_dma semaphore(%arg16 : memref<!tpu.dma_semaphore, #tpu.memory_space<semaphore_mem>>) src(%dma_wait3A_643 : memref<16xi32, #tpu.memory_space<vmem>>) dst(%dma_wait3A_645 : memref<10240xi32, #tpu.memory_space<vmem_shared>>)
    %get3A_646 = arith.constant 336 : index
    %get3A_647 = tpu.vector_load %arg8[%get3A_646] {strides = array<i32>} : memref<640xi32, #tpu.memory_space<vmem>>, vector<16xi32>,
    %dma_wait3A_648 = arith.constant 336 : i32
    %dma_wait3A_649 = tpu.memref_slice %arg9[%dma_wait3A_648] : memref<640xi32, #tpu.memory_space<vmem>> -> memref<16xi32, #tpu.memory_space<vmem>>
    %dma_wait3A_650 = arith.constant 0 : i32
    %dma_wait3A_651 = tpu.memref_slice %arg14[%dma_wait3A_650] : memref<10240xi32, #tpu.memory_space<vmem_shared>> -> memref<10240xi32, #tpu.memory_space<vmem_shared>>
    tpu.wait_indirect_dma semaphore(%arg16 : memref<!tpu.dma_semaphore, #tpu.memory_space<semaphore_mem>>) src(%dma_wait3A_649 : memref<16xi32, #tpu.memory_space<vmem>>) dst(%dma_wait3A_651 : memref<10240xi32, #tpu.memory_space<vmem_shared>>)
    %get3A_652 = arith.constant 352 : index
    %get3A_653 = tpu.vector_load %arg8[%get3A_652] {strides = array<i32>} : memref<640xi32, #tpu.memory_space<vmem>>, vector<16xi32>,
    %dma_wait3A_654 = arith.constant 352 : i32
    %dma_wait3A_655 = tpu.memref_slice %arg9[%dma_wait3A_654] : memref<640xi32, #tpu.memory_space<vmem>> -> memref<16xi32, #tpu.memory_space<vmem>>
    %dma_wait3A_656 = arith.constant 0 : i32
    %dma_wait3A_657 = tpu.memref_slice %arg14[%dma_wait3A_656] : memref<10240xi32, #tpu.memory_space<vmem_shared>> -> memref<10240xi32, #tpu.memory_space<vmem_shared>>
    tpu.wait_indirect_dma semaphore(%arg16 : memref<!tpu.dma_semaphore, #tpu.memory_space<semaphore_mem>>) src(%dma_wait3A_655 : memref<16xi32, #tpu.memory_space<vmem>>) dst(%dma_wait3A_657 : memref<10240xi32, #tpu.memory_space<vmem_shared>>)
    %get3A_658 = arith.constant 368 : index
    %get3A_659 = tpu.vector_load %arg8[%get3A_658] {strides = array<i32>} : memref<640xi32, #tpu.memory_space<vmem>>, vector<16xi32>,
    %dma_wait3A_660 = arith.constant 368 : i32
    %dma_wait3A_661 = tpu.memref_slice %arg9[%dma_wait3A_660] : memref<640xi32, #tpu.memory_space<vmem>> -> memref<16xi32, #tpu.memory_space<vmem>>
    %dma_wait3A_662 = arith.constant 0 : i32
    %dma_wait3A_663 = tpu.memref_slice %arg14[%dma_wait3A_662] : memref<10240xi32, #tpu.memory_space<vmem_shared>> -> memref<10240xi32, #tpu.memory_space<vmem_shared>>
    tpu.wait_indirect_dma semaphore(%arg16 : memref<!tpu.dma_semaphore, #tpu.memory_space<semaphore_mem>>) src(%dma_wait3A_661 : memref<16xi32, #tpu.memory_space<vmem>>) dst(%dma_wait3A_663 : memref<10240xi32, #tpu.memory_space<vmem_shared>>)
    %get3A_664 = arith.constant 384 : index
    %get3A_665 = tpu.vector_load %arg8[%get3A_664] {strides = array<i32>} : memref<640xi32, #tpu.memory_space<vmem>>, vector<16xi32>,
    %dma_wait3A_666 = arith.constant 384 : i32
    %dma_wait3A_667 = tpu.memref_slice %arg9[%dma_wait3A_666] : memref<640xi32, #tpu.memory_space<vmem>> -> memref<16xi32, #tpu.memory_space<vmem>>
    %dma_wait3A_668 = arith.constant 0 : i32
    %dma_wait3A_669 = tpu.memref_slice %arg14[%dma_wait3A_668] : memref<10240xi32, #tpu.memory_space<vmem_shared>> -> memref<10240xi32, #tpu.memory_space<vmem_shared>>
    tpu.wait_indirect_dma semaphore(%arg16 : memref<!tpu.dma_semaphore, #tpu.memory_space<semaphore_mem>>) src(%dma_wait3A_667 : memref<16xi32, #tpu.memory_space<vmem>>) dst(%dma_wait3A_669 : memref<10240xi32, #tpu.memory_space<vmem_shared>>)
    %get3A_670 = arith.constant 400 : index
    %get3A_671 = tpu.vector_load %arg8[%get3A_670] {strides = array<i32>} : memref<640xi32, #tpu.memory_space<vmem>>, vector<16xi32>,
    %dma_wait3A_672 = arith.constant 400 : i32
    %dma_wait3A_673 = tpu.memref_slice %arg9[%dma_wait3A_672] : memref<640xi32, #tpu.memory_space<vmem>> -> memref<16xi32, #tpu.memory_space<vmem>>
    %dma_wait3A_674 = arith.constant 0 : i32
    %dma_wait3A_675 = tpu.memref_slice %arg14[%dma_wait3A_674] : memref<10240xi32, #tpu.memory_space<vmem_shared>> -> memref<10240xi32, #tpu.memory_space<vmem_shared>>
    tpu.wait_indirect_dma semaphore(%arg16 : memref<!tpu.dma_semaphore, #tpu.memory_space<semaphore_mem>>) src(%dma_wait3A_673 : memref<16xi32, #tpu.memory_space<vmem>>) dst(%dma_wait3A_675 : memref<10240xi32, #tpu.memory_space<vmem_shared>>)
    %get3A_676 = arith.constant 416 : index
    %get3A_677 = tpu.vector_load %arg8[%get3A_676] {strides = array<i32>} : memref<640xi32, #tpu.memory_space<vmem>>, vector<16xi32>,
    %dma_wait3A_678 = arith.constant 416 : i32
    %dma_wait3A_679 = tpu.memref_slice %arg9[%dma_wait3A_678] : memref<640xi32, #tpu.memory_space<vmem>> -> memref<16xi32, #tpu.memory_space<vmem>>
    %dma_wait3A_680 = arith.constant 0 : i32
    %dma_wait3A_681 = tpu.memref_slice %arg14[%dma_wait3A_680] : memref<10240xi32, #tpu.memory_space<vmem_shared>> -> memref<10240xi32, #tpu.memory_space<vmem_shared>>
    tpu.wait_indirect_dma semaphore(%arg16 : memref<!tpu.dma_semaphore, #tpu.memory_space<semaphore_mem>>) src(%dma_wait3A_679 : memref<16xi32, #tpu.memory_space<vmem>>) dst(%dma_wait3A_681 : memref<10240xi32, #tpu.memory_space<vmem_shared>>)
    %get3A_682 = arith.constant 432 : index
    %get3A_683 = tpu.vector_load %arg8[%get3A_682] {strides = array<i32>} : memref<640xi32, #tpu.memory_space<vmem>>, vector<16xi32>,
    %dma_wait3A_684 = arith.constant 432 : i32
    %dma_wait3A_685 = tpu.memref_slice %arg9[%dma_wait3A_684] : memref<640xi32, #tpu.memory_space<vmem>> -> memref<16xi32, #tpu.memory_space<vmem>>
    %dma_wait3A_686 = arith.constant 0 : i32
    %dma_wait3A_687 = tpu.memref_slice %arg14[%dma_wait3A_686] : memref<10240xi32, #tpu.memory_space<vmem_shared>> -> memref<10240xi32, #tpu.memory_space<vmem_shared>>
    tpu.wait_indirect_dma semaphore(%arg16 : memref<!tpu.dma_semaphore, #tpu.memory_space<semaphore_mem>>) src(%dma_wait3A_685 : memref<16xi32, #tpu.memory_space<vmem>>) dst(%dma_wait3A_687 : memref<10240xi32, #tpu.memory_space<vmem_shared>>)
    %get3A_688 = arith.constant 448 : index
    %get3A_689 = tpu.vector_load %arg8[%get3A_688] {strides = array<i32>} : memref<640xi32, #tpu.memory_space<vmem>>, vector<16xi32>,
    %dma_wait3A_690 = arith.constant 448 : i32
    %dma_wait3A_691 = tpu.memref_slice %arg9[%dma_wait3A_690] : memref<640xi32, #tpu.memory_space<vmem>> -> memref<16xi32, #tpu.memory_space<vmem>>
    %dma_wait3A_692 = arith.constant 0 : i32
    %dma_wait3A_693 = tpu.memref_slice %arg14[%dma_wait3A_692] : memref<10240xi32, #tpu.memory_space<vmem_shared>> -> memref<10240xi32, #tpu.memory_space<vmem_shared>>
    tpu.wait_indirect_dma semaphore(%arg16 : memref<!tpu.dma_semaphore, #tpu.memory_space<semaphore_mem>>) src(%dma_wait3A_691 : memref<16xi32, #tpu.memory_space<vmem>>) dst(%dma_wait3A_693 : memref<10240xi32, #tpu.memory_space<vmem_shared>>)
    %get3A_694 = arith.constant 464 : index
    %get3A_695 = tpu.vector_load %arg8[%get3A_694] {strides = array<i32>} : memref<640xi32, #tpu.memory_space<vmem>>, vector<16xi32>,
    %dma_wait3A_696 = arith.constant 464 : i32
    %dma_wait3A_697 = tpu.memref_slice %arg9[%dma_wait3A_696] : memref<640xi32, #tpu.memory_space<vmem>> -> memref<16xi32, #tpu.memory_space<vmem>>
    %dma_wait3A_698 = arith.constant 0 : i32
    %dma_wait3A_699 = tpu.memref_slice %arg14[%dma_wait3A_698] : memref<10240xi32, #tpu.memory_space<vmem_shared>> -> memref<10240xi32, #tpu.memory_space<vmem_shared>>
    tpu.wait_indirect_dma semaphore(%arg16 : memref<!tpu.dma_semaphore, #tpu.memory_space<semaphore_mem>>) src(%dma_wait3A_697 : memref<16xi32, #tpu.memory_space<vmem>>) dst(%dma_wait3A_699 : memref<10240xi32, #tpu.memory_space<vmem_shared>>)
    %get3A_700 = arith.constant 480 : index
    %get3A_701 = tpu.vector_load %arg8[%get3A_700] {strides = array<i32>} : memref<640xi32, #tpu.memory_space<vmem>>, vector<16xi32>,
    %dma_wait3A_702 = arith.constant 480 : i32
    %dma_wait3A_703 = tpu.memref_slice %arg9[%dma_wait3A_702] : memref<640xi32, #tpu.memory_space<vmem>> -> memref<16xi32, #tpu.memory_space<vmem>>
    %dma_wait3A_704 = arith.constant 0 : i32
    %dma_wait3A_705 = tpu.memref_slice %arg14[%dma_wait3A_704] : memref<10240xi32, #tpu.memory_space<vmem_shared>> -> memref<10240xi32, #tpu.memory_space<vmem_shared>>
    tpu.wait_indirect_dma semaphore(%arg16 : memref<!tpu.dma_semaphore, #tpu.memory_space<semaphore_mem>>) src(%dma_wait3A_703 : memref<16xi32, #tpu.memory_space<vmem>>) dst(%dma_wait3A_705 : memref<10240xi32, #tpu.memory_space<vmem_shared>>)
    %get3A_706 = arith.constant 496 : index
    %get3A_707 = tpu.vector_load %arg8[%get3A_706] {strides = array<i32>} : memref<640xi32, #tpu.memory_space<vmem>>, vector<16xi32>,
    %dma_wait3A_708 = arith.constant 496 : i32
    %dma_wait3A_709 = tpu.memref_slice %arg9[%dma_wait3A_708] : memref<640xi32, #tpu.memory_space<vmem>> -> memref<16xi32, #tpu.memory_space<vmem>>
    %dma_wait3A_710 = arith.constant 0 : i32
    %dma_wait3A_711 = tpu.memref_slice %arg14[%dma_wait3A_710] : memref<10240xi32, #tpu.memory_space<vmem_shared>> -> memref<10240xi32, #tpu.memory_space<vmem_shared>>
    tpu.wait_indirect_dma semaphore(%arg16 : memref<!tpu.dma_semaphore, #tpu.memory_space<semaphore_mem>>) src(%dma_wait3A_709 : memref<16xi32, #tpu.memory_space<vmem>>) dst(%dma_wait3A_711 : memref<10240xi32, #tpu.memory_space<vmem_shared>>)
    %get3A_712 = arith.constant 512 : index
    %get3A_713 = tpu.vector_load %arg8[%get3A_712] {strides = array<i32>} : memref<640xi32, #tpu.memory_space<vmem>>, vector<16xi32>,
    %dma_wait3A_714 = arith.constant 512 : i32
    %dma_wait3A_715 = tpu.memref_slice %arg9[%dma_wait3A_714] : memref<640xi32, #tpu.memory_space<vmem>> -> memref<16xi32, #tpu.memory_space<vmem>>
    %dma_wait3A_716 = arith.constant 0 : i32
    %dma_wait3A_717 = tpu.memref_slice %arg14[%dma_wait3A_716] : memref<10240xi32, #tpu.memory_space<vmem_shared>> -> memref<10240xi32, #tpu.memory_space<vmem_shared>>
    tpu.wait_indirect_dma semaphore(%arg16 : memref<!tpu.dma_semaphore, #tpu.memory_space<semaphore_mem>>) src(%dma_wait3A_715 : memref<16xi32, #tpu.memory_space<vmem>>) dst(%dma_wait3A_717 : memref<10240xi32, #tpu.memory_space<vmem_shared>>)
    %get3A_718 = arith.constant 528 : index
    %get3A_719 = tpu.vector_load %arg8[%get3A_718] {strides = array<i32>} : memref<640xi32, #tpu.memory_space<vmem>>, vector<16xi32>,
    %dma_wait3A_720 = arith.constant 528 : i32
    %dma_wait3A_721 = tpu.memref_slice %arg9[%dma_wait3A_720] : memref<640xi32, #tpu.memory_space<vmem>> -> memref<16xi32, #tpu.memory_space<vmem>>
    %dma_wait3A_722 = arith.constant 0 : i32
    %dma_wait3A_723 = tpu.memref_slice %arg14[%dma_wait3A_722] : memref<10240xi32, #tpu.memory_space<vmem_shared>> -> memref<10240xi32, #tpu.memory_space<vmem_shared>>
    tpu.wait_indirect_dma semaphore(%arg16 : memref<!tpu.dma_semaphore, #tpu.memory_space<semaphore_mem>>) src(%dma_wait3A_721 : memref<16xi32, #tpu.memory_space<vmem>>) dst(%dma_wait3A_723 : memref<10240xi32, #tpu.memory_space<vmem_shared>>)
    %get3A_724 = arith.constant 544 : index
    %get3A_725 = tpu.vector_load %arg8[%get3A_724] {strides = array<i32>} : memref<640xi32, #tpu.memory_space<vmem>>, vector<16xi32>,
    %dma_wait3A_726 = arith.constant 544 : i32
    %dma_wait3A_727 = tpu.memref_slice %arg9[%dma_wait3A_726] : memref<640xi32, #tpu.memory_space<vmem>> -> memref<16xi32, #tpu.memory_space<vmem>>
    %dma_wait3A_728 = arith.constant 0 : i32
    %dma_wait3A_729 = tpu.memref_slice %arg14[%dma_wait3A_728] : memref<10240xi32, #tpu.memory_space<vmem_shared>> -> memref<10240xi32, #tpu.memory_space<vmem_shared>>
    tpu.wait_indirect_dma semaphore(%arg16 : memref<!tpu.dma_semaphore, #tpu.memory_space<semaphore_mem>>) src(%dma_wait3A_727 : memref<16xi32, #tpu.memory_space<vmem>>) dst(%dma_wait3A_729 : memref<10240xi32, #tpu.memory_space<vmem_shared>>)
    %get3A_730 = arith.constant 560 : index
    %get3A_731 = tpu.vector_load %arg8[%get3A_730] {strides = array<i32>} : memref<640xi32, #tpu.memory_space<vmem>>, vector<16xi32>,
    %dma_wait3A_732 = arith.constant 560 : i32
    %dma_wait3A_733 = tpu.memref_slice %arg9[%dma_wait3A_732] : memref<640xi32, #tpu.memory_space<vmem>> -> memref<16xi32, #tpu.memory_space<vmem>>
    %dma_wait3A_734 = arith.constant 0 : i32
    %dma_wait3A_735 = tpu.memref_slice %arg14[%dma_wait3A_734] : memref<10240xi32, #tpu.memory_space<vmem_shared>> -> memref<10240xi32, #tpu.memory_space<vmem_shared>>
    tpu.wait_indirect_dma semaphore(%arg16 : memref<!tpu.dma_semaphore, #tpu.memory_space<semaphore_mem>>) src(%dma_wait3A_733 : memref<16xi32, #tpu.memory_space<vmem>>) dst(%dma_wait3A_735 : memref<10240xi32, #tpu.memory_space<vmem_shared>>)
    %get3A_736 = arith.constant 576 : index
    %get3A_737 = tpu.vector_load %arg8[%get3A_736] {strides = array<i32>} : memref<640xi32, #tpu.memory_space<vmem>>, vector<16xi32>,
    %dma_wait3A_738 = arith.constant 576 : i32
    %dma_wait3A_739 = tpu.memref_slice %arg9[%dma_wait3A_738] : memref<640xi32, #tpu.memory_space<vmem>> -> memref<16xi32, #tpu.memory_space<vmem>>
    %dma_wait3A_740 = arith.constant 0 : i32
    %dma_wait3A_741 = tpu.memref_slice %arg14[%dma_wait3A_740] : memref<10240xi32, #tpu.memory_space<vmem_shared>> -> memref<10240xi32, #tpu.memory_space<vmem_shared>>
    tpu.wait_indirect_dma semaphore(%arg16 : memref<!tpu.dma_semaphore, #tpu.memory_space<semaphore_mem>>) src(%dma_wait3A_739 : memref<16xi32, #tpu.memory_space<vmem>>) dst(%dma_wait3A_741 : memref<10240xi32, #tpu.memory_space<vmem_shared>>)
    %get3A_742 = arith.constant 592 : index
    %get3A_743 = tpu.vector_load %arg8[%get3A_742] {strides = array<i32>} : memref<640xi32, #tpu.memory_space<vmem>>, vector<16xi32>,
    %dma_wait3A_744 = arith.constant 592 : i32
    %dma_wait3A_745 = tpu.memref_slice %arg9[%dma_wait3A_744] : memref<640xi32, #tpu.memory_space<vmem>> -> memref<16xi32, #tpu.memory_space<vmem>>
    %dma_wait3A_746 = arith.constant 0 : i32
    %dma_wait3A_747 = tpu.memref_slice %arg14[%dma_wait3A_746] : memref<10240xi32, #tpu.memory_space<vmem_shared>> -> memref<10240xi32, #tpu.memory_space<vmem_shared>>
    tpu.wait_indirect_dma semaphore(%arg16 : memref<!tpu.dma_semaphore, #tpu.memory_space<semaphore_mem>>) src(%dma_wait3A_745 : memref<16xi32, #tpu.memory_space<vmem>>) dst(%dma_wait3A_747 : memref<10240xi32, #tpu.memory_space<vmem_shared>>)
    %get3A_748 = arith.constant 608 : index
    %get3A_749 = tpu.vector_load %arg8[%get3A_748] {strides = array<i32>} : memref<640xi32, #tpu.memory_space<vmem>>, vector<16xi32>,
    %dma_wait3A_750 = arith.constant 608 : i32
    %dma_wait3A_751 = tpu.memref_slice %arg9[%dma_wait3A_750] : memref<640xi32, #tpu.memory_space<vmem>> -> memref<16xi32, #tpu.memory_space<vmem>>
    %dma_wait3A_752 = arith.constant 0 : i32
    %dma_wait3A_753 = tpu.memref_slice %arg14[%dma_wait3A_752] : memref<10240xi32, #tpu.memory_space<vmem_shared>> -> memref<10240xi32, #tpu.memory_space<vmem_shared>>
    tpu.wait_indirect_dma semaphore(%arg16 : memref<!tpu.dma_semaphore, #tpu.memory_space<semaphore_mem>>) src(%dma_wait3A_751 : memref<16xi32, #tpu.memory_space<vmem>>) dst(%dma_wait3A_753 : memref<10240xi32, #tpu.memory_space<vmem_shared>>)
    %get3A_754 = arith.constant 624 : index
    %get3A_755 = tpu.vector_load %arg8[%get3A_754] {strides = array<i32>} : memref<640xi32, #tpu.memory_space<vmem>>, vector<16xi32>,
    %dma_wait3A_756 = arith.constant 624 : i32
    %dma_wait3A_757 = tpu.memref_slice %arg9[%dma_wait3A_756] : memref<640xi32, #tpu.memory_space<vmem>> -> memref<16xi32, #tpu.memory_space<vmem>>
    %dma_wait3A_758 = arith.constant 0 : i32
    %dma_wait3A_759 = tpu.memref_slice %arg14[%dma_wait3A_758] : memref<10240xi32, #tpu.memory_space<vmem_shared>> -> memref<10240xi32, #tpu.memory_space<vmem_shared>>
    tpu.wait_indirect_dma semaphore(%arg16 : memref<!tpu.dma_semaphore, #tpu.memory_space<semaphore_mem>>) src(%dma_wait3A_757 : memref<16xi32, #tpu.memory_space<vmem>>) dst(%dma_wait3A_759 : memref<10240xi32, #tpu.memory_space<vmem_shared>>)
    %barrier3A = arith.constant 0 : index
    tpu.barrier barrier_id(%barrier3A)
    "tpu.region"() ({
      %run_scoped3A = tpu.sem_alloc : memref<!tpu.dma_semaphore, #tpu.memory_space<semaphore_mem>>
      %dma_start3A_915 = arith.constant 0 : i32
      %dma_start3A_916 = tpu.memref_slice %arg14[%dma_start3A_915] : memref<10240xi32, #tpu.memory_space<vmem_shared>> -> memref<5008xi32, #tpu.memory_space<vmem_shared>>
      %dma_start3A_917 = arith.constant 0 : i32
      %dma_start3A_918 = tpu.memref_slice %arg14[%dma_start3A_917] : memref<10240xi32, #tpu.memory_space<vmem_shared>> -> memref<5008xi32, #tpu.memory_space<vmem_shared>>
      tpu.enqueue_dma source(%dma_start3A_918 : memref<5008xi32, #tpu.memory_space<vmem_shared>>) target(%arg10 : memref<5008xi32, #tpu.memory_space<vmem>>) target_semaphore(%run_scoped3A : memref<!tpu.dma_semaphore, #tpu.memory_space<semaphore_mem>>)
      %dma_wait3A_919 = arith.constant 0 : i32
      %dma_wait3A_920 = tpu.memref_slice %arg14[%dma_wait3A_919] : memref<10240xi32, #tpu.memory_space<vmem_shared>> -> memref<5008xi32, #tpu.memory_space<vmem_shared>>
      %dma_wait3A_921 = arith.constant 0 : i32
      %dma_wait3A_922 = tpu.memref_slice %arg14[%dma_wait3A_921] : memref<10240xi32, #tpu.memory_space<vmem_shared>> -> memref<5008xi32, #tpu.memory_space<vmem_shared>>
      tpu.wait_dma2 semaphore(%run_scoped3A : memref<!tpu.dma_semaphore, #tpu.memory_space<semaphore_mem>>) src(%dma_wait3A_922 : memref<5008xi32, #tpu.memory_space<vmem_shared>>) dst(%arg10 : memref<5008xi32, #tpu.memory_space<vmem>>)
      tpu.yield
    }) : () -> ()
    %lt3A = arith.constant 17 : i32
    %lt3A_760 = arith.cmpi slt, %add3A, %lt3A : i32
    %mul3A_761 = arith.constant 160 : i32
    %mul3A_762 = arith.muli %add3A, %mul3A_761 : i32
    %sub3A = arith.constant 17 : i32
    %sub3A_763 = arith.subi %add3A, %sub3A : i32
    %mul3A_764 = arith.constant 152 : i32
    %mul3A_765 = arith.muli %sub3A_763, %mul3A_764 : i32
    %add3A_766 = arith.constant 2720 : i32
    %add3A_767 = arith.addi %add3A_766, %mul3A_765 : i32
    %select_n3A = arith.select %lt3A_760, %mul3A_762, %add3A_767 : i32
    %multiple_of3A = tpu.assume_multiple %select_n3A, 8 : i32
    %lt3A_768 = arith.constant 17 : i32
    %lt3A_769 = arith.cmpi slt, %add3A, %lt3A_768 : i32
    %jit3A = arith.constant 160 : i32
    %jit3A_770 = arith.constant 152 : i32
    %select_n3A_771 = arith.select %lt3A_769, %jit3A, %jit3A_770 : i32
    %broadcast_in_dim3A = arith.constant 0 : i32
    %broadcast_in_dim3A_772 = vector.broadcast %broadcast_in_dim3A : i32 to vector<16xi32>
    %broadcast_in_dim3A_773 = arith.constant 1 : i32
    %broadcast_in_dim3A_774 = vector.broadcast %broadcast_in_dim3A_773 : i32 to vector<16xi32>
    %broadcast_in_dim3A_775 = arith.constant 2 : i32
    %broadcast_in_dim3A_776 = vector.broadcast %broadcast_in_dim3A_775 : i32 to vector<16xi32>
    %broadcast_in_dim3A_777 = arith.constant 3 : i32
    %broadcast_in_dim3A_778 = vector.broadcast %broadcast_in_dim3A_777 : i32 to vector<16xi32>
    %broadcast_in_dim3A_779 = arith.constant 4 : i32
    %broadcast_in_dim3A_780 = vector.broadcast %broadcast_in_dim3A_779 : i32 to vector<16xi32>
    %broadcast_in_dim3A_781 = arith.constant 5 : i32
    %broadcast_in_dim3A_782 = vector.broadcast %broadcast_in_dim3A_781 : i32 to vector<16xi32>
    %broadcast_in_dim3A_783 = arith.constant 6 : i32
    %broadcast_in_dim3A_784 = vector.broadcast %broadcast_in_dim3A_783 : i32 to vector<16xi32>
    %broadcast_in_dim3A_785 = arith.constant 7 : i32
    %broadcast_in_dim3A_786 = vector.broadcast %broadcast_in_dim3A_785 : i32 to vector<16xi32>
    %jit3A_787 = arith.constant 8 : i32
    %div3A = arith.divsi %select_n3A_771, %jit3A_787 : i32
    %sign3A = arith.constant 0 : i32
    %sign3A_788 = arith.cmpi sgt, %select_n3A_771, %sign3A : i32
    %sign3A_789 = arith.extui %sign3A_788 : i1 to i32
    %sign3A_790 = arith.constant 0 : i32
    %sign3A_791 = arith.cmpi slt, %select_n3A_771, %sign3A_790 : i32
    %sign3A_792 = arith.extui %sign3A_791 : i1 to i32
    %sign3A_793 = arith.subi %sign3A_789, %sign3A_792 : i32
    %sign3A_794 = arith.constant 0 : i32
    %sign3A_795 = arith.cmpi sgt, %jit3A_787, %sign3A_794 : i32
    %sign3A_796 = arith.extui %sign3A_795 : i1 to i32
    %sign3A_797 = arith.constant 0 : i32
    %sign3A_798 = arith.cmpi slt, %jit3A_787, %sign3A_797 : i32
    %sign3A_799 = arith.extui %sign3A_798 : i1 to i32
    %sign3A_800 = arith.subi %sign3A_796, %sign3A_799 : i32
    %ne3A = arith.cmpi ne, %sign3A_793, %sign3A_800 : i32
    %rem3A = arith.remsi %select_n3A_771, %jit3A_787 : i32
    %ne3A_801 = arith.constant 0 : i32
    %ne3A_802 = arith.cmpi ne, %rem3A, %ne3A_801 : i32
    %and3A = arith.andi %ne3A, %ne3A_802 : i1
    %sub3A_803 = arith.constant 1 : i32
    %sub3A_804 = arith.subi %div3A, %sub3A_803 : i32
    %select_n3A_805 = arith.select %and3A, %sub3A_804, %div3A : i32
    %while3A = arith.constant 0 : i32
    %while3A_806 = arith.constant 0 : i32
    %while3A_807 = arith.subi %select_n3A_805, %while3A : i32
    %while3A_808 = arith.addi %while3A, %while3A_807 : i32
    %while3A_809 = arith.constant 1 : i32
    %while3A_810 = arith.divsi %while3A_807, %while3A_809 : i32
    %while3A_811 = arith.muli %while3A_810, %while3A_809 : i32
    %while3A_812 = arith.addi %while3A, %while3A_811 : i32
    %while3A_813 = arith.constant 1 : i32
    %while3A_814 = scf.for %while3A_915 = %while3A to %while3A_812 step %while3A_813 iter_args(%while3A_916 = %while3A_806) -> (i32)  : i32 {
      %mul3A_917 = arith.constant 8 : i32
      %mul3A_918 = arith.muli %while3A_915, %mul3A_917 : i32
      %add3A_919 = arith.addi %multiple_of3A, %mul3A_918 : i32
      %multiple_of3A_920 = tpu.assume_multiple %add3A_919, 8 : i32
      %dma_start3A_921 = arith.constant 0 : i32
      %dma_start3A_922 = arith.constant 0 : i32
      %dma_start3A_923 = tpu.memref_slice %arg11[%dma_start3A_921, %dma_start3A_922] : memref<8x10112xf32, #tpu.memory_space<vmem>> -> memref<8x9984xf32, #tpu.memory_space<vmem>>
      %dma_start3A_924 = tpu.memref_slice %arg10[%multiple_of3A_920] : memref<5008xi32, #tpu.memory_space<vmem>> -> memref<8xi32, #tpu.memory_space<vmem>>
      %dma_start3A_925 = arith.constant 0 : i32
      %dma_start3A_926 = arith.constant 0 : i32
      %dma_start3A_927 = tpu.memref_slice %arg3[%dma_start3A_925, %dma_start3A_926] : memref<10000x10000xf32, #tpu.memory_space<hbm>> -> memref<10000x9984xf32, #tpu.memory_space<hbm>>
      tpu.enqueue_indirect_dma source(%dma_start3A_927 : memref<10000x9984xf32, #tpu.memory_space<hbm>>) target(%dma_start3A_923 : memref<8x9984xf32, #tpu.memory_space<vmem>>) offsets(%dma_start3A_924 : memref<8xi32, #tpu.memory_space<vmem>>) semaphore(%arg15 : memref<!tpu.dma_semaphore, #tpu.memory_space<semaphore_mem>>)
      %dma_start3A_928 = arith.constant 0 : i32
      %dma_start3A_929 = arith.constant 9984 : i32
      %dma_start3A_930 = tpu.memref_slice %arg11[%dma_start3A_928, %dma_start3A_929] : memref<8x10112xf32, #tpu.memory_space<vmem>> -> memref<8x128xf32, #tpu.memory_space<vmem>>
      %dma_start3A_931 = tpu.memref_slice %arg10[%multiple_of3A_920] : memref<5008xi32, #tpu.memory_space<vmem>> -> memref<8xi32, #tpu.memory_space<vmem>>
      %dma_start3A_932 = arith.constant 0 : i32
      %dma_start3A_933 = arith.constant 0 : i32
      %dma_start3A_934 = tpu.memref_slice %arg4[%dma_start3A_932, %dma_start3A_933] : memref<10000x128xf32, #tpu.memory_space<hbm>> -> memref<10000x128xf32, #tpu.memory_space<hbm>>
      tpu.enqueue_indirect_dma source(%dma_start3A_934 : memref<10000x128xf32, #tpu.memory_space<hbm>>) target(%dma_start3A_930 : memref<8x128xf32, #tpu.memory_space<vmem>>) offsets(%dma_start3A_931 : memref<8xi32, #tpu.memory_space<vmem>>) semaphore(%arg15 : memref<!tpu.dma_semaphore, #tpu.memory_space<semaphore_mem>>)
      %gt3A = arith.constant 0 : i32
      %gt3A_935 = arith.cmpi sgt, %while3A_915, %gt3A : i32
      %convert_element_type3A = arith.extui %gt3A_935 : i1 to i32
      %cond3A = arith.constant 0 : i32
      %cond3A_936 = arith.cmpi ne, %convert_element_type3A, %cond3A : i32
      scf.if %cond3A_936 {
        %sub3A_1042 = arith.constant 1 : i32
        %sub3A_1043 = arith.subi %while3A_915, %sub3A_1042 : i32
        %mul3A_1044 = arith.constant 8 : i32
        %mul3A_1045 = arith.muli %sub3A_1043, %mul3A_1044 : i32
        %add3A_1046 = arith.addi %multiple_of3A, %mul3A_1045 : i32
        %multiple_of3A_1047 = tpu.assume_multiple %add3A_1046, 8 : i32
        %add3A_1048 = arith.constant 0 : i32
        %add3A_1049 = arith.addi %multiple_of3A_1047, %add3A_1048 : i32
        %mul3A_1050 = arith.constant 5000 : i32
        %mul3A_1051 = arith.muli %add3A_1049, %mul3A_1050 : i32
        %multiple_of3A_1052 = tpu.assume_multiple %mul3A_1051, 8 : i32
        %dma_wait3A_1053 = arith.constant 0 : i32
        %dma_wait3A_1054 = tpu.memref_slice %arg12[%dma_wait3A_1053] : memref<40064xf32, #tpu.memory_space<vmem>> -> memref<5000xf32, #tpu.memory_space<vmem>>
        %dma_wait3A_1055 = tpu.memref_slice %arg6[%multiple_of3A_1052] : memref<25000000xf32, #tpu.memory_space<hbm>> -> memref<5000xf32, #tpu.memory_space<hbm>>
        %dma_wait3A_1056 = tpu.memref_slice %arg6[%multiple_of3A_1052] : memref<25000000xf32, #tpu.memory_space<hbm>> -> memref<5000xf32, #tpu.memory_space<hbm>>
        %dma_wait3A_1057 = arith.constant 0 : i32
        %dma_wait3A_1058 = tpu.memref_slice %arg12[%dma_wait3A_1057] : memref<40064xf32, #tpu.memory_space<vmem>> -> memref<5000xf32, #tpu.memory_space<vmem>>
        tpu.wait_dma2 semaphore(%arg16 : memref<!tpu.dma_semaphore, #tpu.memory_space<semaphore_mem>>) src(%dma_wait3A_1058 : memref<5000xf32, #tpu.memory_space<vmem>>) dst(%dma_wait3A_1056 : memref<5000xf32, #tpu.memory_space<hbm>>)
        %add3A_1059 = arith.constant 1 : i32
        %add3A_1060 = arith.addi %multiple_of3A_1047, %add3A_1059 : i32
        %mul3A_1061 = arith.constant 5000 : i32
        %mul3A_1062 = arith.muli %add3A_1060, %mul3A_1061 : i32
        %multiple_of3A_1063 = tpu.assume_multiple %mul3A_1062, 8 : i32
        %dma_wait3A_1064 = arith.constant 5008 : i32
        %dma_wait3A_1065 = tpu.memref_slice %arg12[%dma_wait3A_1064] : memref<40064xf32, #tpu.memory_space<vmem>> -> memref<5000xf32, #tpu.memory_space<vmem>>
        %dma_wait3A_1066 = tpu.memref_slice %arg6[%multiple_of3A_1063] : memref<25000000xf32, #tpu.memory_space<hbm>> -> memref<5000xf32, #tpu.memory_space<hbm>>
        %dma_wait3A_1067 = tpu.memref_slice %arg6[%multiple_of3A_1063] : memref<25000000xf32, #tpu.memory_space<hbm>> -> memref<5000xf32, #tpu.memory_space<hbm>>
        %dma_wait3A_1068 = arith.constant 5008 : i32
        %dma_wait3A_1069 = tpu.memref_slice %arg12[%dma_wait3A_1068] : memref<40064xf32, #tpu.memory_space<vmem>> -> memref<5000xf32, #tpu.memory_space<vmem>>
        tpu.wait_dma2 semaphore(%arg16 : memref<!tpu.dma_semaphore, #tpu.memory_space<semaphore_mem>>) src(%dma_wait3A_1069 : memref<5000xf32, #tpu.memory_space<vmem>>) dst(%dma_wait3A_1067 : memref<5000xf32, #tpu.memory_space<hbm>>)
        %add3A_1070 = arith.constant 2 : i32
        %add3A_1071 = arith.addi %multiple_of3A_1047, %add3A_1070 : i32
        %mul3A_1072 = arith.constant 5000 : i32
        %mul3A_1073 = arith.muli %add3A_1071, %mul3A_1072 : i32
        %multiple_of3A_1074 = tpu.assume_multiple %mul3A_1073, 8 : i32
        %dma_wait3A_1075 = arith.constant 10016 : i32
        %dma_wait3A_1076 = tpu.memref_slice %arg12[%dma_wait3A_1075] : memref<40064xf32, #tpu.memory_space<vmem>> -> memref<5000xf32, #tpu.memory_space<vmem>>
        %dma_wait3A_1077 = tpu.memref_slice %arg6[%multiple_of3A_1074] : memref<25000000xf32, #tpu.memory_space<hbm>> -> memref<5000xf32, #tpu.memory_space<hbm>>
        %dma_wait3A_1078 = tpu.memref_slice %arg6[%multiple_of3A_1074] : memref<25000000xf32, #tpu.memory_space<hbm>> -> memref<5000xf32, #tpu.memory_space<hbm>>
        %dma_wait3A_1079 = arith.constant 10016 : i32
        %dma_wait3A_1080 = tpu.memref_slice %arg12[%dma_wait3A_1079] : memref<40064xf32, #tpu.memory_space<vmem>> -> memref<5000xf32, #tpu.memory_space<vmem>>
        tpu.wait_dma2 semaphore(%arg16 : memref<!tpu.dma_semaphore, #tpu.memory_space<semaphore_mem>>) src(%dma_wait3A_1080 : memref<5000xf32, #tpu.memory_space<vmem>>) dst(%dma_wait3A_1078 : memref<5000xf32, #tpu.memory_space<hbm>>)
        %add3A_1081 = arith.constant 3 : i32
        %add3A_1082 = arith.addi %multiple_of3A_1047, %add3A_1081 : i32
        %mul3A_1083 = arith.constant 5000 : i32
        %mul3A_1084 = arith.muli %add3A_1082, %mul3A_1083 : i32
        %multiple_of3A_1085 = tpu.assume_multiple %mul3A_1084, 8 : i32
        %dma_wait3A_1086 = arith.constant 15024 : i32
        %dma_wait3A_1087 = tpu.memref_slice %arg12[%dma_wait3A_1086] : memref<40064xf32, #tpu.memory_space<vmem>> -> memref<5000xf32, #tpu.memory_space<vmem>>
        %dma_wait3A_1088 = tpu.memref_slice %arg6[%multiple_of3A_1085] : memref<25000000xf32, #tpu.memory_space<hbm>> -> memref<5000xf32, #tpu.memory_space<hbm>>
        %dma_wait3A_1089 = tpu.memref_slice %arg6[%multiple_of3A_1085] : memref<25000000xf32, #tpu.memory_space<hbm>> -> memref<5000xf32, #tpu.memory_space<hbm>>
        %dma_wait3A_1090 = arith.constant 15024 : i32
        %dma_wait3A_1091 = tpu.memref_slice %arg12[%dma_wait3A_1090] : memref<40064xf32, #tpu.memory_space<vmem>> -> memref<5000xf32, #tpu.memory_space<vmem>>
        tpu.wait_dma2 semaphore(%arg16 : memref<!tpu.dma_semaphore, #tpu.memory_space<semaphore_mem>>) src(%dma_wait3A_1091 : memref<5000xf32, #tpu.memory_space<vmem>>) dst(%dma_wait3A_1089 : memref<5000xf32, #tpu.memory_space<hbm>>)
        %add3A_1092 = arith.constant 4 : i32
        %add3A_1093 = arith.addi %multiple_of3A_1047, %add3A_1092 : i32
        %mul3A_1094 = arith.constant 5000 : i32
        %mul3A_1095 = arith.muli %add3A_1093, %mul3A_1094 : i32
        %multiple_of3A_1096 = tpu.assume_multiple %mul3A_1095, 8 : i32
        %dma_wait3A_1097 = arith.constant 20032 : i32
        %dma_wait3A_1098 = tpu.memref_slice %arg12[%dma_wait3A_1097] : memref<40064xf32, #tpu.memory_space<vmem>> -> memref<5000xf32, #tpu.memory_space<vmem>>
        %dma_wait3A_1099 = tpu.memref_slice %arg6[%multiple_of3A_1096] : memref<25000000xf32, #tpu.memory_space<hbm>> -> memref<5000xf32, #tpu.memory_space<hbm>>
        %dma_wait3A_1100 = tpu.memref_slice %arg6[%multiple_of3A_1096] : memref<25000000xf32, #tpu.memory_space<hbm>> -> memref<5000xf32, #tpu.memory_space<hbm>>
        %dma_wait3A_1101 = arith.constant 20032 : i32
        %dma_wait3A_1102 = tpu.memref_slice %arg12[%dma_wait3A_1101] : memref<40064xf32, #tpu.memory_space<vmem>> -> memref<5000xf32, #tpu.memory_space<vmem>>
        tpu.wait_dma2 semaphore(%arg16 : memref<!tpu.dma_semaphore, #tpu.memory_space<semaphore_mem>>) src(%dma_wait3A_1102 : memref<5000xf32, #tpu.memory_space<vmem>>) dst(%dma_wait3A_1100 : memref<5000xf32, #tpu.memory_space<hbm>>)
        %add3A_1103 = arith.constant 5 : i32
        %add3A_1104 = arith.addi %multiple_of3A_1047, %add3A_1103 : i32
        %mul3A_1105 = arith.constant 5000 : i32
        %mul3A_1106 = arith.muli %add3A_1104, %mul3A_1105 : i32
        %multiple_of3A_1107 = tpu.assume_multiple %mul3A_1106, 8 : i32
        %dma_wait3A_1108 = arith.constant 25040 : i32
        %dma_wait3A_1109 = tpu.memref_slice %arg12[%dma_wait3A_1108] : memref<40064xf32, #tpu.memory_space<vmem>> -> memref<5000xf32, #tpu.memory_space<vmem>>
        %dma_wait3A_1110 = tpu.memref_slice %arg6[%multiple_of3A_1107] : memref<25000000xf32, #tpu.memory_space<hbm>> -> memref<5000xf32, #tpu.memory_space<hbm>>
        %dma_wait3A_1111 = tpu.memref_slice %arg6[%multiple_of3A_1107] : memref<25000000xf32, #tpu.memory_space<hbm>> -> memref<5000xf32, #tpu.memory_space<hbm>>
        %dma_wait3A_1112 = arith.constant 25040 : i32
        %dma_wait3A_1113 = tpu.memref_slice %arg12[%dma_wait3A_1112] : memref<40064xf32, #tpu.memory_space<vmem>> -> memref<5000xf32, #tpu.memory_space<vmem>>
        tpu.wait_dma2 semaphore(%arg16 : memref<!tpu.dma_semaphore, #tpu.memory_space<semaphore_mem>>) src(%dma_wait3A_1113 : memref<5000xf32, #tpu.memory_space<vmem>>) dst(%dma_wait3A_1111 : memref<5000xf32, #tpu.memory_space<hbm>>)
        %add3A_1114 = arith.constant 6 : i32
        %add3A_1115 = arith.addi %multiple_of3A_1047, %add3A_1114 : i32
        %mul3A_1116 = arith.constant 5000 : i32
        %mul3A_1117 = arith.muli %add3A_1115, %mul3A_1116 : i32
        %multiple_of3A_1118 = tpu.assume_multiple %mul3A_1117, 8 : i32
        %dma_wait3A_1119 = arith.constant 30048 : i32
        %dma_wait3A_1120 = tpu.memref_slice %arg12[%dma_wait3A_1119] : memref<40064xf32, #tpu.memory_space<vmem>> -> memref<5000xf32, #tpu.memory_space<vmem>>
        %dma_wait3A_1121 = tpu.memref_slice %arg6[%multiple_of3A_1118] : memref<25000000xf32, #tpu.memory_space<hbm>> -> memref<5000xf32, #tpu.memory_space<hbm>>
        %dma_wait3A_1122 = tpu.memref_slice %arg6[%multiple_of3A_1118] : memref<25000000xf32, #tpu.memory_space<hbm>> -> memref<5000xf32, #tpu.memory_space<hbm>>
        %dma_wait3A_1123 = arith.constant 30048 : i32
        %dma_wait3A_1124 = tpu.memref_slice %arg12[%dma_wait3A_1123] : memref<40064xf32, #tpu.memory_space<vmem>> -> memref<5000xf32, #tpu.memory_space<vmem>>
        tpu.wait_dma2 semaphore(%arg16 : memref<!tpu.dma_semaphore, #tpu.memory_space<semaphore_mem>>) src(%dma_wait3A_1124 : memref<5000xf32, #tpu.memory_space<vmem>>) dst(%dma_wait3A_1122 : memref<5000xf32, #tpu.memory_space<hbm>>)
        %add3A_1125 = arith.constant 7 : i32
        %add3A_1126 = arith.addi %multiple_of3A_1047, %add3A_1125 : i32
        %mul3A_1127 = arith.constant 5000 : i32
        %mul3A_1128 = arith.muli %add3A_1126, %mul3A_1127 : i32
        %multiple_of3A_1129 = tpu.assume_multiple %mul3A_1128, 8 : i32
        %dma_wait3A_1130 = arith.constant 35056 : i32
        %dma_wait3A_1131 = tpu.memref_slice %arg12[%dma_wait3A_1130] : memref<40064xf32, #tpu.memory_space<vmem>> -> memref<5000xf32, #tpu.memory_space<vmem>>
        %dma_wait3A_1132 = tpu.memref_slice %arg6[%multiple_of3A_1129] : memref<25000000xf32, #tpu.memory_space<hbm>> -> memref<5000xf32, #tpu.memory_space<hbm>>
        %dma_wait3A_1133 = tpu.memref_slice %arg6[%multiple_of3A_1129] : memref<25000000xf32, #tpu.memory_space<hbm>> -> memref<5000xf32, #tpu.memory_space<hbm>>
        %dma_wait3A_1134 = arith.constant 35056 : i32
        %dma_wait3A_1135 = tpu.memref_slice %arg12[%dma_wait3A_1134] : memref<40064xf32, #tpu.memory_space<vmem>> -> memref<5000xf32, #tpu.memory_space<vmem>>
        tpu.wait_dma2 semaphore(%arg16 : memref<!tpu.dma_semaphore, #tpu.memory_space<semaphore_mem>>) src(%dma_wait3A_1135 : memref<5000xf32, #tpu.memory_space<vmem>>) dst(%dma_wait3A_1133 : memref<5000xf32, #tpu.memory_space<hbm>>)
      } else {
      }
      %dma_wait3A_937 = arith.constant 0 : i32
      %dma_wait3A_938 = arith.constant 0 : i32
      %dma_wait3A_939 = tpu.memref_slice %arg11[%dma_wait3A_937, %dma_wait3A_938] : memref<8x10112xf32, #tpu.memory_space<vmem>> -> memref<8x9984xf32, #tpu.memory_space<vmem>>
      %dma_wait3A_940 = tpu.memref_slice %arg10[%multiple_of3A_920] : memref<5008xi32, #tpu.memory_space<vmem>> -> memref<8xi32, #tpu.memory_space<vmem>>
      %dma_wait3A_941 = arith.constant 0 : i32
      %dma_wait3A_942 = arith.constant 0 : i32
      %dma_wait3A_943 = tpu.memref_slice %arg3[%dma_wait3A_941, %dma_wait3A_942] : memref<10000x10000xf32, #tpu.memory_space<hbm>> -> memref<10000x9984xf32, #tpu.memory_space<hbm>>
      tpu.wait_indirect_dma semaphore(%arg15 : memref<!tpu.dma_semaphore, #tpu.memory_space<semaphore_mem>>) src(%dma_wait3A_943 : memref<10000x9984xf32, #tpu.memory_space<hbm>>) dst(%dma_wait3A_939 : memref<8x9984xf32, #tpu.memory_space<vmem>>)
      %dma_wait3A_944 = arith.constant 0 : i32
      %dma_wait3A_945 = arith.constant 9984 : i32
      %dma_wait3A_946 = tpu.memref_slice %arg11[%dma_wait3A_944, %dma_wait3A_945] : memref<8x10112xf32, #tpu.memory_space<vmem>> -> memref<8x128xf32, #tpu.memory_space<vmem>>
      %dma_wait3A_947 = tpu.memref_slice %arg10[%multiple_of3A_920] : memref<5008xi32, #tpu.memory_space<vmem>> -> memref<8xi32, #tpu.memory_space<vmem>>
      %dma_wait3A_948 = arith.constant 0 : i32
      %dma_wait3A_949 = arith.constant 0 : i32
      %dma_wait3A_950 = tpu.memref_slice %arg4[%dma_wait3A_948, %dma_wait3A_949] : memref<10000x128xf32, #tpu.memory_space<hbm>> -> memref<10000x128xf32, #tpu.memory_space<hbm>>
      tpu.wait_indirect_dma semaphore(%arg15 : memref<!tpu.dma_semaphore, #tpu.memory_space<semaphore_mem>>) src(%dma_wait3A_950 : memref<10000x128xf32, #tpu.memory_space<hbm>>) dst(%dma_wait3A_946 : memref<8x128xf32, #tpu.memory_space<vmem>>)
      %parallel_loop3A = arith.constant 0 : i32
      %parallel_loop3A_951 = arith.constant 313 : i32
      %parallel_loop3A_952 = arith.constant 1 : i32
      scf.for %parallel_loop3A_1042 = %parallel_loop3A to %parallel_loop3A_951 step %parallel_loop3A_952  : i32 {
        %parallel_loop3A_1043 = arith.constant 16 : i32
        %parallel_loop3A_1044 = arith.muli %parallel_loop3A_1042, %parallel_loop3A_1043 : i32
        %parallel_loop3A_1045 = tpu.assume_multiple %parallel_loop3A_1044, 16 : i32
        %parallel_loop3A_1046 = arith.index_cast %parallel_loop3A_1045 : i32 to index
        %parallel_loop3A_1047 = tpu.vector_load %arg10[%parallel_loop3A_1046] {strides = array<i32>} : memref<5008xi32, #tpu.memory_space<vmem>>, vector<16xi32>,
        %parallel_loop3A_1048 = tpu.vector_load_idx %arg11[%broadcast_in_dim3A_772, %parallel_loop3A_1047] : memref<8x10112xf32, #tpu.memory_space<vmem>>[vector<16xi32>, vector<16xi32>], vector<16xf32>,
        %parallel_loop3A_1049 = arith.constant 0 : i32
        %parallel_loop3A_1050 = arith.addi %parallel_loop3A_1049, %parallel_loop3A_1045 : i32
        %parallel_loop3A_1051 = arith.index_cast %parallel_loop3A_1050 : i32 to index
        %parallel_loop3A_1052 = tpu.vector_load %arg12[%parallel_loop3A_1051] {strides = array<i32>} : memref<40064xf32, #tpu.memory_space<vmem>>, vector<16xf32>,
        tpu.vector_store %arg12[%parallel_loop3A_1051], %parallel_loop3A_1048 {strides = array<i32>} : memref<40064xf32, #tpu.memory_space<vmem>>, vector<16xf32>,
        %parallel_loop3A_1053 = tpu.vector_load_idx %arg11[%broadcast_in_dim3A_774, %parallel_loop3A_1047] : memref<8x10112xf32, #tpu.memory_space<vmem>>[vector<16xi32>, vector<16xi32>], vector<16xf32>,
        %parallel_loop3A_1054 = arith.constant 5008 : i32
        %parallel_loop3A_1055 = arith.addi %parallel_loop3A_1054, %parallel_loop3A_1045 : i32
        %parallel_loop3A_1056 = arith.index_cast %parallel_loop3A_1055 : i32 to index
        %parallel_loop3A_1057 = tpu.vector_load %arg12[%parallel_loop3A_1056] {strides = array<i32>} : memref<40064xf32, #tpu.memory_space<vmem>>, vector<16xf32>,
        tpu.vector_store %arg12[%parallel_loop3A_1056], %parallel_loop3A_1053 {strides = array<i32>} : memref<40064xf32, #tpu.memory_space<vmem>>, vector<16xf32>,
        %parallel_loop3A_1058 = tpu.vector_load_idx %arg11[%broadcast_in_dim3A_776, %parallel_loop3A_1047] : memref<8x10112xf32, #tpu.memory_space<vmem>>[vector<16xi32>, vector<16xi32>], vector<16xf32>,
        %parallel_loop3A_1059 = arith.constant 10016 : i32
        %parallel_loop3A_1060 = arith.addi %parallel_loop3A_1059, %parallel_loop3A_1045 : i32
        %parallel_loop3A_1061 = arith.index_cast %parallel_loop3A_1060 : i32 to index
        %parallel_loop3A_1062 = tpu.vector_load %arg12[%parallel_loop3A_1061] {strides = array<i32>} : memref<40064xf32, #tpu.memory_space<vmem>>, vector<16xf32>,
        tpu.vector_store %arg12[%parallel_loop3A_1061], %parallel_loop3A_1058 {strides = array<i32>} : memref<40064xf32, #tpu.memory_space<vmem>>, vector<16xf32>,
        %parallel_loop3A_1063 = tpu.vector_load_idx %arg11[%broadcast_in_dim3A_778, %parallel_loop3A_1047] : memref<8x10112xf32, #tpu.memory_space<vmem>>[vector<16xi32>, vector<16xi32>], vector<16xf32>,
        %parallel_loop3A_1064 = arith.constant 15024 : i32
        %parallel_loop3A_1065 = arith.addi %parallel_loop3A_1064, %parallel_loop3A_1045 : i32
        %parallel_loop3A_1066 = arith.index_cast %parallel_loop3A_1065 : i32 to index
        %parallel_loop3A_1067 = tpu.vector_load %arg12[%parallel_loop3A_1066] {strides = array<i32>} : memref<40064xf32, #tpu.memory_space<vmem>>, vector<16xf32>,
        tpu.vector_store %arg12[%parallel_loop3A_1066], %parallel_loop3A_1063 {strides = array<i32>} : memref<40064xf32, #tpu.memory_space<vmem>>, vector<16xf32>,
        %parallel_loop3A_1068 = tpu.vector_load_idx %arg11[%broadcast_in_dim3A_780, %parallel_loop3A_1047] : memref<8x10112xf32, #tpu.memory_space<vmem>>[vector<16xi32>, vector<16xi32>], vector<16xf32>,
        %parallel_loop3A_1069 = arith.constant 20032 : i32
        %parallel_loop3A_1070 = arith.addi %parallel_loop3A_1069, %parallel_loop3A_1045 : i32
        %parallel_loop3A_1071 = arith.index_cast %parallel_loop3A_1070 : i32 to index
        %parallel_loop3A_1072 = tpu.vector_load %arg12[%parallel_loop3A_1071] {strides = array<i32>} : memref<40064xf32, #tpu.memory_space<vmem>>, vector<16xf32>,
        tpu.vector_store %arg12[%parallel_loop3A_1071], %parallel_loop3A_1068 {strides = array<i32>} : memref<40064xf32, #tpu.memory_space<vmem>>, vector<16xf32>,
        %parallel_loop3A_1073 = tpu.vector_load_idx %arg11[%broadcast_in_dim3A_782, %parallel_loop3A_1047] : memref<8x10112xf32, #tpu.memory_space<vmem>>[vector<16xi32>, vector<16xi32>], vector<16xf32>,
        %parallel_loop3A_1074 = arith.constant 25040 : i32
        %parallel_loop3A_1075 = arith.addi %parallel_loop3A_1074, %parallel_loop3A_1045 : i32
        %parallel_loop3A_1076 = arith.index_cast %parallel_loop3A_1075 : i32 to index
        %parallel_loop3A_1077 = tpu.vector_load %arg12[%parallel_loop3A_1076] {strides = array<i32>} : memref<40064xf32, #tpu.memory_space<vmem>>, vector<16xf32>,
        tpu.vector_store %arg12[%parallel_loop3A_1076], %parallel_loop3A_1073 {strides = array<i32>} : memref<40064xf32, #tpu.memory_space<vmem>>, vector<16xf32>,
        %parallel_loop3A_1078 = tpu.vector_load_idx %arg11[%broadcast_in_dim3A_784, %parallel_loop3A_1047] : memref<8x10112xf32, #tpu.memory_space<vmem>>[vector<16xi32>, vector<16xi32>], vector<16xf32>,
        %parallel_loop3A_1079 = arith.constant 30048 : i32
        %parallel_loop3A_1080 = arith.addi %parallel_loop3A_1079, %parallel_loop3A_1045 : i32
        %parallel_loop3A_1081 = arith.index_cast %parallel_loop3A_1080 : i32 to index
        %parallel_loop3A_1082 = tpu.vector_load %arg12[%parallel_loop3A_1081] {strides = array<i32>} : memref<40064xf32, #tpu.memory_space<vmem>>, vector<16xf32>,
        tpu.vector_store %arg12[%parallel_loop3A_1081], %parallel_loop3A_1078 {strides = array<i32>} : memref<40064xf32, #tpu.memory_space<vmem>>, vector<16xf32>,
        %parallel_loop3A_1083 = tpu.vector_load_idx %arg11[%broadcast_in_dim3A_786, %parallel_loop3A_1047] : memref<8x10112xf32, #tpu.memory_space<vmem>>[vector<16xi32>, vector<16xi32>], vector<16xf32>,
        %parallel_loop3A_1084 = arith.constant 35056 : i32
        %parallel_loop3A_1085 = arith.addi %parallel_loop3A_1084, %parallel_loop3A_1045 : i32
        %parallel_loop3A_1086 = arith.index_cast %parallel_loop3A_1085 : i32 to index
        %parallel_loop3A_1087 = tpu.vector_load %arg12[%parallel_loop3A_1086] {strides = array<i32>} : memref<40064xf32, #tpu.memory_space<vmem>>, vector<16xf32>,
        tpu.vector_store %arg12[%parallel_loop3A_1086], %parallel_loop3A_1083 {strides = array<i32>} : memref<40064xf32, #tpu.memory_space<vmem>>, vector<16xf32>,
      } {sc.loop_unroll_factor = 2 : i64, sc.parallel_access}
      %add3A_953 = arith.constant 0 : i32
      %add3A_954 = arith.addi %multiple_of3A_920, %add3A_953 : i32
      %mul3A_955 = arith.constant 5000 : i32
      %mul3A_956 = arith.muli %add3A_954, %mul3A_955 : i32
      %multiple_of3A_957 = tpu.assume_multiple %mul3A_956, 8 : i32
      %dma_start3A_958 = arith.constant 0 : i32
      %dma_start3A_959 = tpu.memref_slice %arg12[%dma_start3A_958] : memref<40064xf32, #tpu.memory_space<vmem>> -> memref<5000xf32, #tpu.memory_space<vmem>>
      %dma_start3A_960 = tpu.memref_slice %arg6[%multiple_of3A_957] : memref<25000000xf32, #tpu.memory_space<hbm>> -> memref<5000xf32, #tpu.memory_space<hbm>>
      %dma_start3A_961 = tpu.memref_slice %arg6[%multiple_of3A_957] : memref<25000000xf32, #tpu.memory_space<hbm>> -> memref<5000xf32, #tpu.memory_space<hbm>>
      %dma_start3A_962 = arith.constant 0 : i32
      %dma_start3A_963 = tpu.memref_slice %arg12[%dma_start3A_962] : memref<40064xf32, #tpu.memory_space<vmem>> -> memref<5000xf32, #tpu.memory_space<vmem>>
      tpu.enqueue_dma source(%dma_start3A_963 : memref<5000xf32, #tpu.memory_space<vmem>>) target(%dma_start3A_961 : memref<5000xf32, #tpu.memory_space<hbm>>) target_semaphore(%arg16 : memref<!tpu.dma_semaphore, #tpu.memory_space<semaphore_mem>>)
      %add3A_964 = arith.constant 1 : i32
      %add3A_965 = arith.addi %multiple_of3A_920, %add3A_964 : i32
      %mul3A_966 = arith.constant 5000 : i32
      %mul3A_967 = arith.muli %add3A_965, %mul3A_966 : i32
      %multiple_of3A_968 = tpu.assume_multiple %mul3A_967, 8 : i32
      %dma_start3A_969 = arith.constant 5008 : i32
      %dma_start3A_970 = tpu.memref_slice %arg12[%dma_start3A_969] : memref<40064xf32, #tpu.memory_space<vmem>> -> memref<5000xf32, #tpu.memory_space<vmem>>
      %dma_start3A_971 = tpu.memref_slice %arg6[%multiple_of3A_968] : memref<25000000xf32, #tpu.memory_space<hbm>> -> memref<5000xf32, #tpu.memory_space<hbm>>
      %dma_start3A_972 = tpu.memref_slice %arg6[%multiple_of3A_968] : memref<25000000xf32, #tpu.memory_space<hbm>> -> memref<5000xf32, #tpu.memory_space<hbm>>
      %dma_start3A_973 = arith.constant 5008 : i32
      %dma_start3A_974 = tpu.memref_slice %arg12[%dma_start3A_973] : memref<40064xf32, #tpu.memory_space<vmem>> -> memref<5000xf32, #tpu.memory_space<vmem>>
      tpu.enqueue_dma source(%dma_start3A_974 : memref<5000xf32, #tpu.memory_space<vmem>>) target(%dma_start3A_972 : memref<5000xf32, #tpu.memory_space<hbm>>) target_semaphore(%arg16 : memref<!tpu.dma_semaphore, #tpu.memory_space<semaphore_mem>>)
      %add3A_975 = arith.constant 2 : i32
      %add3A_976 = arith.addi %multiple_of3A_920, %add3A_975 : i32
      %mul3A_977 = arith.constant 5000 : i32
      %mul3A_978 = arith.muli %add3A_976, %mul3A_977 : i32
      %multiple_of3A_979 = tpu.assume_multiple %mul3A_978, 8 : i32
      %dma_start3A_980 = arith.constant 10016 : i32
      %dma_start3A_981 = tpu.memref_slice %arg12[%dma_start3A_980] : memref<40064xf32, #tpu.memory_space<vmem>> -> memref<5000xf32, #tpu.memory_space<vmem>>
      %dma_start3A_982 = tpu.memref_slice %arg6[%multiple_of3A_979] : memref<25000000xf32, #tpu.memory_space<hbm>> -> memref<5000xf32, #tpu.memory_space<hbm>>
      %dma_start3A_983 = tpu.memref_slice %arg6[%multiple_of3A_979] : memref<25000000xf32, #tpu.memory_space<hbm>> -> memref<5000xf32, #tpu.memory_space<hbm>>
      %dma_start3A_984 = arith.constant 10016 : i32
      %dma_start3A_985 = tpu.memref_slice %arg12[%dma_start3A_984] : memref<40064xf32, #tpu.memory_space<vmem>> -> memref<5000xf32, #tpu.memory_space<vmem>>
      tpu.enqueue_dma source(%dma_start3A_985 : memref<5000xf32, #tpu.memory_space<vmem>>) target(%dma_start3A_983 : memref<5000xf32, #tpu.memory_space<hbm>>) target_semaphore(%arg16 : memref<!tpu.dma_semaphore, #tpu.memory_space<semaphore_mem>>)
      %add3A_986 = arith.constant 3 : i32
      %add3A_987 = arith.addi %multiple_of3A_920, %add3A_986 : i32
      %mul3A_988 = arith.constant 5000 : i32
      %mul3A_989 = arith.muli %add3A_987, %mul3A_988 : i32
      %multiple_of3A_990 = tpu.assume_multiple %mul3A_989, 8 : i32
      %dma_start3A_991 = arith.constant 15024 : i32
      %dma_start3A_992 = tpu.memref_slice %arg12[%dma_start3A_991] : memref<40064xf32, #tpu.memory_space<vmem>> -> memref<5000xf32, #tpu.memory_space<vmem>>
      %dma_start3A_993 = tpu.memref_slice %arg6[%multiple_of3A_990] : memref<25000000xf32, #tpu.memory_space<hbm>> -> memref<5000xf32, #tpu.memory_space<hbm>>
      %dma_start3A_994 = tpu.memref_slice %arg6[%multiple_of3A_990] : memref<25000000xf32, #tpu.memory_space<hbm>> -> memref<5000xf32, #tpu.memory_space<hbm>>
      %dma_start3A_995 = arith.constant 15024 : i32
      %dma_start3A_996 = tpu.memref_slice %arg12[%dma_start3A_995] : memref<40064xf32, #tpu.memory_space<vmem>> -> memref<5000xf32, #tpu.memory_space<vmem>>
      tpu.enqueue_dma source(%dma_start3A_996 : memref<5000xf32, #tpu.memory_space<vmem>>) target(%dma_start3A_994 : memref<5000xf32, #tpu.memory_space<hbm>>) target_semaphore(%arg16 : memref<!tpu.dma_semaphore, #tpu.memory_space<semaphore_mem>>)
      %add3A_997 = arith.constant 4 : i32
      %add3A_998 = arith.addi %multiple_of3A_920, %add3A_997 : i32
      %mul3A_999 = arith.constant 5000 : i32
      %mul3A_1000 = arith.muli %add3A_998, %mul3A_999 : i32
      %multiple_of3A_1001 = tpu.assume_multiple %mul3A_1000, 8 : i32
      %dma_start3A_1002 = arith.constant 20032 : i32
      %dma_start3A_1003 = tpu.memref_slice %arg12[%dma_start3A_1002] : memref<40064xf32, #tpu.memory_space<vmem>> -> memref<5000xf32, #tpu.memory_space<vmem>>
      %dma_start3A_1004 = tpu.memref_slice %arg6[%multiple_of3A_1001] : memref<25000000xf32, #tpu.memory_space<hbm>> -> memref<5000xf32, #tpu.memory_space<hbm>>
      %dma_start3A_1005 = tpu.memref_slice %arg6[%multiple_of3A_1001] : memref<25000000xf32, #tpu.memory_space<hbm>> -> memref<5000xf32, #tpu.memory_space<hbm>>
      %dma_start3A_1006 = arith.constant 20032 : i32
      %dma_start3A_1007 = tpu.memref_slice %arg12[%dma_start3A_1006] : memref<40064xf32, #tpu.memory_space<vmem>> -> memref<5000xf32, #tpu.memory_space<vmem>>
      tpu.enqueue_dma source(%dma_start3A_1007 : memref<5000xf32, #tpu.memory_space<vmem>>) target(%dma_start3A_1005 : memref<5000xf32, #tpu.memory_space<hbm>>) target_semaphore(%arg16 : memref<!tpu.dma_semaphore, #tpu.memory_space<semaphore_mem>>)
      %add3A_1008 = arith.constant 5 : i32
      %add3A_1009 = arith.addi %multiple_of3A_920, %add3A_1008 : i32
      %mul3A_1010 = arith.constant 5000 : i32
      %mul3A_1011 = arith.muli %add3A_1009, %mul3A_1010 : i32
      %multiple_of3A_1012 = tpu.assume_multiple %mul3A_1011, 8 : i32
      %dma_start3A_1013 = arith.constant 25040 : i32
      %dma_start3A_1014 = tpu.memref_slice %arg12[%dma_start3A_1013] : memref<40064xf32, #tpu.memory_space<vmem>> -> memref<5000xf32, #tpu.memory_space<vmem>>
      %dma_start3A_1015 = tpu.memref_slice %arg6[%multiple_of3A_1012] : memref<25000000xf32, #tpu.memory_space<hbm>> -> memref<5000xf32, #tpu.memory_space<hbm>>
      %dma_start3A_1016 = tpu.memref_slice %arg6[%multiple_of3A_1012] : memref<25000000xf32, #tpu.memory_space<hbm>> -> memref<5000xf32, #tpu.memory_space<hbm>>
      %dma_start3A_1017 = arith.constant 25040 : i32
      %dma_start3A_1018 = tpu.memref_slice %arg12[%dma_start3A_1017] : memref<40064xf32, #tpu.memory_space<vmem>> -> memref<5000xf32, #tpu.memory_space<vmem>>
      tpu.enqueue_dma source(%dma_start3A_1018 : memref<5000xf32, #tpu.memory_space<vmem>>) target(%dma_start3A_1016 : memref<5000xf32, #tpu.memory_space<hbm>>) target_semaphore(%arg16 : memref<!tpu.dma_semaphore, #tpu.memory_space<semaphore_mem>>)
      %add3A_1019 = arith.constant 6 : i32
      %add3A_1020 = arith.addi %multiple_of3A_920, %add3A_1019 : i32
      %mul3A_1021 = arith.constant 5000 : i32
      %mul3A_1022 = arith.muli %add3A_1020, %mul3A_1021 : i32
      %multiple_of3A_1023 = tpu.assume_multiple %mul3A_1022, 8 : i32
      %dma_start3A_1024 = arith.constant 30048 : i32
      %dma_start3A_1025 = tpu.memref_slice %arg12[%dma_start3A_1024] : memref<40064xf32, #tpu.memory_space<vmem>> -> memref<5000xf32, #tpu.memory_space<vmem>>
      %dma_start3A_1026 = tpu.memref_slice %arg6[%multiple_of3A_1023] : memref<25000000xf32, #tpu.memory_space<hbm>> -> memref<5000xf32, #tpu.memory_space<hbm>>
      %dma_start3A_1027 = tpu.memref_slice %arg6[%multiple_of3A_1023] : memref<25000000xf32, #tpu.memory_space<hbm>> -> memref<5000xf32, #tpu.memory_space<hbm>>
      %dma_start3A_1028 = arith.constant 30048 : i32
      %dma_start3A_1029 = tpu.memref_slice %arg12[%dma_start3A_1028] : memref<40064xf32, #tpu.memory_space<vmem>> -> memref<5000xf32, #tpu.memory_space<vmem>>
      tpu.enqueue_dma source(%dma_start3A_1029 : memref<5000xf32, #tpu.memory_space<vmem>>) target(%dma_start3A_1027 : memref<5000xf32, #tpu.memory_space<hbm>>) target_semaphore(%arg16 : memref<!tpu.dma_semaphore, #tpu.memory_space<semaphore_mem>>)
      %add3A_1030 = arith.constant 7 : i32
      %add3A_1031 = arith.addi %multiple_of3A_920, %add3A_1030 : i32
      %mul3A_1032 = arith.constant 5000 : i32
      %mul3A_1033 = arith.muli %add3A_1031, %mul3A_1032 : i32
      %multiple_of3A_1034 = tpu.assume_multiple %mul3A_1033, 8 : i32
      %dma_start3A_1035 = arith.constant 35056 : i32
      %dma_start3A_1036 = tpu.memref_slice %arg12[%dma_start3A_1035] : memref<40064xf32, #tpu.memory_space<vmem>> -> memref<5000xf32, #tpu.memory_space<vmem>>
      %dma_start3A_1037 = tpu.memref_slice %arg6[%multiple_of3A_1034] : memref<25000000xf32, #tpu.memory_space<hbm>> -> memref<5000xf32, #tpu.memory_space<hbm>>
      %dma_start3A_1038 = tpu.memref_slice %arg6[%multiple_of3A_1034] : memref<25000000xf32, #tpu.memory_space<hbm>> -> memref<5000xf32, #tpu.memory_space<hbm>>
      %dma_start3A_1039 = arith.constant 35056 : i32
      %dma_start3A_1040 = tpu.memref_slice %arg12[%dma_start3A_1039] : memref<40064xf32, #tpu.memory_space<vmem>> -> memref<5000xf32, #tpu.memory_space<vmem>>
      tpu.enqueue_dma source(%dma_start3A_1040 : memref<5000xf32, #tpu.memory_space<vmem>>) target(%dma_start3A_1038 : memref<5000xf32, #tpu.memory_space<hbm>>) target_semaphore(%arg16 : memref<!tpu.dma_semaphore, #tpu.memory_space<semaphore_mem>>)
      %while3A_1041 = arith.constant 0 : i32
      scf.yield %while3A_1041 : i32
    }
    %while3A_815 = arith.constant 1 : i32
    %while3A_816 = scf.for %while3A_915 = %while3A_812 to %while3A_808 step %while3A_815 iter_args(%while3A_916 = %while3A_814) -> (i32)  : i32 {
      %mul3A_917 = arith.constant 8 : i32
      %mul3A_918 = arith.muli %while3A_915, %mul3A_917 : i32
      %add3A_919 = arith.addi %multiple_of3A, %mul3A_918 : i32
      %multiple_of3A_920 = tpu.assume_multiple %add3A_919, 8 : i32
      %dma_start3A_921 = arith.constant 0 : i32
      %dma_start3A_922 = arith.constant 0 : i32
      %dma_start3A_923 = tpu.memref_slice %arg11[%dma_start3A_921, %dma_start3A_922] : memref<8x10112xf32, #tpu.memory_space<vmem>> -> memref<8x9984xf32, #tpu.memory_space<vmem>>
      %dma_start3A_924 = tpu.memref_slice %arg10[%multiple_of3A_920] : memref<5008xi32, #tpu.memory_space<vmem>> -> memref<8xi32, #tpu.memory_space<vmem>>
      %dma_start3A_925 = arith.constant 0 : i32
      %dma_start3A_926 = arith.constant 0 : i32
      %dma_start3A_927 = tpu.memref_slice %arg3[%dma_start3A_925, %dma_start3A_926] : memref<10000x10000xf32, #tpu.memory_space<hbm>> -> memref<10000x9984xf32, #tpu.memory_space<hbm>>
      tpu.enqueue_indirect_dma source(%dma_start3A_927 : memref<10000x9984xf32, #tpu.memory_space<hbm>>) target(%dma_start3A_923 : memref<8x9984xf32, #tpu.memory_space<vmem>>) offsets(%dma_start3A_924 : memref<8xi32, #tpu.memory_space<vmem>>) semaphore(%arg15 : memref<!tpu.dma_semaphore, #tpu.memory_space<semaphore_mem>>)
      %dma_start3A_928 = arith.constant 0 : i32
      %dma_start3A_929 = arith.constant 9984 : i32
      %dma_start3A_930 = tpu.memref_slice %arg11[%dma_start3A_928, %dma_start3A_929] : memref<8x10112xf32, #tpu.memory_space<vmem>> -> memref<8x128xf32, #tpu.memory_space<vmem>>
      %dma_start3A_931 = tpu.memref_slice %arg10[%multiple_of3A_920] : memref<5008xi32, #tpu.memory_space<vmem>> -> memref<8xi32, #tpu.memory_space<vmem>>
      %dma_start3A_932 = arith.constant 0 : i32
      %dma_start3A_933 = arith.constant 0 : i32
      %dma_start3A_934 = tpu.memref_slice %arg4[%dma_start3A_932, %dma_start3A_933] : memref<10000x128xf32, #tpu.memory_space<hbm>> -> memref<10000x128xf32, #tpu.memory_space<hbm>>
      tpu.enqueue_indirect_dma source(%dma_start3A_934 : memref<10000x128xf32, #tpu.memory_space<hbm>>) target(%dma_start3A_930 : memref<8x128xf32, #tpu.memory_space<vmem>>) offsets(%dma_start3A_931 : memref<8xi32, #tpu.memory_space<vmem>>) semaphore(%arg15 : memref<!tpu.dma_semaphore, #tpu.memory_space<semaphore_mem>>)
      %gt3A = arith.constant 0 : i32
      %gt3A_935 = arith.cmpi sgt, %while3A_915, %gt3A : i32
      %convert_element_type3A = arith.extui %gt3A_935 : i1 to i32
      %cond3A = arith.constant 0 : i32
      %cond3A_936 = arith.cmpi ne, %convert_element_type3A, %cond3A : i32
      scf.if %cond3A_936 {
        %sub3A_1042 = arith.constant 1 : i32
        %sub3A_1043 = arith.subi %while3A_915, %sub3A_1042 : i32
        %mul3A_1044 = arith.constant 8 : i32
        %mul3A_1045 = arith.muli %sub3A_1043, %mul3A_1044 : i32
        %add3A_1046 = arith.addi %multiple_of3A, %mul3A_1045 : i32
        %multiple_of3A_1047 = tpu.assume_multiple %add3A_1046, 8 : i32
        %add3A_1048 = arith.constant 0 : i32
        %add3A_1049 = arith.addi %multiple_of3A_1047, %add3A_1048 : i32
        %mul3A_1050 = arith.constant 5000 : i32
        %mul3A_1051 = arith.muli %add3A_1049, %mul3A_1050 : i32
        %multiple_of3A_1052 = tpu.assume_multiple %mul3A_1051, 8 : i32
        %dma_wait3A_1053 = arith.constant 0 : i32
        %dma_wait3A_1054 = tpu.memref_slice %arg12[%dma_wait3A_1053] : memref<40064xf32, #tpu.memory_space<vmem>> -> memref<5000xf32, #tpu.memory_space<vmem>>
        %dma_wait3A_1055 = tpu.memref_slice %arg6[%multiple_of3A_1052] : memref<25000000xf32, #tpu.memory_space<hbm>> -> memref<5000xf32, #tpu.memory_space<hbm>>
        %dma_wait3A_1056 = tpu.memref_slice %arg6[%multiple_of3A_1052] : memref<25000000xf32, #tpu.memory_space<hbm>> -> memref<5000xf32, #tpu.memory_space<hbm>>
        %dma_wait3A_1057 = arith.constant 0 : i32
        %dma_wait3A_1058 = tpu.memref_slice %arg12[%dma_wait3A_1057] : memref<40064xf32, #tpu.memory_space<vmem>> -> memref<5000xf32, #tpu.memory_space<vmem>>
        tpu.wait_dma2 semaphore(%arg16 : memref<!tpu.dma_semaphore, #tpu.memory_space<semaphore_mem>>) src(%dma_wait3A_1058 : memref<5000xf32, #tpu.memory_space<vmem>>) dst(%dma_wait3A_1056 : memref<5000xf32, #tpu.memory_space<hbm>>)
        %add3A_1059 = arith.constant 1 : i32
        %add3A_1060 = arith.addi %multiple_of3A_1047, %add3A_1059 : i32
        %mul3A_1061 = arith.constant 5000 : i32
        %mul3A_1062 = arith.muli %add3A_1060, %mul3A_1061 : i32
        %multiple_of3A_1063 = tpu.assume_multiple %mul3A_1062, 8 : i32
        %dma_wait3A_1064 = arith.constant 5008 : i32
        %dma_wait3A_1065 = tpu.memref_slice %arg12[%dma_wait3A_1064] : memref<40064xf32, #tpu.memory_space<vmem>> -> memref<5000xf32, #tpu.memory_space<vmem>>
        %dma_wait3A_1066 = tpu.memref_slice %arg6[%multiple_of3A_1063] : memref<25000000xf32, #tpu.memory_space<hbm>> -> memref<5000xf32, #tpu.memory_space<hbm>>
        %dma_wait3A_1067 = tpu.memref_slice %arg6[%multiple_of3A_1063] : memref<25000000xf32, #tpu.memory_space<hbm>> -> memref<5000xf32, #tpu.memory_space<hbm>>
        %dma_wait3A_1068 = arith.constant 5008 : i32
        %dma_wait3A_1069 = tpu.memref_slice %arg12[%dma_wait3A_1068] : memref<40064xf32, #tpu.memory_space<vmem>> -> memref<5000xf32, #tpu.memory_space<vmem>>
        tpu.wait_dma2 semaphore(%arg16 : memref<!tpu.dma_semaphore, #tpu.memory_space<semaphore_mem>>) src(%dma_wait3A_1069 : memref<5000xf32, #tpu.memory_space<vmem>>) dst(%dma_wait3A_1067 : memref<5000xf32, #tpu.memory_space<hbm>>)
        %add3A_1070 = arith.constant 2 : i32
        %add3A_1071 = arith.addi %multiple_of3A_1047, %add3A_1070 : i32
        %mul3A_1072 = arith.constant 5000 : i32
        %mul3A_1073 = arith.muli %add3A_1071, %mul3A_1072 : i32
        %multiple_of3A_1074 = tpu.assume_multiple %mul3A_1073, 8 : i32
        %dma_wait3A_1075 = arith.constant 10016 : i32
        %dma_wait3A_1076 = tpu.memref_slice %arg12[%dma_wait3A_1075] : memref<40064xf32, #tpu.memory_space<vmem>> -> memref<5000xf32, #tpu.memory_space<vmem>>
        %dma_wait3A_1077 = tpu.memref_slice %arg6[%multiple_of3A_1074] : memref<25000000xf32, #tpu.memory_space<hbm>> -> memref<5000xf32, #tpu.memory_space<hbm>>
        %dma_wait3A_1078 = tpu.memref_slice %arg6[%multiple_of3A_1074] : memref<25000000xf32, #tpu.memory_space<hbm>> -> memref<5000xf32, #tpu.memory_space<hbm>>
        %dma_wait3A_1079 = arith.constant 10016 : i32
        %dma_wait3A_1080 = tpu.memref_slice %arg12[%dma_wait3A_1079] : memref<40064xf32, #tpu.memory_space<vmem>> -> memref<5000xf32, #tpu.memory_space<vmem>>
        tpu.wait_dma2 semaphore(%arg16 : memref<!tpu.dma_semaphore, #tpu.memory_space<semaphore_mem>>) src(%dma_wait3A_1080 : memref<5000xf32, #tpu.memory_space<vmem>>) dst(%dma_wait3A_1078 : memref<5000xf32, #tpu.memory_space<hbm>>)
        %add3A_1081 = arith.constant 3 : i32
        %add3A_1082 = arith.addi %multiple_of3A_1047, %add3A_1081 : i32
        %mul3A_1083 = arith.constant 5000 : i32
        %mul3A_1084 = arith.muli %add3A_1082, %mul3A_1083 : i32
        %multiple_of3A_1085 = tpu.assume_multiple %mul3A_1084, 8 : i32
        %dma_wait3A_1086 = arith.constant 15024 : i32
        %dma_wait3A_1087 = tpu.memref_slice %arg12[%dma_wait3A_1086] : memref<40064xf32, #tpu.memory_space<vmem>> -> memref<5000xf32, #tpu.memory_space<vmem>>
        %dma_wait3A_1088 = tpu.memref_slice %arg6[%multiple_of3A_1085] : memref<25000000xf32, #tpu.memory_space<hbm>> -> memref<5000xf32, #tpu.memory_space<hbm>>
        %dma_wait3A_1089 = tpu.memref_slice %arg6[%multiple_of3A_1085] : memref<25000000xf32, #tpu.memory_space<hbm>> -> memref<5000xf32, #tpu.memory_space<hbm>>
        %dma_wait3A_1090 = arith.constant 15024 : i32
        %dma_wait3A_1091 = tpu.memref_slice %arg12[%dma_wait3A_1090] : memref<40064xf32, #tpu.memory_space<vmem>> -> memref<5000xf32, #tpu.memory_space<vmem>>
        tpu.wait_dma2 semaphore(%arg16 : memref<!tpu.dma_semaphore, #tpu.memory_space<semaphore_mem>>) src(%dma_wait3A_1091 : memref<5000xf32, #tpu.memory_space<vmem>>) dst(%dma_wait3A_1089 : memref<5000xf32, #tpu.memory_space<hbm>>)
        %add3A_1092 = arith.constant 4 : i32
        %add3A_1093 = arith.addi %multiple_of3A_1047, %add3A_1092 : i32
        %mul3A_1094 = arith.constant 5000 : i32
        %mul3A_1095 = arith.muli %add3A_1093, %mul3A_1094 : i32
        %multiple_of3A_1096 = tpu.assume_multiple %mul3A_1095, 8 : i32
        %dma_wait3A_1097 = arith.constant 20032 : i32
        %dma_wait3A_1098 = tpu.memref_slice %arg12[%dma_wait3A_1097] : memref<40064xf32, #tpu.memory_space<vmem>> -> memref<5000xf32, #tpu.memory_space<vmem>>
        %dma_wait3A_1099 = tpu.memref_slice %arg6[%multiple_of3A_1096] : memref<25000000xf32, #tpu.memory_space<hbm>> -> memref<5000xf32, #tpu.memory_space<hbm>>
        %dma_wait3A_1100 = tpu.memref_slice %arg6[%multiple_of3A_1096] : memref<25000000xf32, #tpu.memory_space<hbm>> -> memref<5000xf32, #tpu.memory_space<hbm>>
        %dma_wait3A_1101 = arith.constant 20032 : i32
        %dma_wait3A_1102 = tpu.memref_slice %arg12[%dma_wait3A_1101] : memref<40064xf32, #tpu.memory_space<vmem>> -> memref<5000xf32, #tpu.memory_space<vmem>>
        tpu.wait_dma2 semaphore(%arg16 : memref<!tpu.dma_semaphore, #tpu.memory_space<semaphore_mem>>) src(%dma_wait3A_1102 : memref<5000xf32, #tpu.memory_space<vmem>>) dst(%dma_wait3A_1100 : memref<5000xf32, #tpu.memory_space<hbm>>)
        %add3A_1103 = arith.constant 5 : i32
        %add3A_1104 = arith.addi %multiple_of3A_1047, %add3A_1103 : i32
        %mul3A_1105 = arith.constant 5000 : i32
        %mul3A_1106 = arith.muli %add3A_1104, %mul3A_1105 : i32
        %multiple_of3A_1107 = tpu.assume_multiple %mul3A_1106, 8 : i32
        %dma_wait3A_1108 = arith.constant 25040 : i32
        %dma_wait3A_1109 = tpu.memref_slice %arg12[%dma_wait3A_1108] : memref<40064xf32, #tpu.memory_space<vmem>> -> memref<5000xf32, #tpu.memory_space<vmem>>
        %dma_wait3A_1110 = tpu.memref_slice %arg6[%multiple_of3A_1107] : memref<25000000xf32, #tpu.memory_space<hbm>> -> memref<5000xf32, #tpu.memory_space<hbm>>
        %dma_wait3A_1111 = tpu.memref_slice %arg6[%multiple_of3A_1107] : memref<25000000xf32, #tpu.memory_space<hbm>> -> memref<5000xf32, #tpu.memory_space<hbm>>
        %dma_wait3A_1112 = arith.constant 25040 : i32
        %dma_wait3A_1113 = tpu.memref_slice %arg12[%dma_wait3A_1112] : memref<40064xf32, #tpu.memory_space<vmem>> -> memref<5000xf32, #tpu.memory_space<vmem>>
        tpu.wait_dma2 semaphore(%arg16 : memref<!tpu.dma_semaphore, #tpu.memory_space<semaphore_mem>>) src(%dma_wait3A_1113 : memref<5000xf32, #tpu.memory_space<vmem>>) dst(%dma_wait3A_1111 : memref<5000xf32, #tpu.memory_space<hbm>>)
        %add3A_1114 = arith.constant 6 : i32
        %add3A_1115 = arith.addi %multiple_of3A_1047, %add3A_1114 : i32
        %mul3A_1116 = arith.constant 5000 : i32
        %mul3A_1117 = arith.muli %add3A_1115, %mul3A_1116 : i32
        %multiple_of3A_1118 = tpu.assume_multiple %mul3A_1117, 8 : i32
        %dma_wait3A_1119 = arith.constant 30048 : i32
        %dma_wait3A_1120 = tpu.memref_slice %arg12[%dma_wait3A_1119] : memref<40064xf32, #tpu.memory_space<vmem>> -> memref<5000xf32, #tpu.memory_space<vmem>>
        %dma_wait3A_1121 = tpu.memref_slice %arg6[%multiple_of3A_1118] : memref<25000000xf32, #tpu.memory_space<hbm>> -> memref<5000xf32, #tpu.memory_space<hbm>>
        %dma_wait3A_1122 = tpu.memref_slice %arg6[%multiple_of3A_1118] : memref<25000000xf32, #tpu.memory_space<hbm>> -> memref<5000xf32, #tpu.memory_space<hbm>>
        %dma_wait3A_1123 = arith.constant 30048 : i32
        %dma_wait3A_1124 = tpu.memref_slice %arg12[%dma_wait3A_1123] : memref<40064xf32, #tpu.memory_space<vmem>> -> memref<5000xf32, #tpu.memory_space<vmem>>
        tpu.wait_dma2 semaphore(%arg16 : memref<!tpu.dma_semaphore, #tpu.memory_space<semaphore_mem>>) src(%dma_wait3A_1124 : memref<5000xf32, #tpu.memory_space<vmem>>) dst(%dma_wait3A_1122 : memref<5000xf32, #tpu.memory_space<hbm>>)
        %add3A_1125 = arith.constant 7 : i32
        %add3A_1126 = arith.addi %multiple_of3A_1047, %add3A_1125 : i32
        %mul3A_1127 = arith.constant 5000 : i32
        %mul3A_1128 = arith.muli %add3A_1126, %mul3A_1127 : i32
        %multiple_of3A_1129 = tpu.assume_multiple %mul3A_1128, 8 : i32
        %dma_wait3A_1130 = arith.constant 35056 : i32
        %dma_wait3A_1131 = tpu.memref_slice %arg12[%dma_wait3A_1130] : memref<40064xf32, #tpu.memory_space<vmem>> -> memref<5000xf32, #tpu.memory_space<vmem>>
        %dma_wait3A_1132 = tpu.memref_slice %arg6[%multiple_of3A_1129] : memref<25000000xf32, #tpu.memory_space<hbm>> -> memref<5000xf32, #tpu.memory_space<hbm>>
        %dma_wait3A_1133 = tpu.memref_slice %arg6[%multiple_of3A_1129] : memref<25000000xf32, #tpu.memory_space<hbm>> -> memref<5000xf32, #tpu.memory_space<hbm>>
        %dma_wait3A_1134 = arith.constant 35056 : i32
        %dma_wait3A_1135 = tpu.memref_slice %arg12[%dma_wait3A_1134] : memref<40064xf32, #tpu.memory_space<vmem>> -> memref<5000xf32, #tpu.memory_space<vmem>>
        tpu.wait_dma2 semaphore(%arg16 : memref<!tpu.dma_semaphore, #tpu.memory_space<semaphore_mem>>) src(%dma_wait3A_1135 : memref<5000xf32, #tpu.memory_space<vmem>>) dst(%dma_wait3A_1133 : memref<5000xf32, #tpu.memory_space<hbm>>)
      } else {
      }
      %dma_wait3A_937 = arith.constant 0 : i32
      %dma_wait3A_938 = arith.constant 0 : i32
      %dma_wait3A_939 = tpu.memref_slice %arg11[%dma_wait3A_937, %dma_wait3A_938] : memref<8x10112xf32, #tpu.memory_space<vmem>> -> memref<8x9984xf32, #tpu.memory_space<vmem>>
      %dma_wait3A_940 = tpu.memref_slice %arg10[%multiple_of3A_920] : memref<5008xi32, #tpu.memory_space<vmem>> -> memref<8xi32, #tpu.memory_space<vmem>>
      %dma_wait3A_941 = arith.constant 0 : i32
      %dma_wait3A_942 = arith.constant 0 : i32
      %dma_wait3A_943 = tpu.memref_slice %arg3[%dma_wait3A_941, %dma_wait3A_942] : memref<10000x10000xf32, #tpu.memory_space<hbm>> -> memref<10000x9984xf32, #tpu.memory_space<hbm>>
      tpu.wait_indirect_dma semaphore(%arg15 : memref<!tpu.dma_semaphore, #tpu.memory_space<semaphore_mem>>) src(%dma_wait3A_943 : memref<10000x9984xf32, #tpu.memory_space<hbm>>) dst(%dma_wait3A_939 : memref<8x9984xf32, #tpu.memory_space<vmem>>)
      %dma_wait3A_944 = arith.constant 0 : i32
      %dma_wait3A_945 = arith.constant 9984 : i32
      %dma_wait3A_946 = tpu.memref_slice %arg11[%dma_wait3A_944, %dma_wait3A_945] : memref<8x10112xf32, #tpu.memory_space<vmem>> -> memref<8x128xf32, #tpu.memory_space<vmem>>
      %dma_wait3A_947 = tpu.memref_slice %arg10[%multiple_of3A_920] : memref<5008xi32, #tpu.memory_space<vmem>> -> memref<8xi32, #tpu.memory_space<vmem>>
      %dma_wait3A_948 = arith.constant 0 : i32
      %dma_wait3A_949 = arith.constant 0 : i32
      %dma_wait3A_950 = tpu.memref_slice %arg4[%dma_wait3A_948, %dma_wait3A_949] : memref<10000x128xf32, #tpu.memory_space<hbm>> -> memref<10000x128xf32, #tpu.memory_space<hbm>>
      tpu.wait_indirect_dma semaphore(%arg15 : memref<!tpu.dma_semaphore, #tpu.memory_space<semaphore_mem>>) src(%dma_wait3A_950 : memref<10000x128xf32, #tpu.memory_space<hbm>>) dst(%dma_wait3A_946 : memref<8x128xf32, #tpu.memory_space<vmem>>)
      %parallel_loop3A = arith.constant 0 : i32
      %parallel_loop3A_951 = arith.constant 313 : i32
      %parallel_loop3A_952 = arith.constant 1 : i32
      scf.for %parallel_loop3A_1042 = %parallel_loop3A to %parallel_loop3A_951 step %parallel_loop3A_952  : i32 {
        %parallel_loop3A_1043 = arith.constant 16 : i32
        %parallel_loop3A_1044 = arith.muli %parallel_loop3A_1042, %parallel_loop3A_1043 : i32
        %parallel_loop3A_1045 = tpu.assume_multiple %parallel_loop3A_1044, 16 : i32
        %parallel_loop3A_1046 = arith.index_cast %parallel_loop3A_1045 : i32 to index
        %parallel_loop3A_1047 = tpu.vector_load %arg10[%parallel_loop3A_1046] {strides = array<i32>} : memref<5008xi32, #tpu.memory_space<vmem>>, vector<16xi32>,
        %parallel_loop3A_1048 = tpu.vector_load_idx %arg11[%broadcast_in_dim3A_772, %parallel_loop3A_1047] : memref<8x10112xf32, #tpu.memory_space<vmem>>[vector<16xi32>, vector<16xi32>], vector<16xf32>,
        %parallel_loop3A_1049 = arith.constant 0 : i32
        %parallel_loop3A_1050 = arith.addi %parallel_loop3A_1049, %parallel_loop3A_1045 : i32
        %parallel_loop3A_1051 = arith.index_cast %parallel_loop3A_1050 : i32 to index
        %parallel_loop3A_1052 = tpu.vector_load %arg12[%parallel_loop3A_1051] {strides = array<i32>} : memref<40064xf32, #tpu.memory_space<vmem>>, vector<16xf32>,
        tpu.vector_store %arg12[%parallel_loop3A_1051], %parallel_loop3A_1048 {strides = array<i32>} : memref<40064xf32, #tpu.memory_space<vmem>>, vector<16xf32>,
        %parallel_loop3A_1053 = tpu.vector_load_idx %arg11[%broadcast_in_dim3A_774, %parallel_loop3A_1047] : memref<8x10112xf32, #tpu.memory_space<vmem>>[vector<16xi32>, vector<16xi32>], vector<16xf32>,
        %parallel_loop3A_1054 = arith.constant 5008 : i32
        %parallel_loop3A_1055 = arith.addi %parallel_loop3A_1054, %parallel_loop3A_1045 : i32
        %parallel_loop3A_1056 = arith.index_cast %parallel_loop3A_1055 : i32 to index
        %parallel_loop3A_1057 = tpu.vector_load %arg12[%parallel_loop3A_1056] {strides = array<i32>} : memref<40064xf32, #tpu.memory_space<vmem>>, vector<16xf32>,
        tpu.vector_store %arg12[%parallel_loop3A_1056], %parallel_loop3A_1053 {strides = array<i32>} : memref<40064xf32, #tpu.memory_space<vmem>>, vector<16xf32>,
        %parallel_loop3A_1058 = tpu.vector_load_idx %arg11[%broadcast_in_dim3A_776, %parallel_loop3A_1047] : memref<8x10112xf32, #tpu.memory_space<vmem>>[vector<16xi32>, vector<16xi32>], vector<16xf32>,
        %parallel_loop3A_1059 = arith.constant 10016 : i32
        %parallel_loop3A_1060 = arith.addi %parallel_loop3A_1059, %parallel_loop3A_1045 : i32
        %parallel_loop3A_1061 = arith.index_cast %parallel_loop3A_1060 : i32 to index
        %parallel_loop3A_1062 = tpu.vector_load %arg12[%parallel_loop3A_1061] {strides = array<i32>} : memref<40064xf32, #tpu.memory_space<vmem>>, vector<16xf32>,
        tpu.vector_store %arg12[%parallel_loop3A_1061], %parallel_loop3A_1058 {strides = array<i32>} : memref<40064xf32, #tpu.memory_space<vmem>>, vector<16xf32>,
        %parallel_loop3A_1063 = tpu.vector_load_idx %arg11[%broadcast_in_dim3A_778, %parallel_loop3A_1047] : memref<8x10112xf32, #tpu.memory_space<vmem>>[vector<16xi32>, vector<16xi32>], vector<16xf32>,
        %parallel_loop3A_1064 = arith.constant 15024 : i32
        %parallel_loop3A_1065 = arith.addi %parallel_loop3A_1064, %parallel_loop3A_1045 : i32
        %parallel_loop3A_1066 = arith.index_cast %parallel_loop3A_1065 : i32 to index
        %parallel_loop3A_1067 = tpu.vector_load %arg12[%parallel_loop3A_1066] {strides = array<i32>} : memref<40064xf32, #tpu.memory_space<vmem>>, vector<16xf32>,
        tpu.vector_store %arg12[%parallel_loop3A_1066], %parallel_loop3A_1063 {strides = array<i32>} : memref<40064xf32, #tpu.memory_space<vmem>>, vector<16xf32>,
        %parallel_loop3A_1068 = tpu.vector_load_idx %arg11[%broadcast_in_dim3A_780, %parallel_loop3A_1047] : memref<8x10112xf32, #tpu.memory_space<vmem>>[vector<16xi32>, vector<16xi32>], vector<16xf32>,
        %parallel_loop3A_1069 = arith.constant 20032 : i32
        %parallel_loop3A_1070 = arith.addi %parallel_loop3A_1069, %parallel_loop3A_1045 : i32
        %parallel_loop3A_1071 = arith.index_cast %parallel_loop3A_1070 : i32 to index
        %parallel_loop3A_1072 = tpu.vector_load %arg12[%parallel_loop3A_1071] {strides = array<i32>} : memref<40064xf32, #tpu.memory_space<vmem>>, vector<16xf32>,
        tpu.vector_store %arg12[%parallel_loop3A_1071], %parallel_loop3A_1068 {strides = array<i32>} : memref<40064xf32, #tpu.memory_space<vmem>>, vector<16xf32>,
        %parallel_loop3A_1073 = tpu.vector_load_idx %arg11[%broadcast_in_dim3A_782, %parallel_loop3A_1047] : memref<8x10112xf32, #tpu.memory_space<vmem>>[vector<16xi32>, vector<16xi32>], vector<16xf32>,
        %parallel_loop3A_1074 = arith.constant 25040 : i32
        %parallel_loop3A_1075 = arith.addi %parallel_loop3A_1074, %parallel_loop3A_1045 : i32
        %parallel_loop3A_1076 = arith.index_cast %parallel_loop3A_1075 : i32 to index
        %parallel_loop3A_1077 = tpu.vector_load %arg12[%parallel_loop3A_1076] {strides = array<i32>} : memref<40064xf32, #tpu.memory_space<vmem>>, vector<16xf32>,
        tpu.vector_store %arg12[%parallel_loop3A_1076], %parallel_loop3A_1073 {strides = array<i32>} : memref<40064xf32, #tpu.memory_space<vmem>>, vector<16xf32>,
        %parallel_loop3A_1078 = tpu.vector_load_idx %arg11[%broadcast_in_dim3A_784, %parallel_loop3A_1047] : memref<8x10112xf32, #tpu.memory_space<vmem>>[vector<16xi32>, vector<16xi32>], vector<16xf32>,
        %parallel_loop3A_1079 = arith.constant 30048 : i32
        %parallel_loop3A_1080 = arith.addi %parallel_loop3A_1079, %parallel_loop3A_1045 : i32
        %parallel_loop3A_1081 = arith.index_cast %parallel_loop3A_1080 : i32 to index
        %parallel_loop3A_1082 = tpu.vector_load %arg12[%parallel_loop3A_1081] {strides = array<i32>} : memref<40064xf32, #tpu.memory_space<vmem>>, vector<16xf32>,
        tpu.vector_store %arg12[%parallel_loop3A_1081], %parallel_loop3A_1078 {strides = array<i32>} : memref<40064xf32, #tpu.memory_space<vmem>>, vector<16xf32>,
        %parallel_loop3A_1083 = tpu.vector_load_idx %arg11[%broadcast_in_dim3A_786, %parallel_loop3A_1047] : memref<8x10112xf32, #tpu.memory_space<vmem>>[vector<16xi32>, vector<16xi32>], vector<16xf32>,
        %parallel_loop3A_1084 = arith.constant 35056 : i32
        %parallel_loop3A_1085 = arith.addi %parallel_loop3A_1084, %parallel_loop3A_1045 : i32
        %parallel_loop3A_1086 = arith.index_cast %parallel_loop3A_1085 : i32 to index
        %parallel_loop3A_1087 = tpu.vector_load %arg12[%parallel_loop3A_1086] {strides = array<i32>} : memref<40064xf32, #tpu.memory_space<vmem>>, vector<16xf32>,
        tpu.vector_store %arg12[%parallel_loop3A_1086], %parallel_loop3A_1083 {strides = array<i32>} : memref<40064xf32, #tpu.memory_space<vmem>>, vector<16xf32>,
      } {sc.loop_unroll_factor = 2 : i64, sc.parallel_access}
      %add3A_953 = arith.constant 0 : i32
      %add3A_954 = arith.addi %multiple_of3A_920, %add3A_953 : i32
      %mul3A_955 = arith.constant 5000 : i32
      %mul3A_956 = arith.muli %add3A_954, %mul3A_955 : i32
      %multiple_of3A_957 = tpu.assume_multiple %mul3A_956, 8 : i32
      %dma_start3A_958 = arith.constant 0 : i32
      %dma_start3A_959 = tpu.memref_slice %arg12[%dma_start3A_958] : memref<40064xf32, #tpu.memory_space<vmem>> -> memref<5000xf32, #tpu.memory_space<vmem>>
      %dma_start3A_960 = tpu.memref_slice %arg6[%multiple_of3A_957] : memref<25000000xf32, #tpu.memory_space<hbm>> -> memref<5000xf32, #tpu.memory_space<hbm>>
      %dma_start3A_961 = tpu.memref_slice %arg6[%multiple_of3A_957] : memref<25000000xf32, #tpu.memory_space<hbm>> -> memref<5000xf32, #tpu.memory_space<hbm>>
      %dma_start3A_962 = arith.constant 0 : i32
      %dma_start3A_963 = tpu.memref_slice %arg12[%dma_start3A_962] : memref<40064xf32, #tpu.memory_space<vmem>> -> memref<5000xf32, #tpu.memory_space<vmem>>
      tpu.enqueue_dma source(%dma_start3A_963 : memref<5000xf32, #tpu.memory_space<vmem>>) target(%dma_start3A_961 : memref<5000xf32, #tpu.memory_space<hbm>>) target_semaphore(%arg16 : memref<!tpu.dma_semaphore, #tpu.memory_space<semaphore_mem>>)
      %add3A_964 = arith.constant 1 : i32
      %add3A_965 = arith.addi %multiple_of3A_920, %add3A_964 : i32
      %mul3A_966 = arith.constant 5000 : i32
      %mul3A_967 = arith.muli %add3A_965, %mul3A_966 : i32
      %multiple_of3A_968 = tpu.assume_multiple %mul3A_967, 8 : i32
      %dma_start3A_969 = arith.constant 5008 : i32
      %dma_start3A_970 = tpu.memref_slice %arg12[%dma_start3A_969] : memref<40064xf32, #tpu.memory_space<vmem>> -> memref<5000xf32, #tpu.memory_space<vmem>>
      %dma_start3A_971 = tpu.memref_slice %arg6[%multiple_of3A_968] : memref<25000000xf32, #tpu.memory_space<hbm>> -> memref<5000xf32, #tpu.memory_space<hbm>>
      %dma_start3A_972 = tpu.memref_slice %arg6[%multiple_of3A_968] : memref<25000000xf32, #tpu.memory_space<hbm>> -> memref<5000xf32, #tpu.memory_space<hbm>>
      %dma_start3A_973 = arith.constant 5008 : i32
      %dma_start3A_974 = tpu.memref_slice %arg12[%dma_start3A_973] : memref<40064xf32, #tpu.memory_space<vmem>> -> memref<5000xf32, #tpu.memory_space<vmem>>
      tpu.enqueue_dma source(%dma_start3A_974 : memref<5000xf32, #tpu.memory_space<vmem>>) target(%dma_start3A_972 : memref<5000xf32, #tpu.memory_space<hbm>>) target_semaphore(%arg16 : memref<!tpu.dma_semaphore, #tpu.memory_space<semaphore_mem>>)
      %add3A_975 = arith.constant 2 : i32
      %add3A_976 = arith.addi %multiple_of3A_920, %add3A_975 : i32
      %mul3A_977 = arith.constant 5000 : i32
      %mul3A_978 = arith.muli %add3A_976, %mul3A_977 : i32
      %multiple_of3A_979 = tpu.assume_multiple %mul3A_978, 8 : i32
      %dma_start3A_980 = arith.constant 10016 : i32
      %dma_start3A_981 = tpu.memref_slice %arg12[%dma_start3A_980] : memref<40064xf32, #tpu.memory_space<vmem>> -> memref<5000xf32, #tpu.memory_space<vmem>>
      %dma_start3A_982 = tpu.memref_slice %arg6[%multiple_of3A_979] : memref<25000000xf32, #tpu.memory_space<hbm>> -> memref<5000xf32, #tpu.memory_space<hbm>>
      %dma_start3A_983 = tpu.memref_slice %arg6[%multiple_of3A_979] : memref<25000000xf32, #tpu.memory_space<hbm>> -> memref<5000xf32, #tpu.memory_space<hbm>>
      %dma_start3A_984 = arith.constant 10016 : i32
      %dma_start3A_985 = tpu.memref_slice %arg12[%dma_start3A_984] : memref<40064xf32, #tpu.memory_space<vmem>> -> memref<5000xf32, #tpu.memory_space<vmem>>
      tpu.enqueue_dma source(%dma_start3A_985 : memref<5000xf32, #tpu.memory_space<vmem>>) target(%dma_start3A_983 : memref<5000xf32, #tpu.memory_space<hbm>>) target_semaphore(%arg16 : memref<!tpu.dma_semaphore, #tpu.memory_space<semaphore_mem>>)
      %add3A_986 = arith.constant 3 : i32
      %add3A_987 = arith.addi %multiple_of3A_920, %add3A_986 : i32
      %mul3A_988 = arith.constant 5000 : i32
      %mul3A_989 = arith.muli %add3A_987, %mul3A_988 : i32
      %multiple_of3A_990 = tpu.assume_multiple %mul3A_989, 8 : i32
      %dma_start3A_991 = arith.constant 15024 : i32
      %dma_start3A_992 = tpu.memref_slice %arg12[%dma_start3A_991] : memref<40064xf32, #tpu.memory_space<vmem>> -> memref<5000xf32, #tpu.memory_space<vmem>>
      %dma_start3A_993 = tpu.memref_slice %arg6[%multiple_of3A_990] : memref<25000000xf32, #tpu.memory_space<hbm>> -> memref<5000xf32, #tpu.memory_space<hbm>>
      %dma_start3A_994 = tpu.memref_slice %arg6[%multiple_of3A_990] : memref<25000000xf32, #tpu.memory_space<hbm>> -> memref<5000xf32, #tpu.memory_space<hbm>>
      %dma_start3A_995 = arith.constant 15024 : i32
      %dma_start3A_996 = tpu.memref_slice %arg12[%dma_start3A_995] : memref<40064xf32, #tpu.memory_space<vmem>> -> memref<5000xf32, #tpu.memory_space<vmem>>
      tpu.enqueue_dma source(%dma_start3A_996 : memref<5000xf32, #tpu.memory_space<vmem>>) target(%dma_start3A_994 : memref<5000xf32, #tpu.memory_space<hbm>>) target_semaphore(%arg16 : memref<!tpu.dma_semaphore, #tpu.memory_space<semaphore_mem>>)
      %add3A_997 = arith.constant 4 : i32
      %add3A_998 = arith.addi %multiple_of3A_920, %add3A_997 : i32
      %mul3A_999 = arith.constant 5000 : i32
      %mul3A_1000 = arith.muli %add3A_998, %mul3A_999 : i32
      %multiple_of3A_1001 = tpu.assume_multiple %mul3A_1000, 8 : i32
      %dma_start3A_1002 = arith.constant 20032 : i32
      %dma_start3A_1003 = tpu.memref_slice %arg12[%dma_start3A_1002] : memref<40064xf32, #tpu.memory_space<vmem>> -> memref<5000xf32, #tpu.memory_space<vmem>>
      %dma_start3A_1004 = tpu.memref_slice %arg6[%multiple_of3A_1001] : memref<25000000xf32, #tpu.memory_space<hbm>> -> memref<5000xf32, #tpu.memory_space<hbm>>
      %dma_start3A_1005 = tpu.memref_slice %arg6[%multiple_of3A_1001] : memref<25000000xf32, #tpu.memory_space<hbm>> -> memref<5000xf32, #tpu.memory_space<hbm>>
      %dma_start3A_1006 = arith.constant 20032 : i32
      %dma_start3A_1007 = tpu.memref_slice %arg12[%dma_start3A_1006] : memref<40064xf32, #tpu.memory_space<vmem>> -> memref<5000xf32, #tpu.memory_space<vmem>>
      tpu.enqueue_dma source(%dma_start3A_1007 : memref<5000xf32, #tpu.memory_space<vmem>>) target(%dma_start3A_1005 : memref<5000xf32, #tpu.memory_space<hbm>>) target_semaphore(%arg16 : memref<!tpu.dma_semaphore, #tpu.memory_space<semaphore_mem>>)
      %add3A_1008 = arith.constant 5 : i32
      %add3A_1009 = arith.addi %multiple_of3A_920, %add3A_1008 : i32
      %mul3A_1010 = arith.constant 5000 : i32
      %mul3A_1011 = arith.muli %add3A_1009, %mul3A_1010 : i32
      %multiple_of3A_1012 = tpu.assume_multiple %mul3A_1011, 8 : i32
      %dma_start3A_1013 = arith.constant 25040 : i32
      %dma_start3A_1014 = tpu.memref_slice %arg12[%dma_start3A_1013] : memref<40064xf32, #tpu.memory_space<vmem>> -> memref<5000xf32, #tpu.memory_space<vmem>>
      %dma_start3A_1015 = tpu.memref_slice %arg6[%multiple_of3A_1012] : memref<25000000xf32, #tpu.memory_space<hbm>> -> memref<5000xf32, #tpu.memory_space<hbm>>
      %dma_start3A_1016 = tpu.memref_slice %arg6[%multiple_of3A_1012] : memref<25000000xf32, #tpu.memory_space<hbm>> -> memref<5000xf32, #tpu.memory_space<hbm>>
      %dma_start3A_1017 = arith.constant 25040 : i32
      %dma_start3A_1018 = tpu.memref_slice %arg12[%dma_start3A_1017] : memref<40064xf32, #tpu.memory_space<vmem>> -> memref<5000xf32, #tpu.memory_space<vmem>>
      tpu.enqueue_dma source(%dma_start3A_1018 : memref<5000xf32, #tpu.memory_space<vmem>>) target(%dma_start3A_1016 : memref<5000xf32, #tpu.memory_space<hbm>>) target_semaphore(%arg16 : memref<!tpu.dma_semaphore, #tpu.memory_space<semaphore_mem>>)
      %add3A_1019 = arith.constant 6 : i32
      %add3A_1020 = arith.addi %multiple_of3A_920, %add3A_1019 : i32
      %mul3A_1021 = arith.constant 5000 : i32
      %mul3A_1022 = arith.muli %add3A_1020, %mul3A_1021 : i32
      %multiple_of3A_1023 = tpu.assume_multiple %mul3A_1022, 8 : i32
      %dma_start3A_1024 = arith.constant 30048 : i32
      %dma_start3A_1025 = tpu.memref_slice %arg12[%dma_start3A_1024] : memref<40064xf32, #tpu.memory_space<vmem>> -> memref<5000xf32, #tpu.memory_space<vmem>>
      %dma_start3A_1026 = tpu.memref_slice %arg6[%multiple_of3A_1023] : memref<25000000xf32, #tpu.memory_space<hbm>> -> memref<5000xf32, #tpu.memory_space<hbm>>
      %dma_start3A_1027 = tpu.memref_slice %arg6[%multiple_of3A_1023] : memref<25000000xf32, #tpu.memory_space<hbm>> -> memref<5000xf32, #tpu.memory_space<hbm>>
      %dma_start3A_1028 = arith.constant 30048 : i32
      %dma_start3A_1029 = tpu.memref_slice %arg12[%dma_start3A_1028] : memref<40064xf32, #tpu.memory_space<vmem>> -> memref<5000xf32, #tpu.memory_space<vmem>>
      tpu.enqueue_dma source(%dma_start3A_1029 : memref<5000xf32, #tpu.memory_space<vmem>>) target(%dma_start3A_1027 : memref<5000xf32, #tpu.memory_space<hbm>>) target_semaphore(%arg16 : memref<!tpu.dma_semaphore, #tpu.memory_space<semaphore_mem>>)
      %add3A_1030 = arith.constant 7 : i32
      %add3A_1031 = arith.addi %multiple_of3A_920, %add3A_1030 : i32
      %mul3A_1032 = arith.constant 5000 : i32
      %mul3A_1033 = arith.muli %add3A_1031, %mul3A_1032 : i32
      %multiple_of3A_1034 = tpu.assume_multiple %mul3A_1033, 8 : i32
      %dma_start3A_1035 = arith.constant 35056 : i32
      %dma_start3A_1036 = tpu.memref_slice %arg12[%dma_start3A_1035] : memref<40064xf32, #tpu.memory_space<vmem>> -> memref<5000xf32, #tpu.memory_space<vmem>>
      %dma_start3A_1037 = tpu.memref_slice %arg6[%multiple_of3A_1034] : memref<25000000xf32, #tpu.memory_space<hbm>> -> memref<5000xf32, #tpu.memory_space<hbm>>
      %dma_start3A_1038 = tpu.memref_slice %arg6[%multiple_of3A_1034] : memref<25000000xf32, #tpu.memory_space<hbm>> -> memref<5000xf32, #tpu.memory_space<hbm>>
      %dma_start3A_1039 = arith.constant 35056 : i32
      %dma_start3A_1040 = tpu.memref_slice %arg12[%dma_start3A_1039] : memref<40064xf32, #tpu.memory_space<vmem>> -> memref<5000xf32, #tpu.memory_space<vmem>>
      tpu.enqueue_dma source(%dma_start3A_1040 : memref<5000xf32, #tpu.memory_space<vmem>>) target(%dma_start3A_1038 : memref<5000xf32, #tpu.memory_space<hbm>>) target_semaphore(%arg16 : memref<!tpu.dma_semaphore, #tpu.memory_space<semaphore_mem>>)
      %while3A_1041 = arith.constant 0 : i32
      scf.yield %while3A_1041 : i32
    }
    %add3A_817 = arith.addi %multiple_of3A, %select_n3A_771 : i32
    %sub3A_818 = arith.constant 8 : i32
    %sub3A_819 = arith.subi %add3A_817, %sub3A_818 : i32
    %multiple_of3A_820 = tpu.assume_multiple %sub3A_819, 8 : i32
    %add3A_821 = arith.constant 0 : i32
    %add3A_822 = arith.addi %multiple_of3A_820, %add3A_821 : i32
    %mul3A_823 = arith.constant 5000 : i32
    %mul3A_824 = arith.muli %add3A_822, %mul3A_823 : i32
    %multiple_of3A_825 = tpu.assume_multiple %mul3A_824, 8 : i32
    %dma_wait3A_826 = arith.constant 0 : i32
    %dma_wait3A_827 = tpu.memref_slice %arg12[%dma_wait3A_826] : memref<40064xf32, #tpu.memory_space<vmem>> -> memref<5000xf32, #tpu.memory_space<vmem>>
    %dma_wait3A_828 = tpu.memref_slice %arg6[%multiple_of3A_825] : memref<25000000xf32, #tpu.memory_space<hbm>> -> memref<5000xf32, #tpu.memory_space<hbm>>
    %dma_wait3A_829 = tpu.memref_slice %arg6[%multiple_of3A_825] : memref<25000000xf32, #tpu.memory_space<hbm>> -> memref<5000xf32, #tpu.memory_space<hbm>>
    %dma_wait3A_830 = arith.constant 0 : i32
    %dma_wait3A_831 = tpu.memref_slice %arg12[%dma_wait3A_830] : memref<40064xf32, #tpu.memory_space<vmem>> -> memref<5000xf32, #tpu.memory_space<vmem>>
    tpu.wait_dma2 semaphore(%arg16 : memref<!tpu.dma_semaphore, #tpu.memory_space<semaphore_mem>>) src(%dma_wait3A_831 : memref<5000xf32, #tpu.memory_space<vmem>>) dst(%dma_wait3A_829 : memref<5000xf32, #tpu.memory_space<hbm>>)
    %add3A_832 = arith.constant 1 : i32
    %add3A_833 = arith.addi %multiple_of3A_820, %add3A_832 : i32
    %mul3A_834 = arith.constant 5000 : i32
    %mul3A_835 = arith.muli %add3A_833, %mul3A_834 : i32
    %multiple_of3A_836 = tpu.assume_multiple %mul3A_835, 8 : i32
    %dma_wait3A_837 = arith.constant 5008 : i32
    %dma_wait3A_838 = tpu.memref_slice %arg12[%dma_wait3A_837] : memref<40064xf32, #tpu.memory_space<vmem>> -> memref<5000xf32, #tpu.memory_space<vmem>>
    %dma_wait3A_839 = tpu.memref_slice %arg6[%multiple_of3A_836] : memref<25000000xf32, #tpu.memory_space<hbm>> -> memref<5000xf32, #tpu.memory_space<hbm>>
    %dma_wait3A_840 = tpu.memref_slice %arg6[%multiple_of3A_836] : memref<25000000xf32, #tpu.memory_space<hbm>> -> memref<5000xf32, #tpu.memory_space<hbm>>
    %dma_wait3A_841 = arith.constant 5008 : i32
    %dma_wait3A_842 = tpu.memref_slice %arg12[%dma_wait3A_841] : memref<40064xf32, #tpu.memory_space<vmem>> -> memref<5000xf32, #tpu.memory_space<vmem>>
    tpu.wait_dma2 semaphore(%arg16 : memref<!tpu.dma_semaphore, #tpu.memory_space<semaphore_mem>>) src(%dma_wait3A_842 : memref<5000xf32, #tpu.memory_space<vmem>>) dst(%dma_wait3A_840 : memref<5000xf32, #tpu.memory_space<hbm>>)
    %add3A_843 = arith.constant 2 : i32
    %add3A_844 = arith.addi %multiple_of3A_820, %add3A_843 : i32
    %mul3A_845 = arith.constant 5000 : i32
    %mul3A_846 = arith.muli %add3A_844, %mul3A_845 : i32
    %multiple_of3A_847 = tpu.assume_multiple %mul3A_846, 8 : i32
    %dma_wait3A_848 = arith.constant 10016 : i32
    %dma_wait3A_849 = tpu.memref_slice %arg12[%dma_wait3A_848] : memref<40064xf32, #tpu.memory_space<vmem>> -> memref<5000xf32, #tpu.memory_space<vmem>>
    %dma_wait3A_850 = tpu.memref_slice %arg6[%multiple_of3A_847] : memref<25000000xf32, #tpu.memory_space<hbm>> -> memref<5000xf32, #tpu.memory_space<hbm>>
    %dma_wait3A_851 = tpu.memref_slice %arg6[%multiple_of3A_847] : memref<25000000xf32, #tpu.memory_space<hbm>> -> memref<5000xf32, #tpu.memory_space<hbm>>
    %dma_wait3A_852 = arith.constant 10016 : i32
    %dma_wait3A_853 = tpu.memref_slice %arg12[%dma_wait3A_852] : memref<40064xf32, #tpu.memory_space<vmem>> -> memref<5000xf32, #tpu.memory_space<vmem>>
    tpu.wait_dma2 semaphore(%arg16 : memref<!tpu.dma_semaphore, #tpu.memory_space<semaphore_mem>>) src(%dma_wait3A_853 : memref<5000xf32, #tpu.memory_space<vmem>>) dst(%dma_wait3A_851 : memref<5000xf32, #tpu.memory_space<hbm>>)
    %add3A_854 = arith.constant 3 : i32
    %add3A_855 = arith.addi %multiple_of3A_820, %add3A_854 : i32
    %mul3A_856 = arith.constant 5000 : i32
    %mul3A_857 = arith.muli %add3A_855, %mul3A_856 : i32
    %multiple_of3A_858 = tpu.assume_multiple %mul3A_857, 8 : i32
    %dma_wait3A_859 = arith.constant 15024 : i32
    %dma_wait3A_860 = tpu.memref_slice %arg12[%dma_wait3A_859] : memref<40064xf32, #tpu.memory_space<vmem>> -> memref<5000xf32, #tpu.memory_space<vmem>>
    %dma_wait3A_861 = tpu.memref_slice %arg6[%multiple_of3A_858] : memref<25000000xf32, #tpu.memory_space<hbm>> -> memref<5000xf32, #tpu.memory_space<hbm>>
    %dma_wait3A_862 = tpu.memref_slice %arg6[%multiple_of3A_858] : memref<25000000xf32, #tpu.memory_space<hbm>> -> memref<5000xf32, #tpu.memory_space<hbm>>
    %dma_wait3A_863 = arith.constant 15024 : i32
    %dma_wait3A_864 = tpu.memref_slice %arg12[%dma_wait3A_863] : memref<40064xf32, #tpu.memory_space<vmem>> -> memref<5000xf32, #tpu.memory_space<vmem>>
    tpu.wait_dma2 semaphore(%arg16 : memref<!tpu.dma_semaphore, #tpu.memory_space<semaphore_mem>>) src(%dma_wait3A_864 : memref<5000xf32, #tpu.memory_space<vmem>>) dst(%dma_wait3A_862 : memref<5000xf32, #tpu.memory_space<hbm>>)
    %add3A_865 = arith.constant 4 : i32
    %add3A_866 = arith.addi %multiple_of3A_820, %add3A_865 : i32
    %mul3A_867 = arith.constant 5000 : i32
    %mul3A_868 = arith.muli %add3A_866, %mul3A_867 : i32
    %multiple_of3A_869 = tpu.assume_multiple %mul3A_868, 8 : i32
    %dma_wait3A_870 = arith.constant 20032 : i32
    %dma_wait3A_871 = tpu.memref_slice %arg12[%dma_wait3A_870] : memref<40064xf32, #tpu.memory_space<vmem>> -> memref<5000xf32, #tpu.memory_space<vmem>>
    %dma_wait3A_872 = tpu.memref_slice %arg6[%multiple_of3A_869] : memref<25000000xf32, #tpu.memory_space<hbm>> -> memref<5000xf32, #tpu.memory_space<hbm>>
    %dma_wait3A_873 = tpu.memref_slice %arg6[%multiple_of3A_869] : memref<25000000xf32, #tpu.memory_space<hbm>> -> memref<5000xf32, #tpu.memory_space<hbm>>
    %dma_wait3A_874 = arith.constant 20032 : i32
    %dma_wait3A_875 = tpu.memref_slice %arg12[%dma_wait3A_874] : memref<40064xf32, #tpu.memory_space<vmem>> -> memref<5000xf32, #tpu.memory_space<vmem>>
    tpu.wait_dma2 semaphore(%arg16 : memref<!tpu.dma_semaphore, #tpu.memory_space<semaphore_mem>>) src(%dma_wait3A_875 : memref<5000xf32, #tpu.memory_space<vmem>>) dst(%dma_wait3A_873 : memref<5000xf32, #tpu.memory_space<hbm>>)
    %add3A_876 = arith.constant 5 : i32
    %add3A_877 = arith.addi %multiple_of3A_820, %add3A_876 : i32
    %mul3A_878 = arith.constant 5000 : i32
    %mul3A_879 = arith.muli %add3A_877, %mul3A_878 : i32
    %multiple_of3A_880 = tpu.assume_multiple %mul3A_879, 8 : i32
    %dma_wait3A_881 = arith.constant 25040 : i32
    %dma_wait3A_882 = tpu.memref_slice %arg12[%dma_wait3A_881] : memref<40064xf32, #tpu.memory_space<vmem>> -> memref<5000xf32, #tpu.memory_space<vmem>>
    %dma_wait3A_883 = tpu.memref_slice %arg6[%multiple_of3A_880] : memref<25000000xf32, #tpu.memory_space<hbm>> -> memref<5000xf32, #tpu.memory_space<hbm>>
    %dma_wait3A_884 = tpu.memref_slice %arg6[%multiple_of3A_880] : memref<25000000xf32, #tpu.memory_space<hbm>> -> memref<5000xf32, #tpu.memory_space<hbm>>
    %dma_wait3A_885 = arith.constant 25040 : i32
    %dma_wait3A_886 = tpu.memref_slice %arg12[%dma_wait3A_885] : memref<40064xf32, #tpu.memory_space<vmem>> -> memref<5000xf32, #tpu.memory_space<vmem>>
    tpu.wait_dma2 semaphore(%arg16 : memref<!tpu.dma_semaphore, #tpu.memory_space<semaphore_mem>>) src(%dma_wait3A_886 : memref<5000xf32, #tpu.memory_space<vmem>>) dst(%dma_wait3A_884 : memref<5000xf32, #tpu.memory_space<hbm>>)
    %add3A_887 = arith.constant 6 : i32
    %add3A_888 = arith.addi %multiple_of3A_820, %add3A_887 : i32
    %mul3A_889 = arith.constant 5000 : i32
    %mul3A_890 = arith.muli %add3A_888, %mul3A_889 : i32
    %multiple_of3A_891 = tpu.assume_multiple %mul3A_890, 8 : i32
    %dma_wait3A_892 = arith.constant 30048 : i32
    %dma_wait3A_893 = tpu.memref_slice %arg12[%dma_wait3A_892] : memref<40064xf32, #tpu.memory_space<vmem>> -> memref<5000xf32, #tpu.memory_space<vmem>>
    %dma_wait3A_894 = tpu.memref_slice %arg6[%multiple_of3A_891] : memref<25000000xf32, #tpu.memory_space<hbm>> -> memref<5000xf32, #tpu.memory_space<hbm>>
    %dma_wait3A_895 = tpu.memref_slice %arg6[%multiple_of3A_891] : memref<25000000xf32, #tpu.memory_space<hbm>> -> memref<5000xf32, #tpu.memory_space<hbm>>
    %dma_wait3A_896 = arith.constant 30048 : i32
    %dma_wait3A_897 = tpu.memref_slice %arg12[%dma_wait3A_896] : memref<40064xf32, #tpu.memory_space<vmem>> -> memref<5000xf32, #tpu.memory_space<vmem>>
    tpu.wait_dma2 semaphore(%arg16 : memref<!tpu.dma_semaphore, #tpu.memory_space<semaphore_mem>>) src(%dma_wait3A_897 : memref<5000xf32, #tpu.memory_space<vmem>>) dst(%dma_wait3A_895 : memref<5000xf32, #tpu.memory_space<hbm>>)
    %add3A_898 = arith.constant 7 : i32
    %add3A_899 = arith.addi %multiple_of3A_820, %add3A_898 : i32
    %mul3A_900 = arith.constant 5000 : i32
    %mul3A_901 = arith.muli %add3A_899, %mul3A_900 : i32
    %multiple_of3A_902 = tpu.assume_multiple %mul3A_901, 8 : i32
    %dma_wait3A_903 = arith.constant 35056 : i32
    %dma_wait3A_904 = tpu.memref_slice %arg12[%dma_wait3A_903] : memref<40064xf32, #tpu.memory_space<vmem>> -> memref<5000xf32, #tpu.memory_space<vmem>>
    %dma_wait3A_905 = tpu.memref_slice %arg6[%multiple_of3A_902] : memref<25000000xf32, #tpu.memory_space<hbm>> -> memref<5000xf32, #tpu.memory_space<hbm>>
    %dma_wait3A_906 = tpu.memref_slice %arg6[%multiple_of3A_902] : memref<25000000xf32, #tpu.memory_space<hbm>> -> memref<5000xf32, #tpu.memory_space<hbm>>
    %dma_wait3A_907 = arith.constant 35056 : i32
    %dma_wait3A_908 = tpu.memref_slice %arg12[%dma_wait3A_907] : memref<40064xf32, #tpu.memory_space<vmem>> -> memref<5000xf32, #tpu.memory_space<vmem>>
    tpu.wait_dma2 semaphore(%arg16 : memref<!tpu.dma_semaphore, #tpu.memory_space<semaphore_mem>>) src(%dma_wait3A_908 : memref<5000xf32, #tpu.memory_space<vmem>>) dst(%dma_wait3A_906 : memref<5000xf32, #tpu.memory_space<hbm>>)
    %scan3A = arith.constant 0 : i32
    %scan3A_909 = arith.constant 0 : i32
    %scan3A_910 = arith.constant 10 : i32
    %scan3A_911 = arith.addi %scan3A_909, %scan3A_910 : i32
    %scan3A_912 = arith.constant 1 : i32
    %scan3A_913 = scf.for %scan3A_915 = %scan3A_909 to %scan3A_911 step %scan3A_912 iter_args(%scan3A_916 = %scan3A) -> (i32)  : i32 {
      %mul3A_917 = arith.constant 16 : i32
      %mul3A_918 = arith.muli %scan3A_915, %mul3A_917 : i32
      %sub3A_919 = arith.constant 16 : i32
      %sub3A_920 = arith.subi %select_n3A_771, %sub3A_919 : i32
      %min3A = arith.minsi %mul3A_918, %sub3A_920 : i32
      %add3A_921 = arith.addi %multiple_of3A, %min3A : i32
      %multiple_of3A_922 = tpu.assume_multiple %add3A_921, 8 : i32
      %dma_start3A_923 = tpu.memref_slice %arg10[%multiple_of3A_922] : memref<5008xi32, #tpu.memory_space<vmem>> -> memref<16xi32, #tpu.memory_space<vmem>>
      %dma_start3A_924 = arith.constant 0 : i32
      %dma_start3A_925 = arith.constant 0 : i32
      %dma_start3A_926 = tpu.memref_slice %arg5[%dma_start3A_924, %dma_start3A_925] : memref<10000x128xf32, #tpu.memory_space<hbm>> -> memref<10000x128xf32, #tpu.memory_space<hbm>>
      tpu.enqueue_indirect_dma source(%dma_start3A_926 : memref<10000x128xf32, #tpu.memory_space<hbm>>) target(%arg13 : memref<16x128xf32, #tpu.memory_space<vmem>>) offsets(%dma_start3A_923 : memref<16xi32, #tpu.memory_space<vmem>>) semaphore(%arg15 : memref<!tpu.dma_semaphore, #tpu.memory_space<semaphore_mem>>)
      %dma_wait3A_927 = tpu.memref_slice %arg10[%multiple_of3A_922] : memref<5008xi32, #tpu.memory_space<vmem>> -> memref<16xi32, #tpu.memory_space<vmem>>
      %dma_wait3A_928 = arith.constant 0 : i32
      %dma_wait3A_929 = arith.constant 0 : i32
      %dma_wait3A_930 = tpu.memref_slice %arg5[%dma_wait3A_928, %dma_wait3A_929] : memref<10000x128xf32, #tpu.memory_space<hbm>> -> memref<10000x128xf32, #tpu.memory_space<hbm>>
      tpu.wait_indirect_dma semaphore(%arg15 : memref<!tpu.dma_semaphore, #tpu.memory_space<semaphore_mem>>) src(%dma_wait3A_930 : memref<10000x128xf32, #tpu.memory_space<hbm>>) dst(%arg13 : memref<16x128xf32, #tpu.memory_space<vmem>>)
      "tpu.region"() ({
        %run_scoped3A = tpu.sem_alloc : memref<!tpu.dma_semaphore, #tpu.memory_space<semaphore_mem>>
        %dma_start3A_932 = arith.constant 0 : i32
        %dma_start3A_933 = tpu.memref_slice %arg7[%multiple_of3A_922, %dma_start3A_932] : memref<5000x128xf32, #tpu.memory_space<hbm>> -> memref<16x128xf32, #tpu.memory_space<hbm>>
        %dma_start3A_934 = arith.constant 0 : i32
        %dma_start3A_935 = tpu.memref_slice %arg7[%multiple_of3A_922, %dma_start3A_934] : memref<5000x128xf32, #tpu.memory_space<hbm>> -> memref<16x128xf32, #tpu.memory_space<hbm>>
        tpu.enqueue_dma source(%arg13 : memref<16x128xf32, #tpu.memory_space<vmem>>) target(%dma_start3A_935 : memref<16x128xf32, #tpu.memory_space<hbm>>) target_semaphore(%run_scoped3A : memref<!tpu.dma_semaphore, #tpu.memory_space<semaphore_mem>>)
        %dma_wait3A_936 = arith.constant 0 : i32
        %dma_wait3A_937 = tpu.memref_slice %arg7[%multiple_of3A_922, %dma_wait3A_936] : memref<5000x128xf32, #tpu.memory_space<hbm>> -> memref<16x128xf32, #tpu.memory_space<hbm>>
        %dma_wait3A_938 = arith.constant 0 : i32
        %dma_wait3A_939 = tpu.memref_slice %arg7[%multiple_of3A_922, %dma_wait3A_938] : memref<5000x128xf32, #tpu.memory_space<hbm>> -> memref<16x128xf32, #tpu.memory_space<hbm>>
        tpu.wait_dma2 semaphore(%run_scoped3A : memref<!tpu.dma_semaphore, #tpu.memory_space<semaphore_mem>>) src(%arg13 : memref<16x128xf32, #tpu.memory_space<vmem>>) dst(%dma_wait3A_939 : memref<16x128xf32, #tpu.memory_space<hbm>>)
        tpu.yield
      }) : () -> ()
      %scan3A_931 = arith.constant 0 : i32
      scf.yield %scan3A_931 : i32
    }
    %scan3A_914 = arith.constant 10 : i32
    return
  }
}

module attributes {stable_mosaic.version = 14 : i64} {
  func.func @_scores_body(%arg0: i32, %arg1: memref<1024x128xf32, #tpu.memory_space<vmem>>, %arg2: memref<128x128xf32, #tpu.memory_space<vmem>>, %arg3: memref<1x128xf32, #tpu.memory_space<vmem>>, %arg4: memref<128x1xf32, #tpu.memory_space<vmem>>, %arg5: memref<1x1xf32, #tpu.memory_space<vmem>>, %arg6: memref<1024x1xf32, #tpu.memory_space<vmem>>) attributes {dimension_semantics = [#tpu.dimension_semantics<arbitrary>], iteration_bounds = array<i64: 10>, scalar_prefetch = 0 : i64, scratch_operands = 0 : i64, tpu.core_type = #tpu.core_type<tc>, window_params = [{transform_indices = @transform_0, window_bounds = array<i64: 1024, 128>}, {pipeline_mode = #tpu.pipeline_mode<synchronous>, transform_indices = @transform_1, window_bounds = array<i64: 128, 128>}, {pipeline_mode = #tpu.pipeline_mode<synchronous>, transform_indices = @transform_2, window_bounds = array<i64: 1, 128>}, {pipeline_mode = #tpu.pipeline_mode<synchronous>, transform_indices = @transform_3, window_bounds = array<i64: 128, 1>}, {pipeline_mode = #tpu.pipeline_mode<synchronous>, transform_indices = @transform_4, window_bounds = array<i64: 1, 1>}, {transform_indices = @transform_5, window_bounds = array<i64: 1024, 1>}]} {
    %get3A = arith.constant 0 : index
    %get3A_0 = arith.constant 0 : index
    %get3A_1 = vector.load %arg1[%get3A, %get3A_0] : memref<1024x128xf32, #tpu.memory_space<vmem>>, vector<1024x128xf32>
    %get3A_2 = arith.constant 0 : index
    %get3A_3 = arith.constant 0 : index
    %get3A_4 = vector.load %arg2[%get3A_2, %get3A_3] : memref<128x128xf32, #tpu.memory_space<vmem>>, vector<128x128xf32>
    %dot_general3A = arith.constant dense<0.000000e+00> : vector<1024x128xf32>
    %dot_general3A_5 = tpu.matmul %get3A_1, %get3A_4, %dot_general3A {dimension_numbers = #tpu.dot_dimension_numbers<[1], [0], [0], [1], [0, 0, 1, 1], [], []>, transpose_lhs_hint = false} : vector<1024x128xf32>, vector<128x128xf32>, vector<1024x128xf32> -> vector<1024x128xf32>
    %get3A_6 = arith.constant 0 : index
    %get3A_7 = arith.constant 0 : index
    %get3A_8 = vector.load %arg3[%get3A_6, %get3A_7] : memref<1x128xf32, #tpu.memory_space<vmem>>, vector<1x128xf32>
    %add3A = vector.broadcast %get3A_8 : vector<1x128xf32> to vector<1024x128xf32>
    %add3A_9 = arith.addf %dot_general3A_5, %add3A : vector<1024x128xf32>
    %tanh3A = math.tanh %add3A_9 : vector<1024x128xf32>
    %get3A_10 = arith.constant 0 : index
    %get3A_11 = arith.constant 0 : index
    %get3A_12 = vector.load %arg4[%get3A_10, %get3A_11] : memref<128x1xf32, #tpu.memory_space<vmem>>, vector<128x1xf32>
    %dot_general3A_13 = arith.constant dense<0.000000e+00> : vector<1024x1xf32>
    %dot_general3A_14 = tpu.matmul %tanh3A, %get3A_12, %dot_general3A_13 {dimension_numbers = #tpu.dot_dimension_numbers<[1], [0], [0], [1], [0, 0, 1, 1], [], []>, transpose_lhs_hint = false} : vector<1024x128xf32>, vector<128x1xf32>, vector<1024x1xf32> -> vector<1024x1xf32>
    %get3A_15 = arith.constant 0 : index
    %get3A_16 = arith.constant 0 : index
    %get3A_17 = vector.load %arg5[%get3A_15, %get3A_16] : memref<1x1xf32, #tpu.memory_space<vmem>>, vector<1x1xf32>
    %add3A_18 = vector.broadcast %get3A_17 : vector<1x1xf32> to vector<1024x1xf32>
    %add3A_19 = arith.addf %dot_general3A_14, %add3A_18 : vector<1024x1xf32>
    %swap3A = arith.constant 0 : index
    %swap3A_20 = arith.constant 0 : index
    %swap3A_21 = vector.load %arg6[%swap3A, %swap3A_20] : memref<1024x1xf32, #tpu.memory_space<vmem>>, vector<1024x1xf32>
    tpu.vector_store %arg6[%swap3A, %swap3A_20], %add3A_19 {strides = array<i32>} : memref<1024x1xf32, #tpu.memory_space<vmem>>, vector<1024x1xf32>,
    return
  }
  func.func @transform_0(%arg0: i32) -> (i32, i32) {
    %c0_i32 = arith.constant 0 : i32
    %c0_i32_0 = arith.constant 0 : i32
    return %arg0, %c0_i32 : i32, i32
  }
  func.func @transform_1(%arg0: i32) -> (i32, i32) {
    %c0_i32 = arith.constant 0 : i32
    %c0_i32_0 = arith.constant 0 : i32
    %c0_i32_1 = arith.constant 0 : i32
    return %c0_i32, %c0_i32_0 : i32, i32
  }
  func.func @transform_2(%arg0: i32) -> (i32, i32) {
    %c0_i32 = arith.constant 0 : i32
    %c0_i32_0 = arith.constant 0 : i32
    %c0_i32_1 = arith.constant 0 : i32
    return %c0_i32, %c0_i32_0 : i32, i32
  }
  func.func @transform_3(%arg0: i32) -> (i32, i32) {
    %c0_i32 = arith.constant 0 : i32
    %c0_i32_0 = arith.constant 0 : i32
    %c0_i32_1 = arith.constant 0 : i32
    return %c0_i32, %c0_i32_0 : i32, i32
  }
  func.func @transform_4(%arg0: i32) -> (i32, i32) {
    %c0_i32 = arith.constant 0 : i32
    %c0_i32_0 = arith.constant 0 : i32
    %c0_i32_1 = arith.constant 0 : i32
    return %c0_i32, %c0_i32_0 : i32, i32
  }
  func.func @transform_5(%arg0: i32) -> (i32, i32) {
    %c0_i32 = arith.constant 0 : i32
    %c0_i32_0 = arith.constant 0 : i32
    return %arg0, %c0_i32 : i32, i32
  }
}

module attributes {stable_mosaic.version = 14 : i64} {
  func.func @_rank_body(%arg0: i32, %arg1: memref<1024x1xf32, #tpu.memory_space<vmem>>, %arg2: memref<10x1024xf32, #tpu.memory_space<vmem>>, %arg3: memref<1024x1xi32, #tpu.memory_space<vmem>>) attributes {dimension_semantics = [#tpu.dimension_semantics<arbitrary>], iteration_bounds = array<i64: 10>, scalar_prefetch = 0 : i64, scratch_operands = 0 : i64, tpu.core_type = #tpu.core_type<tc>, window_params = [{transform_indices = @transform_0, window_bounds = array<i64: 1024, 1>}, {pipeline_mode = #tpu.pipeline_mode<synchronous>, transform_indices = @transform_1, window_bounds = array<i64: 10, 1024>}, {transform_indices = @transform_2, window_bounds = array<i64: 1024, 1>}]} {
    %iota3A = tpu.iota {dimensions = array<i32: 0>} : vector<1024x1xi32>
    %mul3A = arith.constant 1024 : i32
    %mul3A_0 = arith.muli %arg0, %mul3A : i32
    %add3A = vector.broadcast %mul3A_0 : i32 to vector<1024x1xi32>
    %add3A_1 = arith.addi %iota3A, %add3A : vector<1024x1xi32>
    %lt3A = arith.constant 10000 : i32
    %lt3A_2 = vector.broadcast %lt3A : i32 to vector<1024x1xi32>
    %lt3A_3 = arith.cmpi slt, %add3A_1, %lt3A_2 : vector<1024x1xi32>
    %get3A = arith.constant 0 : index
    %get3A_4 = arith.constant 0 : index
    %get3A_5 = vector.load %arg1[%get3A, %get3A_4] : memref<1024x1xf32, #tpu.memory_space<vmem>>, vector<1024x1xf32>
    %jit3A = arith.constant -1.000000e+00 : f32
    %broadcast_in_dim3A = vector.broadcast %jit3A : f32 to vector<1024x1xf32>
    %select_n3A = arith.select %lt3A_3, %get3A_5, %broadcast_in_dim3A : vector<1024x1xi1>, vector<1024x1xf32>
    %iota3A_6 = tpu.iota {dimensions = array<i32: 1>} : vector<1x1024xi32>
    %broadcast_in_dim3A_7 = arith.constant 0 : i32
    %broadcast_in_dim3A_8 = vector.broadcast %broadcast_in_dim3A_7 : i32 to vector<1024x1xi32>
    %add3A_9 = arith.constant 0 : i32
    %add3A_10 = vector.broadcast %add3A_9 : i32 to vector<1x1024xi32>
    %add3A_11 = arith.addi %iota3A_6, %add3A_10 : vector<1x1024xi32>
    %lt3A_12 = arith.constant 10000 : i32
    %lt3A_13 = vector.broadcast %lt3A_12 : i32 to vector<1x1024xi32>
    %lt3A_14 = arith.cmpi slt, %add3A_11, %lt3A_13 : vector<1x1024xi32>
    %get3A_15 = arith.constant 0 : index
    %get3A_16 = arith.constant 0 : index
    %get3A_17 = vector.load %arg2[%get3A_15, %get3A_16] : memref<10x1024xf32, #tpu.memory_space<vmem>>, vector<1x1024xf32>
    %jit3A_18 = arith.constant -1.000000e+00 : f32
    %broadcast_in_dim3A_19 = vector.broadcast %jit3A_18 : f32 to vector<1x1024xf32>
    %select_n3A_20 = arith.select %lt3A_14, %get3A_17, %broadcast_in_dim3A_19 : vector<1x1024xi1>, vector<1x1024xf32>
    %gt3A = vector.broadcast %select_n3A_20 : vector<1x1024xf32> to vector<1024x1024xf32>
    %gt3A_21 = vector.broadcast %select_n3A : vector<1024x1xf32> to vector<1024x1024xf32>
    %gt3A_22 = arith.cmpf ogt, %gt3A, %gt3A_21 : vector<1024x1024xf32>
    %eq3A = vector.broadcast %select_n3A_20 : vector<1x1024xf32> to vector<1024x1024xf32>
    %eq3A_23 = vector.broadcast %select_n3A : vector<1024x1xf32> to vector<1024x1024xf32>
    %eq3A_24 = arith.cmpf oeq, %eq3A, %eq3A_23 : vector<1024x1024xf32>
    %lt3A_25 = vector.broadcast %add3A_11 : vector<1x1024xi32> to vector<1024x1024xi32>
    %lt3A_26 = vector.broadcast %add3A_1 : vector<1024x1xi32> to vector<1024x1024xi32>
    %lt3A_27 = arith.cmpi slt, %lt3A_25, %lt3A_26 : vector<1024x1024xi32>
    %and3A = arith.andi %eq3A_24, %lt3A_27 : vector<1024x1024xi1>
    %or3A = arith.ori %gt3A_22, %and3A : vector<1024x1024xi1>
    %convert_element_type3A = arith.extui %or3A : vector<1024x1024xi1> to vector<1024x1024xi32>
    %reduce_sum3A = arith.constant dense<0> : vector<1024xi32>
    %reduce_sum3A_28 = vector.multi_reduction <add>, %convert_element_type3A, %reduce_sum3A [1] : vector<1024x1024xi32> to vector<1024xi32>
    %broadcast_in_dim3A_29 = vector.shape_cast %reduce_sum3A_28 : vector<1024xi32> to vector<1024x1xi32>
    %add3A_30 = arith.addi %broadcast_in_dim3A_8, %broadcast_in_dim3A_29 : vector<1024x1xi32>
    %add3A_31 = arith.constant 1024 : i32
    %add3A_32 = vector.broadcast %add3A_31 : i32 to vector<1x1024xi32>
    %add3A_33 = arith.addi %iota3A_6, %add3A_32 : vector<1x1024xi32>
    %lt3A_34 = arith.constant 10000 : i32
    %lt3A_35 = vector.broadcast %lt3A_34 : i32 to vector<1x1024xi32>
    %lt3A_36 = arith.cmpi slt, %add3A_33, %lt3A_35 : vector<1x1024xi32>
    %get3A_37 = arith.constant 1 : index
    %get3A_38 = arith.constant 0 : index
    %get3A_39 = vector.load %arg2[%get3A_37, %get3A_38] : memref<10x1024xf32, #tpu.memory_space<vmem>>, vector<1x1024xf32>
    %jit3A_40 = arith.constant -1.000000e+00 : f32
    %broadcast_in_dim3A_41 = vector.broadcast %jit3A_40 : f32 to vector<1x1024xf32>
    %select_n3A_42 = arith.select %lt3A_36, %get3A_39, %broadcast_in_dim3A_41 : vector<1x1024xi1>, vector<1x1024xf32>
    %gt3A_43 = vector.broadcast %select_n3A_42 : vector<1x1024xf32> to vector<1024x1024xf32>
    %gt3A_44 = vector.broadcast %select_n3A : vector<1024x1xf32> to vector<1024x1024xf32>
    %gt3A_45 = arith.cmpf ogt, %gt3A_43, %gt3A_44 : vector<1024x1024xf32>
    %eq3A_46 = vector.broadcast %select_n3A_42 : vector<1x1024xf32> to vector<1024x1024xf32>
    %eq3A_47 = vector.broadcast %select_n3A : vector<1024x1xf32> to vector<1024x1024xf32>
    %eq3A_48 = arith.cmpf oeq, %eq3A_46, %eq3A_47 : vector<1024x1024xf32>
    %lt3A_49 = vector.broadcast %add3A_33 : vector<1x1024xi32> to vector<1024x1024xi32>
    %lt3A_50 = vector.broadcast %add3A_1 : vector<1024x1xi32> to vector<1024x1024xi32>
    %lt3A_51 = arith.cmpi slt, %lt3A_49, %lt3A_50 : vector<1024x1024xi32>
    %and3A_52 = arith.andi %eq3A_48, %lt3A_51 : vector<1024x1024xi1>
    %or3A_53 = arith.ori %gt3A_45, %and3A_52 : vector<1024x1024xi1>
    %convert_element_type3A_54 = arith.extui %or3A_53 : vector<1024x1024xi1> to vector<1024x1024xi32>
    %reduce_sum3A_55 = arith.constant dense<0> : vector<1024xi32>
    %reduce_sum3A_56 = vector.multi_reduction <add>, %convert_element_type3A_54, %reduce_sum3A_55 [1] : vector<1024x1024xi32> to vector<1024xi32>
    %broadcast_in_dim3A_57 = vector.shape_cast %reduce_sum3A_56 : vector<1024xi32> to vector<1024x1xi32>
    %add3A_58 = arith.addi %add3A_30, %broadcast_in_dim3A_57 : vector<1024x1xi32>
    %add3A_59 = arith.constant 2048 : i32
    %add3A_60 = vector.broadcast %add3A_59 : i32 to vector<1x1024xi32>
    %add3A_61 = arith.addi %iota3A_6, %add3A_60 : vector<1x1024xi32>
    %lt3A_62 = arith.constant 10000 : i32
    %lt3A_63 = vector.broadcast %lt3A_62 : i32 to vector<1x1024xi32>
    %lt3A_64 = arith.cmpi slt, %add3A_61, %lt3A_63 : vector<1x1024xi32>
    %get3A_65 = arith.constant 2 : index
    %get3A_66 = arith.constant 0 : index
    %get3A_67 = vector.load %arg2[%get3A_65, %get3A_66] : memref<10x1024xf32, #tpu.memory_space<vmem>>, vector<1x1024xf32>
    %jit3A_68 = arith.constant -1.000000e+00 : f32
    %broadcast_in_dim3A_69 = vector.broadcast %jit3A_68 : f32 to vector<1x1024xf32>
    %select_n3A_70 = arith.select %lt3A_64, %get3A_67, %broadcast_in_dim3A_69 : vector<1x1024xi1>, vector<1x1024xf32>
    %gt3A_71 = vector.broadcast %select_n3A_70 : vector<1x1024xf32> to vector<1024x1024xf32>
    %gt3A_72 = vector.broadcast %select_n3A : vector<1024x1xf32> to vector<1024x1024xf32>
    %gt3A_73 = arith.cmpf ogt, %gt3A_71, %gt3A_72 : vector<1024x1024xf32>
    %eq3A_74 = vector.broadcast %select_n3A_70 : vector<1x1024xf32> to vector<1024x1024xf32>
    %eq3A_75 = vector.broadcast %select_n3A : vector<1024x1xf32> to vector<1024x1024xf32>
    %eq3A_76 = arith.cmpf oeq, %eq3A_74, %eq3A_75 : vector<1024x1024xf32>
    %lt3A_77 = vector.broadcast %add3A_61 : vector<1x1024xi32> to vector<1024x1024xi32>
    %lt3A_78 = vector.broadcast %add3A_1 : vector<1024x1xi32> to vector<1024x1024xi32>
    %lt3A_79 = arith.cmpi slt, %lt3A_77, %lt3A_78 : vector<1024x1024xi32>
    %and3A_80 = arith.andi %eq3A_76, %lt3A_79 : vector<1024x1024xi1>
    %or3A_81 = arith.ori %gt3A_73, %and3A_80 : vector<1024x1024xi1>
    %convert_element_type3A_82 = arith.extui %or3A_81 : vector<1024x1024xi1> to vector<1024x1024xi32>
    %reduce_sum3A_83 = arith.constant dense<0> : vector<1024xi32>
    %reduce_sum3A_84 = vector.multi_reduction <add>, %convert_element_type3A_82, %reduce_sum3A_83 [1] : vector<1024x1024xi32> to vector<1024xi32>
    %broadcast_in_dim3A_85 = vector.shape_cast %reduce_sum3A_84 : vector<1024xi32> to vector<1024x1xi32>
    %add3A_86 = arith.addi %add3A_58, %broadcast_in_dim3A_85 : vector<1024x1xi32>
    %add3A_87 = arith.constant 3072 : i32
    %add3A_88 = vector.broadcast %add3A_87 : i32 to vector<1x1024xi32>
    %add3A_89 = arith.addi %iota3A_6, %add3A_88 : vector<1x1024xi32>
    %lt3A_90 = arith.constant 10000 : i32
    %lt3A_91 = vector.broadcast %lt3A_90 : i32 to vector<1x1024xi32>
    %lt3A_92 = arith.cmpi slt, %add3A_89, %lt3A_91 : vector<1x1024xi32>
    %get3A_93 = arith.constant 3 : index
    %get3A_94 = arith.constant 0 : index
    %get3A_95 = vector.load %arg2[%get3A_93, %get3A_94] : memref<10x1024xf32, #tpu.memory_space<vmem>>, vector<1x1024xf32>
    %jit3A_96 = arith.constant -1.000000e+00 : f32
    %broadcast_in_dim3A_97 = vector.broadcast %jit3A_96 : f32 to vector<1x1024xf32>
    %select_n3A_98 = arith.select %lt3A_92, %get3A_95, %broadcast_in_dim3A_97 : vector<1x1024xi1>, vector<1x1024xf32>
    %gt3A_99 = vector.broadcast %select_n3A_98 : vector<1x1024xf32> to vector<1024x1024xf32>
    %gt3A_100 = vector.broadcast %select_n3A : vector<1024x1xf32> to vector<1024x1024xf32>
    %gt3A_101 = arith.cmpf ogt, %gt3A_99, %gt3A_100 : vector<1024x1024xf32>
    %eq3A_102 = vector.broadcast %select_n3A_98 : vector<1x1024xf32> to vector<1024x1024xf32>
    %eq3A_103 = vector.broadcast %select_n3A : vector<1024x1xf32> to vector<1024x1024xf32>
    %eq3A_104 = arith.cmpf oeq, %eq3A_102, %eq3A_103 : vector<1024x1024xf32>
    %lt3A_105 = vector.broadcast %add3A_89 : vector<1x1024xi32> to vector<1024x1024xi32>
    %lt3A_106 = vector.broadcast %add3A_1 : vector<1024x1xi32> to vector<1024x1024xi32>
    %lt3A_107 = arith.cmpi slt, %lt3A_105, %lt3A_106 : vector<1024x1024xi32>
    %and3A_108 = arith.andi %eq3A_104, %lt3A_107 : vector<1024x1024xi1>
    %or3A_109 = arith.ori %gt3A_101, %and3A_108 : vector<1024x1024xi1>
    %convert_element_type3A_110 = arith.extui %or3A_109 : vector<1024x1024xi1> to vector<1024x1024xi32>
    %reduce_sum3A_111 = arith.constant dense<0> : vector<1024xi32>
    %reduce_sum3A_112 = vector.multi_reduction <add>, %convert_element_type3A_110, %reduce_sum3A_111 [1] : vector<1024x1024xi32> to vector<1024xi32>
    %broadcast_in_dim3A_113 = vector.shape_cast %reduce_sum3A_112 : vector<1024xi32> to vector<1024x1xi32>
    %add3A_114 = arith.addi %add3A_86, %broadcast_in_dim3A_113 : vector<1024x1xi32>
    %add3A_115 = arith.constant 4096 : i32
    %add3A_116 = vector.broadcast %add3A_115 : i32 to vector<1x1024xi32>
    %add3A_117 = arith.addi %iota3A_6, %add3A_116 : vector<1x1024xi32>
    %lt3A_118 = arith.constant 10000 : i32
    %lt3A_119 = vector.broadcast %lt3A_118 : i32 to vector<1x1024xi32>
    %lt3A_120 = arith.cmpi slt, %add3A_117, %lt3A_119 : vector<1x1024xi32>
    %get3A_121 = arith.constant 4 : index
    %get3A_122 = arith.constant 0 : index
    %get3A_123 = vector.load %arg2[%get3A_121, %get3A_122] : memref<10x1024xf32, #tpu.memory_space<vmem>>, vector<1x1024xf32>
    %jit3A_124 = arith.constant -1.000000e+00 : f32
    %broadcast_in_dim3A_125 = vector.broadcast %jit3A_124 : f32 to vector<1x1024xf32>
    %select_n3A_126 = arith.select %lt3A_120, %get3A_123, %broadcast_in_dim3A_125 : vector<1x1024xi1>, vector<1x1024xf32>
    %gt3A_127 = vector.broadcast %select_n3A_126 : vector<1x1024xf32> to vector<1024x1024xf32>
    %gt3A_128 = vector.broadcast %select_n3A : vector<1024x1xf32> to vector<1024x1024xf32>
    %gt3A_129 = arith.cmpf ogt, %gt3A_127, %gt3A_128 : vector<1024x1024xf32>
    %eq3A_130 = vector.broadcast %select_n3A_126 : vector<1x1024xf32> to vector<1024x1024xf32>
    %eq3A_131 = vector.broadcast %select_n3A : vector<1024x1xf32> to vector<1024x1024xf32>
    %eq3A_132 = arith.cmpf oeq, %eq3A_130, %eq3A_131 : vector<1024x1024xf32>
    %lt3A_133 = vector.broadcast %add3A_117 : vector<1x1024xi32> to vector<1024x1024xi32>
    %lt3A_134 = vector.broadcast %add3A_1 : vector<1024x1xi32> to vector<1024x1024xi32>
    %lt3A_135 = arith.cmpi slt, %lt3A_133, %lt3A_134 : vector<1024x1024xi32>
    %and3A_136 = arith.andi %eq3A_132, %lt3A_135 : vector<1024x1024xi1>
    %or3A_137 = arith.ori %gt3A_129, %and3A_136 : vector<1024x1024xi1>
    %convert_element_type3A_138 = arith.extui %or3A_137 : vector<1024x1024xi1> to vector<1024x1024xi32>
    %reduce_sum3A_139 = arith.constant dense<0> : vector<1024xi32>
    %reduce_sum3A_140 = vector.multi_reduction <add>, %convert_element_type3A_138, %reduce_sum3A_139 [1] : vector<1024x1024xi32> to vector<1024xi32>
    %broadcast_in_dim3A_141 = vector.shape_cast %reduce_sum3A_140 : vector<1024xi32> to vector<1024x1xi32>
    %add3A_142 = arith.addi %add3A_114, %broadcast_in_dim3A_141 : vector<1024x1xi32>
    %add3A_143 = arith.constant 5120 : i32
    %add3A_144 = vector.broadcast %add3A_143 : i32 to vector<1x1024xi32>
    %add3A_145 = arith.addi %iota3A_6, %add3A_144 : vector<1x1024xi32>
    %lt3A_146 = arith.constant 10000 : i32
    %lt3A_147 = vector.broadcast %lt3A_146 : i32 to vector<1x1024xi32>
    %lt3A_148 = arith.cmpi slt, %add3A_145, %lt3A_147 : vector<1x1024xi32>
    %get3A_149 = arith.constant 5 : index
    %get3A_150 = arith.constant 0 : index
    %get3A_151 = vector.load %arg2[%get3A_149, %get3A_150] : memref<10x1024xf32, #tpu.memory_space<vmem>>, vector<1x1024xf32>
    %jit3A_152 = arith.constant -1.000000e+00 : f32
    %broadcast_in_dim3A_153 = vector.broadcast %jit3A_152 : f32 to vector<1x1024xf32>
    %select_n3A_154 = arith.select %lt3A_148, %get3A_151, %broadcast_in_dim3A_153 : vector<1x1024xi1>, vector<1x1024xf32>
    %gt3A_155 = vector.broadcast %select_n3A_154 : vector<1x1024xf32> to vector<1024x1024xf32>
    %gt3A_156 = vector.broadcast %select_n3A : vector<1024x1xf32> to vector<1024x1024xf32>
    %gt3A_157 = arith.cmpf ogt, %gt3A_155, %gt3A_156 : vector<1024x1024xf32>
    %eq3A_158 = vector.broadcast %select_n3A_154 : vector<1x1024xf32> to vector<1024x1024xf32>
    %eq3A_159 = vector.broadcast %select_n3A : vector<1024x1xf32> to vector<1024x1024xf32>
    %eq3A_160 = arith.cmpf oeq, %eq3A_158, %eq3A_159 : vector<1024x1024xf32>
    %lt3A_161 = vector.broadcast %add3A_145 : vector<1x1024xi32> to vector<1024x1024xi32>
    %lt3A_162 = vector.broadcast %add3A_1 : vector<1024x1xi32> to vector<1024x1024xi32>
    %lt3A_163 = arith.cmpi slt, %lt3A_161, %lt3A_162 : vector<1024x1024xi32>
    %and3A_164 = arith.andi %eq3A_160, %lt3A_163 : vector<1024x1024xi1>
    %or3A_165 = arith.ori %gt3A_157, %and3A_164 : vector<1024x1024xi1>
    %convert_element_type3A_166 = arith.extui %or3A_165 : vector<1024x1024xi1> to vector<1024x1024xi32>
    %reduce_sum3A_167 = arith.constant dense<0> : vector<1024xi32>
    %reduce_sum3A_168 = vector.multi_reduction <add>, %convert_element_type3A_166, %reduce_sum3A_167 [1] : vector<1024x1024xi32> to vector<1024xi32>
    %broadcast_in_dim3A_169 = vector.shape_cast %reduce_sum3A_168 : vector<1024xi32> to vector<1024x1xi32>
    %add3A_170 = arith.addi %add3A_142, %broadcast_in_dim3A_169 : vector<1024x1xi32>
    %add3A_171 = arith.constant 6144 : i32
    %add3A_172 = vector.broadcast %add3A_171 : i32 to vector<1x1024xi32>
    %add3A_173 = arith.addi %iota3A_6, %add3A_172 : vector<1x1024xi32>
    %lt3A_174 = arith.constant 10000 : i32
    %lt3A_175 = vector.broadcast %lt3A_174 : i32 to vector<1x1024xi32>
    %lt3A_176 = arith.cmpi slt, %add3A_173, %lt3A_175 : vector<1x1024xi32>
    %get3A_177 = arith.constant 6 : index
    %get3A_178 = arith.constant 0 : index
    %get3A_179 = vector.load %arg2[%get3A_177, %get3A_178] : memref<10x1024xf32, #tpu.memory_space<vmem>>, vector<1x1024xf32>
    %jit3A_180 = arith.constant -1.000000e+00 : f32
    %broadcast_in_dim3A_181 = vector.broadcast %jit3A_180 : f32 to vector<1x1024xf32>
    %select_n3A_182 = arith.select %lt3A_176, %get3A_179, %broadcast_in_dim3A_181 : vector<1x1024xi1>, vector<1x1024xf32>
    %gt3A_183 = vector.broadcast %select_n3A_182 : vector<1x1024xf32> to vector<1024x1024xf32>
    %gt3A_184 = vector.broadcast %select_n3A : vector<1024x1xf32> to vector<1024x1024xf32>
    %gt3A_185 = arith.cmpf ogt, %gt3A_183, %gt3A_184 : vector<1024x1024xf32>
    %eq3A_186 = vector.broadcast %select_n3A_182 : vector<1x1024xf32> to vector<1024x1024xf32>
    %eq3A_187 = vector.broadcast %select_n3A : vector<1024x1xf32> to vector<1024x1024xf32>
    %eq3A_188 = arith.cmpf oeq, %eq3A_186, %eq3A_187 : vector<1024x1024xf32>
    %lt3A_189 = vector.broadcast %add3A_173 : vector<1x1024xi32> to vector<1024x1024xi32>
    %lt3A_190 = vector.broadcast %add3A_1 : vector<1024x1xi32> to vector<1024x1024xi32>
    %lt3A_191 = arith.cmpi slt, %lt3A_189, %lt3A_190 : vector<1024x1024xi32>
    %and3A_192 = arith.andi %eq3A_188, %lt3A_191 : vector<1024x1024xi1>
    %or3A_193 = arith.ori %gt3A_185, %and3A_192 : vector<1024x1024xi1>
    %convert_element_type3A_194 = arith.extui %or3A_193 : vector<1024x1024xi1> to vector<1024x1024xi32>
    %reduce_sum3A_195 = arith.constant dense<0> : vector<1024xi32>
    %reduce_sum3A_196 = vector.multi_reduction <add>, %convert_element_type3A_194, %reduce_sum3A_195 [1] : vector<1024x1024xi32> to vector<1024xi32>
    %broadcast_in_dim3A_197 = vector.shape_cast %reduce_sum3A_196 : vector<1024xi32> to vector<1024x1xi32>
    %add3A_198 = arith.addi %add3A_170, %broadcast_in_dim3A_197 : vector<1024x1xi32>
    %add3A_199 = arith.constant 7168 : i32
    %add3A_200 = vector.broadcast %add3A_199 : i32 to vector<1x1024xi32>
    %add3A_201 = arith.addi %iota3A_6, %add3A_200 : vector<1x1024xi32>
    %lt3A_202 = arith.constant 10000 : i32
    %lt3A_203 = vector.broadcast %lt3A_202 : i32 to vector<1x1024xi32>
    %lt3A_204 = arith.cmpi slt, %add3A_201, %lt3A_203 : vector<1x1024xi32>
    %get3A_205 = arith.constant 7 : index
    %get3A_206 = arith.constant 0 : index
    %get3A_207 = vector.load %arg2[%get3A_205, %get3A_206] : memref<10x1024xf32, #tpu.memory_space<vmem>>, vector<1x1024xf32>
    %jit3A_208 = arith.constant -1.000000e+00 : f32
    %broadcast_in_dim3A_209 = vector.broadcast %jit3A_208 : f32 to vector<1x1024xf32>
    %select_n3A_210 = arith.select %lt3A_204, %get3A_207, %broadcast_in_dim3A_209 : vector<1x1024xi1>, vector<1x1024xf32>
    %gt3A_211 = vector.broadcast %select_n3A_210 : vector<1x1024xf32> to vector<1024x1024xf32>
    %gt3A_212 = vector.broadcast %select_n3A : vector<1024x1xf32> to vector<1024x1024xf32>
    %gt3A_213 = arith.cmpf ogt, %gt3A_211, %gt3A_212 : vector<1024x1024xf32>
    %eq3A_214 = vector.broadcast %select_n3A_210 : vector<1x1024xf32> to vector<1024x1024xf32>
    %eq3A_215 = vector.broadcast %select_n3A : vector<1024x1xf32> to vector<1024x1024xf32>
    %eq3A_216 = arith.cmpf oeq, %eq3A_214, %eq3A_215 : vector<1024x1024xf32>
    %lt3A_217 = vector.broadcast %add3A_201 : vector<1x1024xi32> to vector<1024x1024xi32>
    %lt3A_218 = vector.broadcast %add3A_1 : vector<1024x1xi32> to vector<1024x1024xi32>
    %lt3A_219 = arith.cmpi slt, %lt3A_217, %lt3A_218 : vector<1024x1024xi32>
    %and3A_220 = arith.andi %eq3A_216, %lt3A_219 : vector<1024x1024xi1>
    %or3A_221 = arith.ori %gt3A_213, %and3A_220 : vector<1024x1024xi1>
    %convert_element_type3A_222 = arith.extui %or3A_221 : vector<1024x1024xi1> to vector<1024x1024xi32>
    %reduce_sum3A_223 = arith.constant dense<0> : vector<1024xi32>
    %reduce_sum3A_224 = vector.multi_reduction <add>, %convert_element_type3A_222, %reduce_sum3A_223 [1] : vector<1024x1024xi32> to vector<1024xi32>
    %broadcast_in_dim3A_225 = vector.shape_cast %reduce_sum3A_224 : vector<1024xi32> to vector<1024x1xi32>
    %add3A_226 = arith.addi %add3A_198, %broadcast_in_dim3A_225 : vector<1024x1xi32>
    %add3A_227 = arith.constant 8192 : i32
    %add3A_228 = vector.broadcast %add3A_227 : i32 to vector<1x1024xi32>
    %add3A_229 = arith.addi %iota3A_6, %add3A_228 : vector<1x1024xi32>
    %lt3A_230 = arith.constant 10000 : i32
    %lt3A_231 = vector.broadcast %lt3A_230 : i32 to vector<1x1024xi32>
    %lt3A_232 = arith.cmpi slt, %add3A_229, %lt3A_231 : vector<1x1024xi32>
    %get3A_233 = arith.constant 8 : index
    %get3A_234 = arith.constant 0 : index
    %get3A_235 = vector.load %arg2[%get3A_233, %get3A_234] : memref<10x1024xf32, #tpu.memory_space<vmem>>, vector<1x1024xf32>
    %jit3A_236 = arith.constant -1.000000e+00 : f32
    %broadcast_in_dim3A_237 = vector.broadcast %jit3A_236 : f32 to vector<1x1024xf32>
    %select_n3A_238 = arith.select %lt3A_232, %get3A_235, %broadcast_in_dim3A_237 : vector<1x1024xi1>, vector<1x1024xf32>
    %gt3A_239 = vector.broadcast %select_n3A_238 : vector<1x1024xf32> to vector<1024x1024xf32>
    %gt3A_240 = vector.broadcast %select_n3A : vector<1024x1xf32> to vector<1024x1024xf32>
    %gt3A_241 = arith.cmpf ogt, %gt3A_239, %gt3A_240 : vector<1024x1024xf32>
    %eq3A_242 = vector.broadcast %select_n3A_238 : vector<1x1024xf32> to vector<1024x1024xf32>
    %eq3A_243 = vector.broadcast %select_n3A : vector<1024x1xf32> to vector<1024x1024xf32>
    %eq3A_244 = arith.cmpf oeq, %eq3A_242, %eq3A_243 : vector<1024x1024xf32>
    %lt3A_245 = vector.broadcast %add3A_229 : vector<1x1024xi32> to vector<1024x1024xi32>
    %lt3A_246 = vector.broadcast %add3A_1 : vector<1024x1xi32> to vector<1024x1024xi32>
    %lt3A_247 = arith.cmpi slt, %lt3A_245, %lt3A_246 : vector<1024x1024xi32>
    %and3A_248 = arith.andi %eq3A_244, %lt3A_247 : vector<1024x1024xi1>
    %or3A_249 = arith.ori %gt3A_241, %and3A_248 : vector<1024x1024xi1>
    %convert_element_type3A_250 = arith.extui %or3A_249 : vector<1024x1024xi1> to vector<1024x1024xi32>
    %reduce_sum3A_251 = arith.constant dense<0> : vector<1024xi32>
    %reduce_sum3A_252 = vector.multi_reduction <add>, %convert_element_type3A_250, %reduce_sum3A_251 [1] : vector<1024x1024xi32> to vector<1024xi32>
    %broadcast_in_dim3A_253 = vector.shape_cast %reduce_sum3A_252 : vector<1024xi32> to vector<1024x1xi32>
    %add3A_254 = arith.addi %add3A_226, %broadcast_in_dim3A_253 : vector<1024x1xi32>
    %add3A_255 = arith.constant 9216 : i32
    %add3A_256 = vector.broadcast %add3A_255 : i32 to vector<1x1024xi32>
    %add3A_257 = arith.addi %iota3A_6, %add3A_256 : vector<1x1024xi32>
    %lt3A_258 = arith.constant 10000 : i32
    %lt3A_259 = vector.broadcast %lt3A_258 : i32 to vector<1x1024xi32>
    %lt3A_260 = arith.cmpi slt, %add3A_257, %lt3A_259 : vector<1x1024xi32>
    %get3A_261 = arith.constant 9 : index
    %get3A_262 = arith.constant 0 : index
    %get3A_263 = vector.load %arg2[%get3A_261, %get3A_262] : memref<10x1024xf32, #tpu.memory_space<vmem>>, vector<1x1024xf32>
    %jit3A_264 = arith.constant -1.000000e+00 : f32
    %broadcast_in_dim3A_265 = vector.broadcast %jit3A_264 : f32 to vector<1x1024xf32>
    %select_n3A_266 = arith.select %lt3A_260, %get3A_263, %broadcast_in_dim3A_265 : vector<1x1024xi1>, vector<1x1024xf32>
    %gt3A_267 = vector.broadcast %select_n3A_266 : vector<1x1024xf32> to vector<1024x1024xf32>
    %gt3A_268 = vector.broadcast %select_n3A : vector<1024x1xf32> to vector<1024x1024xf32>
    %gt3A_269 = arith.cmpf ogt, %gt3A_267, %gt3A_268 : vector<1024x1024xf32>
    %eq3A_270 = vector.broadcast %select_n3A_266 : vector<1x1024xf32> to vector<1024x1024xf32>
    %eq3A_271 = vector.broadcast %select_n3A : vector<1024x1xf32> to vector<1024x1024xf32>
    %eq3A_272 = arith.cmpf oeq, %eq3A_270, %eq3A_271 : vector<1024x1024xf32>
    %lt3A_273 = vector.broadcast %add3A_257 : vector<1x1024xi32> to vector<1024x1024xi32>
    %lt3A_274 = vector.broadcast %add3A_1 : vector<1024x1xi32> to vector<1024x1024xi32>
    %lt3A_275 = arith.cmpi slt, %lt3A_273, %lt3A_274 : vector<1024x1024xi32>
    %and3A_276 = arith.andi %eq3A_272, %lt3A_275 : vector<1024x1024xi1>
    %or3A_277 = arith.ori %gt3A_269, %and3A_276 : vector<1024x1024xi1>
    %convert_element_type3A_278 = arith.extui %or3A_277 : vector<1024x1024xi1> to vector<1024x1024xi32>
    %reduce_sum3A_279 = arith.constant dense<0> : vector<1024xi32>
    %reduce_sum3A_280 = vector.multi_reduction <add>, %convert_element_type3A_278, %reduce_sum3A_279 [1] : vector<1024x1024xi32> to vector<1024xi32>
    %broadcast_in_dim3A_281 = vector.shape_cast %reduce_sum3A_280 : vector<1024xi32> to vector<1024x1xi32>
    %add3A_282 = arith.addi %add3A_254, %broadcast_in_dim3A_281 : vector<1024x1xi32>
    %swap3A = arith.constant 0 : index
    %swap3A_283 = arith.constant 0 : index
    %swap3A_284 = vector.load %arg3[%swap3A, %swap3A_283] : memref<1024x1xi32, #tpu.memory_space<vmem>>, vector<1024x1xi32>
    tpu.vector_store %arg3[%swap3A, %swap3A_283], %add3A_282 {strides = array<i32>} : memref<1024x1xi32, #tpu.memory_space<vmem>>, vector<1024x1xi32>,
    return
  }
  func.func @transform_0(%arg0: i32) -> (i32, i32) {
    %c0_i32 = arith.constant 0 : i32
    %c0_i32_0 = arith.constant 0 : i32
    return %arg0, %c0_i32 : i32, i32
  }
  func.func @transform_1(%arg0: i32) -> (i32, i32) {
    %c0_i32 = arith.constant 0 : i32
    %c0_i32_0 = arith.constant 0 : i32
    %c0_i32_1 = arith.constant 0 : i32
    return %c0_i32, %c0_i32_0 : i32, i32
  }
  func.func @transform_2(%arg0: i32) -> (i32, i32) {
    %c0_i32 = arith.constant 0 : i32
    %c0_i32_0 = arith.constant 0 : i32
    return %arg0, %c0_i32 : i32, i32
  }
}

module attributes {stable_mosaic.version = 14 : i64} {
  func.func @_proj_body(%arg0: i32, %arg1: memref<1000x128xf32, #tpu.memory_space<vmem>>, %arg2: memref<128x128xf32, #tpu.memory_space<vmem>>, %arg3: memref<1x128xf32, #tpu.memory_space<vmem>>, %arg4: memref<1000x128xf32, #tpu.memory_space<vmem>>, %arg5: memref<1x128xf32, #tpu.memory_space<vmem>>) attributes {dimension_semantics = [#tpu.dimension_semantics<arbitrary>], iteration_bounds = array<i64: 5>, scalar_prefetch = 0 : i64, scratch_operands = 0 : i64, tpu.core_type = #tpu.core_type<tc>, window_params = [{transform_indices = @transform_0, window_bounds = array<i64: 1000, 128>}, {pipeline_mode = #tpu.pipeline_mode<synchronous>, transform_indices = @transform_1, window_bounds = array<i64: 128, 128>}, {pipeline_mode = #tpu.pipeline_mode<synchronous>, transform_indices = @transform_2, window_bounds = array<i64: 1, 128>}, {transform_indices = @transform_3, window_bounds = array<i64: 1000, 128>}, {pipeline_mode = #tpu.pipeline_mode<synchronous>, transform_indices = @transform_4, window_bounds = array<i64: 1, 128>}]} {
    %get3A = arith.constant 0 : index
    %get3A_0 = arith.constant 0 : index
    %get3A_1 = vector.load %arg1[%get3A, %get3A_0] : memref<1000x128xf32, #tpu.memory_space<vmem>>, vector<1000x128xf32>
    %get3A_2 = arith.constant 0 : index
    %get3A_3 = arith.constant 0 : index
    %get3A_4 = vector.load %arg2[%get3A_2, %get3A_3] : memref<128x128xf32, #tpu.memory_space<vmem>>, vector<128x128xf32>
    %dot_general3A = arith.constant dense<0.000000e+00> : vector<1000x128xf32>
    %dot_general3A_5 = tpu.matmul %get3A_1, %get3A_4, %dot_general3A {dimension_numbers = #tpu.dot_dimension_numbers<[1], [0], [0], [1], [0, 0, 1, 1], [], []>, transpose_lhs_hint = false} : vector<1000x128xf32>, vector<128x128xf32>, vector<1000x128xf32> -> vector<1000x128xf32>
    %get3A_6 = arith.constant 0 : index
    %get3A_7 = arith.constant 0 : index
    %get3A_8 = vector.load %arg3[%get3A_6, %get3A_7] : memref<1x128xf32, #tpu.memory_space<vmem>>, vector<1x128xf32>
    %add3A = vector.broadcast %get3A_8 : vector<1x128xf32> to vector<1000x128xf32>
    %add3A_9 = arith.addf %dot_general3A_5, %add3A : vector<1000x128xf32>
    %max3A = arith.constant 0.000000e+00 : f32
    %max3A_10 = vector.broadcast %max3A : f32 to vector<1000x128xf32>
    %max3A_11 = arith.maximumf %add3A_9, %max3A_10 : vector<1000x128xf32>
    %swap3A = arith.constant 0 : index
    %swap3A_12 = arith.constant 0 : index
    %swap3A_13 = vector.load %arg4[%swap3A, %swap3A_12] : memref<1000x128xf32, #tpu.memory_space<vmem>>, vector<1000x128xf32>
    tpu.vector_store %arg4[%swap3A, %swap3A_12], %max3A_11 {strides = array<i32>} : memref<1000x128xf32, #tpu.memory_space<vmem>>, vector<1000x128xf32>,
    %eq3A = arith.constant 0 : i32
    %eq3A_14 = arith.cmpi eq, %arg0, %eq3A : i32
    %convert_element_type3A = arith.extui %eq3A_14 : i1 to i32
    %cond3A = arith.constant 0 : i32
    %cond3A_15 = arith.cmpi ne, %convert_element_type3A, %cond3A : i32
    scf.if %cond3A_15 {
      %broadcast_in_dim3A_24 = arith.constant 0.000000e+00 : f32
      %broadcast_in_dim3A_25 = vector.broadcast %broadcast_in_dim3A_24 : f32 to vector<1x128xf32>
      %swap3A_26 = arith.constant 0 : index
      %swap3A_27 = arith.constant 0 : index
      %swap3A_28 = vector.load %arg5[%swap3A_26, %swap3A_27] : memref<1x128xf32, #tpu.memory_space<vmem>>, vector<1x128xf32>
      tpu.vector_store %arg5[%swap3A_26, %swap3A_27], %broadcast_in_dim3A_25 {strides = array<i32>} : memref<1x128xf32, #tpu.memory_space<vmem>>, vector<1x128xf32>,
    } else {
    }
    %get3A_16 = arith.constant 0 : index
    %get3A_17 = arith.constant 0 : index
    %get3A_18 = vector.load %arg5[%get3A_16, %get3A_17] : memref<1x128xf32, #tpu.memory_space<vmem>>, vector<1x128xf32>
    %reduce_sum3A = arith.constant dense<0.000000e+00> : vector<128xf32>
    %reduce_sum3A_19 = vector.multi_reduction <add>, %max3A_11, %reduce_sum3A [0] : vector<1000x128xf32> to vector<128xf32>
    %broadcast_in_dim3A = vector.shape_cast %reduce_sum3A_19 : vector<128xf32> to vector<1x128xf32>
    %add3A_20 = arith.addf %get3A_18, %broadcast_in_dim3A : vector<1x128xf32>
    %swap3A_21 = arith.constant 0 : index
    %swap3A_22 = arith.constant 0 : index
    %swap3A_23 = vector.load %arg5[%swap3A_21, %swap3A_22] : memref<1x128xf32, #tpu.memory_space<vmem>>, vector<1x128xf32>
    tpu.vector_store %arg5[%swap3A_21, %swap3A_22], %add3A_20 {strides = array<i32>} : memref<1x128xf32, #tpu.memory_space<vmem>>, vector<1x128xf32>,
    return
  }
  func.func @transform_0(%arg0: i32) -> (i32, i32) {
    %c0_i32 = arith.constant 0 : i32
    %c0_i32_0 = arith.constant 0 : i32
    return %arg0, %c0_i32 : i32, i32
  }
  func.func @transform_1(%arg0: i32) -> (i32, i32) {
    %c0_i32 = arith.constant 0 : i32
    %c0_i32_0 = arith.constant 0 : i32
    %c0_i32_1 = arith.constant 0 : i32
    return %c0_i32, %c0_i32_0 : i32, i32
  }
  func.func @transform_2(%arg0: i32) -> (i32, i32) {
    %c0_i32 = arith.constant 0 : i32
    %c0_i32_0 = arith.constant 0 : i32
    %c0_i32_1 = arith.constant 0 : i32
    return %c0_i32, %c0_i32_0 : i32, i32
  }
  func.func @transform_3(%arg0: i32) -> (i32, i32) {
    %c0_i32 = arith.constant 0 : i32
    %c0_i32_0 = arith.constant 0 : i32
    return %arg0, %c0_i32 : i32, i32
  }
  func.func @transform_4(%arg0: i32) -> (i32, i32) {
    %c0_i32 = arith.constant 0 : i32
    %c0_i32_0 = arith.constant 0 : i32
    %c0_i32_1 = arith.constant 0 : i32
    return %c0_i32, %c0_i32_0 : i32, i32
  }
}

</mosaic_0001>

<sc_bundles>
// kernel: kernel.6.cloned.1.call-start
scs
__scs_entry_jumppad:
0x0: {  	(pc) =	sbr.rel $0x88, $3  }
0x1: {  	(tag) =	ssettag $0x0;
	lr =	simm.s32 $0x1  }
0x2: {  	[smem:$0x3F99] =	sst lr;
	_ =	strace $0xD0000000  }
0x3: {  	_ = 	snop  }
0x4: {  	_ = 	snop  }
0x5: {  	_ = 	snop  }
0x6: {  	_ = 	snop  }
0x7: {  	_ = 	snop  }
__scs_overlays_trampoline_lowered:
0x8: {  	[smem:$0x3FA8] =	sst s0  }
0x9: {  	[smem:$0x3FA9] =	sst s1  }
0xa: {  	[smem:$0x3FAA] =	sst s2  }
0xb: {  	[smem:$0x3FAB] =	sst s3  }
0xc: {  	[smem:$0x3FAC] =	sst s4  }
0xd: {  	[smem:$0x3FAD] =	sst s5  }
0xe: {  	[smem:$0x3FAE] =	sst s6  }
0xf: {  	[smem:$0x3FAF] =	sst s7  }
0x10: {  	[smem:$0x3FB0] =	sst s8  }
0x11: {  	[smem:$0x3FB1] =	sst s9;
	s0 =	simm.s32 @!p0 $0x0  }
0x12: {  	s1 =	sld [smem:$0x3F97];
	s0 =	simm.s32 @p0 $0x1  }
0x13: {  	[smem:$0x3FB2] =	sst s0;
	s0 =	simm.s32 @!p1 $0x0  }
0x14: {  	s2 =	sld [smem:$0x3F96];
	s0 =	simm.s32 @p1 $0x1  }
0x15: {  	[smem:$0x3FB3] =	sst s0;
	s0 =	simm.s32 @!p2 $0x0  }
0x16: {  	s3 =	sld [smem:$0x3FDB];
	s0 =	simm.s32 @p2 $0x1  }
0x17: {  	s4 =	simm.s32 $0x1BF5;
	[smem:$0x3FB5] =	sst s0  }
0x18: {  	s0 =	sld [smem:$0x3F98];
	_ =	swait.ge [sflag:s4], $0x0  }
0x19: {  	s7 =	sld [smem:$0x3F99]  }
0x1a: {  	s8 =	sadd.s32 $0xFFFFE003, lr  }
0x1b: {  	s9 =	sadd.s32 $0xFFFFFEF7, lr;
	s5 =	simm.s32 $0xFFFFFFFF;
	p2 =	slt.u32 s8, $0xFFFFF086  }
0x1c: {  	p1 =	slt.u32 s9, $0xF7A;
	s5 =	simm.s32 @!p2 $0x0  }
0x1d: {  	s5 =	simm.s32 @p1 $0x1;
	p0 =	seq.s32 s7, s2  }
0x1e: {  	s7 =	smul.u32 @!p0 $0xF7A, s2;
	p2 =	seq.s32 @!p0 s5, $0x0  }
0x1f: {  	s9 =	smul.u32 $0xF7A, s1;
	s8 =	simm.s32 @!p0 $0x1BF5;
	p2 =	por !p2, p0  }
0x20: {  	[sflag:s8] =	ssyncset.s32 @!p0 $0xFFFFF086;
	s6 =	sadd.s32 @!p0 s3, s7;
	s7 =	simm.s32 @!p0 $0x108  }
0x21: {  	s3 =	sadd.s32 s3, s9;
	s6 =	sadd.s32 @!p0 $0x88, s6;
	s7 =	simm.s32 @p2 $0x1082  }
0x22: {  	[simem:s7], [sflag:s8] =	dma.local @!p0 [hbm:s6], $0xF7A  }
0x23: {  	s9 =	sor.u32 $0xD0000000, s2;
	s6 =	simm.s32 $0x108;
	_ =	swait.ge @!p0 [sflag:s8], $0x0  }
0x24: {  	s3 =	sadd.s32 $0x88, s3;
	s6 =	simm.s32 @!p1 $0x1082;
	[sflag:s4] =	ssyncset.s32 $0xFFFFF086  }
0x25: {  	[simem:s6], [sflag:s4] =	dma.local [hbm:s3], $0xF7A  }
0x26: {  	[smem:$0x3F99] =	sst s1;
	(tag) =	ssettag s2;
	_ =	strace s9  }
0x27: {  	s1 =	sld [smem:$0x3FA9]  }
0x28: {  	s2 =	sld [smem:$0x3FAA]  }
0x29: {  	s4 =	sld [smem:$0x3FAC]  }
0x2a: {  	p0 =	seq.s32 s5, $0x0;
	s5 =	sld [smem:$0x3FAD]  }
0x2b: {  	s6 =	sld [smem:$0x3FAE]  }
0x2c: {  	s7 =	sld [smem:$0x3FAF]  }
0x2d: {  	s3 =	simm.s32 $0x108;
	s8 =	sld [smem:$0x3FB0]  }
0x2e: {  	s3 =	simm.s32 @!p0 $0x1082;
	s9 =	sld [smem:$0x3FB1]  }
0x2f: {  	lr =	sadd.s32 s0, s3;
	s0 =	sld [smem:$0x3FA8]  }
0x30: {  	s3 =	sld [smem:$0x3FAB]  }
0x31: {  	[smem:$0x3FB4] =	sst s10  }
0x32: {  	s10 =	sld [smem:$0x3FB2];
	_ =	sdelay $0x3  }
0x33: {  	p0 =	seq.s32 s10, $0x1;
	s10 =	sld [smem:$0x3FB4];
	_ =	sdelay $0x3  }
0x34: {  	[smem:$0x3FB4] =	sst s10  }
0x35: {  	s10 =	sld [smem:$0x3FB3];
	_ =	sdelay $0x3  }
0x36: {  	p1 =	seq.s32 s10, $0x1;
	s10 =	sld [smem:$0x3FB4];
	_ =	sdelay $0x3  }
0x37: {  	[smem:$0x3FB4] =	sst s10  }
0x38: {  	s10 =	sld [smem:$0x3FB5]  }
0x39: {  	_ = 	snop;
	(pc) =	sbr.ind lr, $3  }
0x3a: {  	_ = 	snop  }
0x3b: {  	_ = 	snop  }
0x3c: {  	p2 =	seq.s32 s10, $0x1;
	s10 =	sld [smem:$0x3FB4]  }
0x3d: {  	_ =	shalt  }
0x3e: {  	_ =	shalt  }
0x3f: {  	_ =	shalt  }
0x40: {  	_ =	shalt  }
0x41: {  	_ =	shalt  }
0x42: {  	_ =	shalt  }
0x43: {  	_ =	shalt  }
0x44: {  	_ =	shalt  }
0x45: {  	_ =	shalt  }
0x46: {  	_ =	shalt  }
0x47: {  	_ =	shalt  }
0x48: {  	_ =	shalt  }
0x49: {  	_ =	shalt  }
0x4a: {  	_ =	shalt  }
0x4b: {  	_ =	shalt  }
0x4c: {  	_ =	shalt  }
0x4d: {  	_ =	shalt  }
0x4e: {  	_ =	shalt  }
0x4f: {  	_ =	shalt  }
0x50: {  	_ =	shalt  }
0x51: {  	_ =	shalt  }
0x52: {  	_ =	shalt  }
0x53: {  	_ =	shalt  }
0x54: {  	_ =	shalt  }
0x55: {  	_ =	shalt  }
0x56: {  	_ =	shalt  }
0x57: {  	_ =	shalt  }
0x58: {  	_ =	shalt  }
0x59: {  	_ =	shalt  }
0x5a: {  	_ =	shalt  }
0x5b: {  	_ =	shalt  }
0x5c: {  	_ =	shalt  }
0x5d: {  	_ =	shalt  }
0x5e: {  	_ =	shalt  }
0x5f: {  	_ =	shalt  }
0x60: {  	_ =	shalt  }
0x61: {  	_ =	shalt  }
0x62: {  	_ =	shalt  }
0x63: {  	_ =	shalt  }
0x64: {  	_ =	shalt  }
0x65: {  	_ =	shalt  }
0x66: {  	_ =	shalt  }
0x67: {  	_ =	shalt  }
0x68: {  	_ =	shalt  }
0x69: {  	_ =	shalt  }
0x6a: {  	_ =	shalt  }
0x6b: {  	_ =	shalt  }
0x6c: {  	_ =	shalt  }
0x6d: {  	_ =	shalt  }
0x6e: {  	_ =	shalt  }
0x6f: {  	_ =	shalt  }
0x70: {  	_ =	shalt  }
0x71: {  	_ =	shalt  }
0x72: {  	_ =	shalt  }
0x73: {  	_ =	shalt  }
0x74: {  	_ =	shalt  }
0x75: {  	_ =	shalt  }
0x76: {  	_ =	shalt  }
0x77: {  	_ =	shalt  }
0x78: {  	_ =	shalt  }
0x79: {  	_ =	shalt  }
0x7a: {  	_ =	shalt  }
0x7b: {  	_ =	shalt  }
0x7c: {  	_ =	shalt  }
0x7d: {  	_ =	shalt  }
0x7e: {  	_ =	shalt  }
0x7f: {  	_ =	shalt  }
0x80: {  	_ =	shalt  }
0x81: {  	_ =	shalt  }
0x82: {  	_ =	shalt  }
0x83: {  	_ =	shalt  }
0x84: {  	_ =	shalt  }
0x85: {  	_ =	shalt  }
0x86: {  	_ =	shalt  }
0x87: {  	_ =	shalt  }
.Lfunc_end0:
.L_simem_size_0:
called_computation_lowered:
.L_overlay_start_0:
0x88: {  	s2 =	sld [smem:$0x3FD9]  }
0x89: {  	s3 =	sld [smem:$0x3FFE];
	_ =	sdelay $0x1  }
0x8a: {  	s1 =	srdreg.scid  }
0x8b: {  	s0 =	sand.u32 $0x1, s1  }
0x8c: {  	s14 =	sshll.u32 s0, $0xA;
	s2 =	sadd.s32 s3, s2  }
0x8d: {  	s2 =	sadd.s32 s2, s14  }
0x8e: {  	[smem:$0x3FC0] =	sst s2  }
0x8f: {  	_ = 	snop  }
0x90: {  	s2 =	sld [smem:$0x3FD0];
	_ =	sdelay $0x1  }
0x91: {  	s15 =	sld [smem:$0x3FC9]  }
0x92: {  	s5 =	simm.s32 $0xA;
	s6 =	simm.s32 $0x10;
	s4 =	sld [smem:$0x3FC8]  }
0x93: {  	[smem:s6], [sflag:s5] =	dma.local [hbm:s2], $0x1  }
0x94: {  	_ =	swait.eq [sflag:s5], $0x1  }
0x95: {  	[sflag:s5] =	ssyncset.done $0x0  }
0x96: {  	s16 =	sld [smem:$0x10];
	[sflag:s5] =	ssyncadd.s32 $0xFFFFFFFF  }
0x97: {  	s17 =	sld [smem:$0x11];
	(tm) =	ssettm $0x1  }
0x98: {  	s18 =	sld [smem:$0x3FFB];
	_ =	sdelay $0x3  }
0x99: {  	_ =	strace s18  }
0x9a: {  	s6 =	sld [smem:$0x3FFC];
	_ =	sdelay $0x3  }
0x9b: {  	_ =	strace s6  }
0x9c: {  	s6 =	sld [smem:$0x3FFD];
	_ =	sdelay $0x3  }
0x9d: {  	_ =	strace s6  }
0x9e: {  	_ =	strace $0x8FFFFFFF  }
0x9f: {  	s19 =	sld [smem:$0x3FDB];
	_ =	sdelay $0x1  }
0xa0: {  	s7 =	simm.s32 $_scs_section_size  }
0xa1: {  	s8 =	simm.s32 $_size__tile_overlayer_lowered;
	s9 =	simm.s32 $_tile_overlayer_lowered  }
0xa2: {  	s22 =	simm.s32 $0x1BFF;
	s21 =	sshll.u32 s9, $0x1;
	s6 =	sadd.s32 s7, s19  }
0xa3: {  	s10 =	simm.s32 $0x0;
	s20 =	sshll.u32 s8, $0x1;
	s8 =	sadd.s32 s21, s6  }
0xa4: {  	[timem:s10], [sflag:s22] =	dma.local [hbm:s8], s20  }
0xa5: {  	_ =	swait.ge [sflag:s22], s20  }
0xa6: {  	s7 =	ssub.s32 $0x0, s20;
	[sflag:s22] =	ssyncset.done $0x0  }
0xa7: {  	[sflag:s22] =	ssyncadd.s32 s7;
	_ =	sdelay $0x1  }
0xa8: {  	s23 =	simm.s32 $0x1B8B  }
0xa9: {  	_ =	swait.ge [sflag:s23], $0x1  }
0xaa: {  	[sflag:s23] =	ssyncset.done $0x0  }
0xab: {  	s25 =	simm.s32 $0x1B8E;
	s24 =	sld [smem:$0x3FFE];
	[sflag:s23] =	ssyncadd.s32 $0xFFFFFFFF  }
0xac: {  	s26 =	simm.s32 $execute0_lowered;
	[smem:$0x3FD2] =	sst s25  }
0xad: {  	s8 =	sshll.u32 s26, $0x1;
	_ =	strace $0x80000046;
	[dreg:$0x1] =	wrdreg $0xFFFFFFFF  }
0xae: {  	s28 =	simm.s32 $_size_execute0_lowered;
	s6 =	sadd.s32 s6, s8;
	[dreg:$0x0] =	wrdreg $0x0  }
0xaf: {  	s8 =	sshll.u32 s28, $0x1;
	[dreg:$0x2] =	wrdreg s6  }
0xb0: {  	[dreg:$0x3] =	wrdreg s8  }
0xb1: {  	[dreg:$0x4] =	wrdreg $0xC0  }
0xb2: {  	_ =	task [dreg:s10], $0x5FFFF  }
0xb3: {  	[dreg:$0x1] =	wrdreg $0xFFFFFFFF  }
0xb4: {  	[dreg:$0x0] =	wrdreg $0x60  }
0xb5: {  	[dreg:$0x2] =	wrdreg s24  }
0xb6: {  	[dreg:$0x3] =	wrdreg s4  }
0xb7: {  	[dreg:$0x4] =	wrdreg s17  }
0xb8: {  	[dreg:$0x5] =	wrdreg s15  }
0xb9: {  	[dreg:$0x6] =	wrdreg s16  }
0xba: {  	[dreg:$0x7] =	wrdreg $0x1F9800  }
0xbb: {  	[dreg:$0x8] =	wrdreg $0x9  }
0xbc: {  	_ =	task.clear_ibuf [dreg:s10], $0x9FFFF;
	_ =	strace $0x90000046  }
0xbd: {  	s29 =	simm.s32 $0x9;
	_ =	strace $0x80000048  }
0xbe: {  	_ =	swait.ge [sflag:s29], $0x1  }
0xbf: {  	[sflag:s29] =	ssyncadd.s32 $0xFFFFFFFF  }
0xc0: {  	_ =	strace $0x90000048  }
0xc1: {  	_ =	sfence  }
0xc2: {  	s30 =	sld [smem:$0x0];
	_ =	sdelay $0x2  }
0xc3: {  	s31 =	sshll.u32 s1, $0xD;
	s1 =	sshrl.u32 s1, $0x2  }
0xc4: {  	s3 =	sand.u32 $0x4000, s31;
	s1 =	sadd.s32 s1, s30  }
0xc5: {  	s0 =	sor.u32 s3, s0;
	s1 =	sshll.u32 s1, $0x11  }
0xc6: {  	s0 =	sor.u32 s1, s0  }
0xc7: {  	s0 =	sadd.s32 $0x8F2B, s0  }
0xc8: {  	[sflag:s0] =	ssyncadd.remote.s32 $0x1  }
0xc9: {  	_ =	sfence.sel $0xFFFF  }
0xca: {  	[dreg:$0x0] =	wrdreg $0xFFFFFFFF;
	(pc) =	sbr.abs _section_cstart, $3  }
0xcb: {  	[dreg:$0x1] =	wrdreg $0xFFFFFFFF  }
0xcc: {  	_ =	task.clear_ibuf [dreg:s10], $0x2FFFF;
	_ =	strace $0x9FFFFFFF  }
0xcd: {  	(tm) =	ssettm $0x7FFFFFFF  }
tec
execute0_lowered:
.L_overlay_start_1:
0x0: {  	(tag) =	ssettag $0x1  }
0x1: {  	s1 =	rddreg [dreg:$0x0];
	s9 =	stileid.u32  }
0x2: {  	s10 =	rddreg [dreg:$0x1];
	s0 =	smul.u32 $0x280, s9  }
0x3: {  	s2 =	rddreg [dreg:$0x4];
	s6 =	simm.s32 $0x0  }
0x4: {  	[smem:$0x7FF] =	sst s6;
	s19 =	sor.u32 $0x10, s0  }
0x5: {  	_ =	strace $0x80000047;
	s20 =	sor.u32 $0x20, s0;
	[smem:$0x7DF] =	sst s19  }
0x6: {  	s21 =	sor.u32 $0x30, s0;
	[smem:$0x7E0] =	sst s20  }
0x7: {  	s22 =	sor.u32 $0x40, s0;
	[smem:$0x7E1] =	sst s21  }
0x8: {  	s24 =	sor.u32 $0x50, s0;
	[smem:$0x7E2] =	sst s22  }
0x9: {  	s3 =	srdreg.scid;
	s25 =	sor.u32 $0x60, s0;
	[smem:$0x7E3] =	sst s24  }
0xa: {  	s3 =	sand.u32 $0x1, s3;
	s26 =	sor.u32 $0x70, s0;
	[smem:$0x7E4] =	sst s25  }
0xb: {  	s5 =	ssub.s32 $0x2, s3;
	s28 =	sadd.s32 $0x80, s0;
	[smem:$0x7E5] =	sst s26  }
0xc: {  	s3 =	sshll.u32 s3, $0x4;
	s30 =	sadd.s32 $0x90, s0;
	[smem:$0x7E6] =	sst s28  }
0xd: {  	s3 =	sor.u32 s9, s3;
	s9 =	sadd.s32 $0x110, s0;
	[smem:$0x7E7] =	sst s30  }
0xe: {  	s11 =	sadd.s32 $0x120, s0;
	[smem:$0x7E8] =	sst s9  }
0xf: {  	s14 =	sadd.s32 $0x130, s0;
	[smem:$0x7E9] =	sst s11  }
0x10: {  	s15 =	sadd.s32 $0x140, s0;
	[smem:$0x7EA] =	sst s14  }
0x11: {  	s16 =	sadd.s32 $0x150, s0;
	[smem:$0x7EB] =	sst s15  }
0x12: {  	s17 =	sadd.s32 $0x160, s0;
	[smem:$0x7EC] =	sst s16  }
0x13: {  	[smem:$0x7ED] =	sst s17;
	s19 =	sadd.s32 $0x180, s0  }
0x14: {  	s20 =	sadd.s32 $0x190, s0;
	[smem:$0x7EF] =	sst s19  }
0x15: {  	s21 =	sadd.s32 $0x1A0, s0;
	[smem:$0x7F0] =	sst s20  }
0x16: {  	s22 =	sadd.s32 $0x1B0, s0;
	[smem:$0x7F1] =	sst s21  }
0x17: {  	s24 =	sadd.s32 $0x1D0, s0;
	[smem:$0x7F2] =	sst s22  }
0x18: {  	s25 =	sadd.s32 $0x1E0, s0;
	[smem:$0x7F4] =	sst s24  }
0x19: {  	s9 =	sadd.s32 $0x220, s0;
	[smem:$0x7F5] =	sst s25  }
0x1a: {  	s11 =	sadd.s32 $0x230, s0;
	[smem:$0x7F9] =	sst s9  }
0x1b: {  	s14 =	sadd.s32 $0x240, s0;
	[smem:$0x7FA] =	sst s11  }
0x1c: {  	s15 =	sadd.s32 $0x250, s0;
	[smem:$0x7FB] =	sst s14  }
0x1d: {  	s16 =	sadd.s32 $0x260, s0;
	[smem:$0x7FC] =	sst s15  }
0x1e: {  	s4 =	sshrl.u32 s0, $0x3;
	s17 =	sadd.s32 $0x100, s10;
	[smem:$0x7FD] =	sst s16  }
0x1f: {  	v0 =	vlaneseq.u32;
	s8 =	sshrl.u32 s5, $0x1;
	s28 =	sadd.s32 $0xC0, s0;
	[dreg:$0xd] =	wrdreg s17  }
0x20: {  	s4 =	sadd.s32 s4, s1;
	s30 =	sadd.s32 $0xF0, s0;
	v62 =	vor.u32 s28, v0;
	s28 =	sld [smem:$0x7E8]  }
0x21: {  	s18 =	ssub.s32 s5, s8;
	s4 =	sadd.s32 $0x1800, s4;
	v15 =	vor.u32 s30, v0;
	s30 =	sld [smem:$0x7EA]  }
0x22: {  	s7 =	sadd.s32 $0x1E00, s1;
	s1 =	smax.u32 s18, $0x1;
	[dreg:$0x7] =	wrdreg s4  }
0x23: {  	s18 =	sadd.s32 $0x170, s0;
	[dreg:$0xa] =	wrdreg s1  }
0x24: {  	s19 =	sadd.s32 $0x300, s10;
	[smem:$0x7EE] =	sst s18  }
0x25: {  	s20 =	sadd.s32 $0x400, s10;
	[dreg:$0xf] =	wrdreg s19  }
0x26: {  	s21 =	sadd.s32 $0x500, s10;
	[dreg:$0x10] =	wrdreg s20  }
0x27: {  	s22 =	sadd.s32 $0x600, s10;
	[dreg:$0x11] =	wrdreg s21  }
0x28: {  	s24 =	sadd.s32 $0x800, s10;
	[dreg:$0x12] =	wrdreg s22  }
0x29: {  	s25 =	sadd.s32 $0x900, s10;
	[dreg:$0x14] =	wrdreg s24  }
0x2a: {  	s9 =	sadd.s32 $0xD00, s10;
	[dreg:$0x15] =	wrdreg s25  }
0x2b: {  	s11 =	sadd.s32 $0xE00, s10;
	[dreg:$0x19] =	wrdreg s9  }
0x2c: {  	s15 =	sadd.s32 $0xF00, s10;
	[dreg:$0x1a] =	wrdreg s11  }
0x2d: {  	s16 =	sadd.s32 $0x1000, s10;
	[dreg:$0x1b] =	wrdreg s15  }
0x2e: {  	s23 =	smul.u32 $0x98, s3;
	s17 =	sadd.s32 $0x1100, s10;
	[dreg:$0x1c] =	wrdreg s16  }
0x2f: {  	s26 =	sadd.s32 $0xE0, s0;
	[dreg:$0x1d] =	wrdreg s17  }
0x30: {  	v14 =	vor.u32 s26, v0;
	s12 =	sadd.s32 $0x88, s23;
	s23 =	sadd.s32 $0x1C0, s0;
	s26 =	sld [smem:$0x7F0]  }
0x31: {  	s4 =	sadd.s32 $0x200, s0;
	[smem:$0x7F3] =	sst s23  }
0x32: {  	s18 =	sadd.s32 $0x200, s10;
	[smem:$0x7F7] =	sst s4  }
0x33: {  	s19 =	sadd.s32 $0x1300, s10;
	[dreg:$0xe] =	wrdreg s18  }
0x34: {  	s20 =	sadd.s32 $0x1400, s10;
	[dreg:$0x1f] =	wrdreg s19  }
0x35: {  	s21 =	sadd.s32 $0x1500, s10;
	[smem:$0x7C9] =	sst s20  }
0x36: {  	s22 =	sadd.s32 $0x1600, s10;
	[smem:$0x7CA] =	sst s21  }
0x37: {  	s24 =	sadd.s32 $0x1800, s10;
	[smem:$0x7CB] =	sst s22  }
0x38: {  	s23 =	sadd.s32 $0x700, s10;
	[smem:$0x7CD] =	sst s24  }
0x39: {  	s4 =	sadd.s32 $0xB00, s10;
	[dreg:$0x13] =	wrdreg s23  }
0x3a: {  	s18 =	sadd.s32 $0x1200, s10;
	[dreg:$0x17] =	wrdreg s4  }
0x3b: {  	s5 =	smul.u32 $0xA0, s3;
	[dreg:$0x1e] =	wrdreg s18  }
0x3c: {  	p0 =	slt.u32 s3, $0x11;
	s3 =	simm.s32 $0xA0;
	s4 =	sld [smem:$0x7E0]  }
0x3d: {  	s3 =	simm.s32 @!p0 $0x98;
	s12 =	smov.u32 @p0 s5;
	v17 =	vor.u32 s28, v0;
	s28 =	sld [smem:$0x7F1]  }
0x3e: {  	s5 =	sadd.s32 s12, s3;
	s3 =	sshrl.u32 s3, $0x3;
	v19 =	vor.u32 s30, v0;
	s30 =	sld [smem:$0x7F3]  }
0x3f: {  	s23 =	sadd.s32 $0x1700, s10;
	[dreg:$0x9] =	wrdreg s3  }
0x40: {  	s25 =	sadd.s32 $0x500, s12;
	[smem:$0x7CC] =	sst s23  }
0x41: {  	[smem:$0x7CE] =	sst s25  }
0x42: {  	s31 =	sshll.u32 s5, $0x4;
	s5 =	sadd.s32 $0x4F0, s5;
	v25 =	vor.u32 s26, v0;
	s26 =	sld [smem:$0x7F9]  }
0x43: {  	s29 =	sshll.u32 s12, $0x4;
	s25 =	sadd.s32 $0x520, s12;
	[dreg:$0xb] =	wrdreg s5  }
0x44: {  	s13 =	sadd.s32 s2, s29;
	[smem:$0x7D1] =	sst s25  }
0x45: {  	s29 =	sadd.s32 $0xA0, s0;
	[dreg:$0x8] =	wrdreg s13  }
0x46: {  	s3 =	sadd.s32 $0xB0, s0;
	v60 =	vor.u32 s29, v0;
	s29 =	sld [smem:$0x7E9]  }
0x47: {  	s5 =	sadd.s32 $0x210, s0;
	v61 =	vor.u32 s3, v0;
	s3 =	sld [smem:$0x7EC]  }
0x48: {  	s24 =	sadd.s32 $0x100, s13;
	[smem:$0x7F8] =	sst s5  }
0x49: {  	s25 =	sadd.s32 $0x300, s13;
	[smem:$0x7D0] =	sst s24  }
0x4a: {  	s1 =	sadd.s32 $0x1A00, s10;
	s11 =	sadd.s32 $0x1C00, s10;
	[smem:$0x7D4] =	sst s25  }
0x4b: {  	s2 =	sadd.s32 s2, s31;
	s31 =	sadd.s32 $0x100, s0;
	v52 =	vor.u32 s4, v0;
	s4 =	sld [smem:$0x7E2]  }
0x4c: {  	s9 =	sadd.s32 $0x1D00, s10;
	s15 =	sadd.s32 $0x1E00, s10;
	v16 =	vor.u32 s31, v0;
	s31 =	sld [smem:$0x7EB]  }
0x4d: {  	s16 =	sadd.s32 $0x1F00, s10;
	s17 =	sadd.s32 $0x2000, s10;
	v26 =	vor.u32 s28, v0;
	s28 =	sld [smem:$0x7FA]  }
0x4e: {  	s19 =	sadd.s32 $0x2200, s10;
	s8 =	sadd.s32 $0xFFFFFF00, s2;
	v28 =	vor.u32 s30, v0;
	s30 =	sld [smem:$0x7FC]  }
0x4f: {  	s20 =	sadd.s32 $0x2300, s10;
	s2 =	sadd.s32 $0x1F0, s0;
	[dreg:$0xc] =	wrdreg s8  }
0x50: {  	s21 =	sadd.s32 $0x2400, s10;
	s5 =	sadd.s32 $0xC00, s10;
	[smem:$0x7F6] =	sst s2  }
0x51: {  	s22 =	sadd.s32 $0x2500, s10;
	s24 =	sadd.s32 $0x530, s12;
	[dreg:$0x18] =	wrdreg s5  }
0x52: {  	s18 =	sadd.s32 $0x2100, s10;
	s25 =	sadd.s32 $0x550, s12;
	[smem:$0x7D3] =	sst s24  }
0x53: {  	s23 =	sadd.s32 $0x2600, s10;
	s2 =	sadd.s32 $0xA00, s10;
	[smem:$0x7D7] =	sst s25  }
0x54: {  	s5 =	sadd.s32 $0x1B00, s10;
	s24 =	sadd.s32 $0x400, s13;
	[dreg:$0x16] =	wrdreg s2  }
0x55: {  	s2 =	sadd.s32 $0x1900, s10;
	s10 =	sadd.s32 $0x510, s12;
	[smem:$0x7D6] =	sst s24  }
0x56: {  	s24 =	sadd.s32 $0x560, s12;
	[smem:$0x7CF] =	sst s10  }
0x57: {  	s10 =	sadd.s32 $0x200, s13;
	[smem:$0x7D9] =	sst s24  }
0x58: {  	[smem:$0x7D2] =	sst s10;
	s10 =	sadd.s32 $0x540, s12  }
0x59: {  	[smem:$0x7D5] =	sst s10;
	s10 =	sadd.s32 $0x500, s13  }
0x5a: {  	[smem:$0x7D8] =	sst s10;
	s10 =	sadd.s32 $0x570, s12  }
0x5b: {  	s25 =	sadd.s32 $0x600, s13;
	[smem:$0x7DB] =	sst s10  }
0x5c: {  	s24 =	sadd.s32 $0x700, s13;
	s10 =	sadd.s32 $0x800, s13;
	s13 =	sld [smem:$0x7DF]  }
0x5d: {  	s8 =	sadd.s32 $0xD0, s0;
	[smem:$0x7DA] =	sst s25  }
0x5e: {  	v13 =	vor.u32 s8, v0;
	s8 =	sld [smem:$0x7EE]  }
0x5f: {  	v51 =	vor.u32 s13, v0;
	s13 =	sld [smem:$0x7E1]  }
0x60: {  	v18 =	vor.u32 s29, v0;
	s29 =	sld [smem:$0x7F2]  }
0x61: {  	v21 =	vor.u32 s3, v0;
	s3 =	sld [smem:$0x7F5]  }
0x62: {  	v53 =	vor.u32 s13, v0;
	s13 =	sld [smem:$0x7E3]  }
0x63: {  	v54 =	vor.u32 s4, v0;
	s4 =	sld [smem:$0x7E4]  }
0x64: {  	v1 =	vor.u32 s0, v0;
	v20 =	vor.u32 s31, v0;
	s31 =	sld [smem:$0x7F4]  }
0x65: {  	[tilespmem:$0x1FF30] =	vst v1;
	v55 =	vor.u32 s13, v0;
	s13 =	sld [smem:$0x7E5]  }
0x66: {  	[tilespmem:$0x1FFF0] =	vst v62;
	v23 =	vor.u32 s8, v0;
	s8 =	sld [smem:$0x7F7]  }
0x67: {  	[tilespmem:$0x1FFD0] =	vst v60;
	v56 =	vor.u32 s4, v0;
	s4 =	sld [smem:$0x7E6]  }
0x68: {  	[tilespmem:$0x1FFE0] =	vst v61;
	v57 =	vor.u32 s13, v0;
	s13 =	sld [smem:$0x7E7]  }
0x69: {  	[tilespmem:$0x1FF50] =	vst v52;
	v27 =	vor.u32 s29, v0;
	s29 =	sld [smem:$0x7FB]  }
0x6a: {  	[tilespmem:$0x1FF70] =	vst v54;
	v58 =	vor.u32 s4, v0;
	s4 =	sld [smem:$0x7ED]  }
0x6b: {  	[tilespmem:$0x1FF90] =	vst v56;
	v59 =	vor.u32 s13, v0;
	s13 =	sld [smem:$0x7EF]  }
0x6c: {  	vm0 =	vmmov $0xffff;
	v63 =	vshrl.u32 v0, $0x3;
	v29 =	vor.u32 s31, v0;
	s31 =	sld [smem:$0x7FD];
	[tilespmem:$0x1FFB0] =	vst v58  }
0x6d: {  	v40 =	vand.u32 $0x7, v0;
	v41 =	vmul.u32 $0x8, v63;
	s14 =	sadd.s32 $0x270, s0;
	[tilespmem:$0x1FF40] =	vst v51;
	v22 =	vor.u32 s4, v0;
	s4 =	sld [smem:$0x7F6]  }
0x6e: {  	v39 =	vor.u32 s14, v0;
	v42 =	vmov s12;
	s25 =	sadd.s32 $0x580, s12;
	[tilespmem:$0x1FF60] =	vst v53;
	v24 =	vor.u32 s13, v0;
	s13 =	sld [smem:$0x7F8]  }
0x6f: {  	v34 =	vor.u32 s26, v0;
	s26 =	simm.s32 $0x1;
	[smem:$0x7DD] =	sst s25;
	s25 =	simm.s32 $0x1900;
	v35 =	vor.u32 s28, v0;
	v37 =	vor.u32 s30, v0;
	[tilespmem:$0x1FF80] =	vst v55  }
0x70: {  	[smem:$0x7DC] =	sst s24;
	s24 =	simm.s32 $0x2;
	v30 =	vor.u32 s3, v0;
	s3 =	simm.s32 $0x0;
	v32 =	vor.u32 s8, v0;
	v36 =	vor.u32 s29, v0;
	[tilespmem:$0x1FFA0] =	vst v57  }
0x71: {  	[smem:$0x7DE] =	sst s10;
	s10 =	simm.s32 $0x3;
	v38 =	vor.u32 s31, v0;
	v31 =	vor.u32 s4, v0;
	s4 =	smov.u32 s12;
	[tilespmem:$0x1FFC0] =	vst v59;
	v33 =	vor.u32 s13, v0  }
.LBB2_1:
0x72: {  	[smem:$0x7C8] =	sst s3  }
0x73: {  	s0 =	rddreg [dreg:$0x7]  }
0x74: {  	[tilespmem:s6], [sflag:$0x3] =	stream.linear.gather [hbm4b:s0+s6], $0x280, $0x38;
	[tilespmem:$0x1FC00] =	vst v63  }
0x75: {  	_ =	swait.ge [sflag:s10], $0x280  }
0x76: {  	[sflag:s10] =	ssyncset.done $0x0  }
0x77: {  	[sflag:s10] =	ssyncadd.s32 $0xFFFFFD80  }
0x78: {  	[tilespmem:$0x350] =	vst v13  }
0x79: {  	[tilespmem:$0x360] =	vst v14  }
0x7a: {  	[tilespmem:$0x370] =	vst v15  }
0x7b: {  	[tilespmem:$0x380] =	vst v16  }
0x7c: {  	[tilespmem:$0x390] =	vst v17  }
0x7d: {  	[tilespmem:$0x3A0] =	vst v18  }
0x7e: {  	[tilespmem:$0x3B0] =	vst v19  }
0x7f: {  	[tilespmem:$0x3C0] =	vst v20  }
0x80: {  	[tilespmem:$0x3D0] =	vst v21  }
0x81: {  	[tilespmem:$0x3E0] =	vst v22  }
0x82: {  	[tilespmem:$0x3F0] =	vst v23  }
0x83: {  	[tilespmem:$0x400] =	vst v24  }
0x84: {  	[tilespmem:$0x410] =	vst v25  }
0x85: {  	[tilespmem:$0x420] =	vst v26  }
0x86: {  	[tilespmem:$0x430] =	vst v27  }
0x87: {  	[tilespmem:$0x440] =	vst v28  }
0x88: {  	[tilespmem:$0x450] =	vst v29  }
0x89: {  	[tilespmem:$0x460] =	vst v30  }
0x8a: {  	[tilespmem:$0x470] =	vst v31  }
0x8b: {  	[tilespmem:$0x480] =	vst v32  }
0x8c: {  	[tilespmem:$0x490] =	vst v33  }
0x8d: {  	v0 =	vld [tilespmem:$0x1FF30];
	[tilespmem:$0x4A0] =	vst v34  }
0x8e: {  	v51 =	vld [tilespmem:$0x1FF40];
	[tilespmem:$0x4B0] =	vst v35  }
0x8f: {  	v52 =	vld [tilespmem:$0x1FF50];
	[tilespmem:$0x4C0] =	vst v36  }
0x90: {  	v53 =	vld [tilespmem:$0x1FF60];
	[tilespmem:$0x4D0] =	vst v37  }
0x91: {  	v54 =	vld [tilespmem:$0x1FF70];
	[tilespmem:$0x4E0] =	vst v38  }
0x92: {  	v55 =	vld [tilespmem:$0x1FF80];
	[tilespmem:$0x4F0] =	vst v39  }
0x93: {  	v56 =	vld [tilespmem:$0x1FF90];
	[tilespmem:$0x280] =	vst v0  }
0x94: {  	v57 =	vld [tilespmem:$0x1FFA0];
	[tilespmem:$0x290] =	vst v51  }
0x95: {  	v58 =	vld [tilespmem:$0x1FFB0];
	[tilespmem:$0x2A0] =	vst v52  }
0x96: {  	v59 =	vld [tilespmem:$0x1FFC0];
	[tilespmem:$0x2B0] =	vst v53  }
0x97: {  	v60 =	vld [tilespmem:$0x1FFD0];
	[tilespmem:$0x2C0] =	vst v54  }
0x98: {  	v63 =	vld [tilespmem:$0x0];
	[tilespmem:$0x2D0] =	vst v55  }
0x99: {  	v61 =	vld [tilespmem:$0x1FFE0];
	[tilespmem:$0x2E0] =	vst v56  }
0x9a: {  	v62 =	vld [tilespmem:$0x1FFF0];
	[tilespmem:$0x2F0] =	vst v57  }
0x9b: {  	[tilespmem:$0x300] =	vst v58  }
0x9c: {  	[tilespmem:$0x310] =	vst v59  }
0x9d: {  	[tilespmem:$0x320] =	vst v60  }
0x9e: {  	[tilespmem:$0x330] =	vst v61  }
0x9f: {  	s12 =	simm.s32 $0x280;
	s0 =	rddreg [dreg:$0x5];
	[tilespmem:$0x340] =	vst v62  }
0xa0: {  	[spmem:s0] =	stream.indirect_vreg.scatter [tilespmem:s12], [sflag:$0x2], $0x1, v63, vm0, $0xb8;
	[tilespmem:$0x1FC00] =	vst v63  }
0xa1: {  	v0 =	vld [tilespmem:$0x10];
	_ =	sdelay $0x6  }
0xa2: {  	s13 =	simm.s32 $0x290  }
0xa3: {  	[spmem:s0] =	stream.indirect_vreg.scatter [tilespmem:s13], [sflag:$0x2], $0x1, v0, vm0, $0xb8;
	[tilespmem:$0x1FC00] =	vst v63  }
0xa4: {  	v0 =	vld [tilespmem:$0x20];
	_ =	sdelay $0x6  }
0xa5: {  	s14 =	simm.s32 $0x2A0  }
0xa6: {  	[spmem:s0] =	stream.indirect_vreg.scatter [tilespmem:s14], [sflag:$0x2], $0x1, v0, vm0, $0xb8;
	[tilespmem:$0x1FC00] =	vst v63  }
0xa7: {  	v0 =	vld [tilespmem:$0x30];
	_ =	sdelay $0x6  }
0xa8: {  	s29 =	simm.s32 $0x2B0  }
0xa9: {  	[spmem:s0] =	stream.indirect_vreg.scatter [tilespmem:s29], [sflag:$0x2], $0x1, v0, vm0, $0xb8;
	[tilespmem:$0x1FC00] =	vst v63  }
0xaa: {  	v0 =	vld [tilespmem:$0x40];
	_ =	sdelay $0x6  }
0xab: {  	s30 =	simm.s32 $0x2C0  }
0xac: {  	[spmem:s0] =	stream.indirect_vreg.scatter [tilespmem:s30], [sflag:$0x2], $0x1, v0, vm0, $0xb8;
	[tilespmem:$0x1FC00] =	vst v63  }
0xad: {  	v0 =	vld [tilespmem:$0x50];
	_ =	sdelay $0x6  }
0xae: {  	s31 =	simm.s32 $0x2D0  }
0xaf: {  	[spmem:s0] =	stream.indirect_vreg.scatter [tilespmem:s31], [sflag:$0x2], $0x1, v0, vm0, $0xb8;
	[tilespmem:$0x1FC00] =	vst v63  }
0xb0: {  	v0 =	vld [tilespmem:$0x60];
	_ =	sdelay $0x6  }
0xb1: {  	s8 =	simm.s32 $0x2E0  }
0xb2: {  	[spmem:s0] =	stream.indirect_vreg.scatter [tilespmem:s8], [sflag:$0x2], $0x1, v0, vm0, $0xb8;
	[tilespmem:$0x1FC00] =	vst v63  }
0xb3: {  	v0 =	vld [tilespmem:$0x70];
	_ =	sdelay $0x6  }
0xb4: {  	s12 =	simm.s32 $0x2F0  }
0xb5: {  	[spmem:s0] =	stream.indirect_vreg.scatter [tilespmem:s12], [sflag:$0x2], $0x1, v0, vm0, $0xb8;
	[tilespmem:$0x1FC00] =	vst v63  }
0xb6: {  	v0 =	vld [tilespmem:$0x80];
	_ =	sdelay $0x6  }
0xb7: {  	s13 =	simm.s32 $0x300  }
0xb8: {  	[spmem:s0] =	stream.indirect_vreg.scatter [tilespmem:s13], [sflag:$0x2], $0x1, v0, vm0, $0xb8;
	[tilespmem:$0x1FC00] =	vst v63  }
0xb9: {  	v0 =	vld [tilespmem:$0x90];
	_ =	sdelay $0x6  }
0xba: {  	s14 =	simm.s32 $0x310  }
0xbb: {  	[spmem:s0] =	stream.indirect_vreg.scatter [tilespmem:s14], [sflag:$0x2], $0x1, v0, vm0, $0xb8;
	[tilespmem:$0x1FC00] =	vst v63  }
0xbc: {  	v0 =	vld [tilespmem:$0xA0];
	_ =	sdelay $0x6  }
0xbd: {  	s29 =	simm.s32 $0x320  }
0xbe: {  	[spmem:s0] =	stream.indirect_vreg.scatter [tilespmem:s29], [sflag:$0x2], $0x1, v0, vm0, $0xb8;
	[tilespmem:$0x1FC00] =	vst v63  }
0xbf: {  	v0 =	vld [tilespmem:$0xB0];
	_ =	sdelay $0x6  }
0xc0: {  	s30 =	simm.s32 $0x330  }
0xc1: {  	[spmem:s0] =	stream.indirect_vreg.scatter [tilespmem:s30], [sflag:$0x2], $0x1, v0, vm0, $0xb8;
	[tilespmem:$0x1FC00] =	vst v63  }
0xc2: {  	v0 =	vld [tilespmem:$0xC0];
	_ =	sdelay $0x6  }
0xc3: {  	s31 =	simm.s32 $0x340  }
0xc4: {  	[spmem:s0] =	stream.indirect_vreg.scatter [tilespmem:s31], [sflag:$0x2], $0x1, v0, vm0, $0xb8;
	[tilespmem:$0x1FC00] =	vst v63  }
0xc5: {  	v0 =	vld [tilespmem:$0xD0];
	_ =	sdelay $0x6  }
0xc6: {  	s8 =	simm.s32 $0x350  }
0xc7: {  	[spmem:s0] =	stream.indirect_vreg.scatter [tilespmem:s8], [sflag:$0x2], $0x1, v0, vm0, $0xb8;
	[tilespmem:$0x1FC00] =	vst v63  }
0xc8: {  	v0 =	vld [tilespmem:$0xE0];
	_ =	sdelay $0x6  }
0xc9: {  	s12 =	simm.s32 $0x360  }
0xca: {  	[spmem:s0] =	stream.indirect_vreg.scatter [tilespmem:s12], [sflag:$0x2], $0x1, v0, vm0, $0xb8;
	[tilespmem:$0x1FC00] =	vst v63  }
0xcb: {  	v0 =	vld [tilespmem:$0xF0];
	_ =	sdelay $0x6  }
0xcc: {  	s13 =	simm.s32 $0x370  }
0xcd: {  	[spmem:s0] =	stream.indirect_vreg.scatter [tilespmem:s13], [sflag:$0x2], $0x1, v0, vm0, $0xb8;
	[tilespmem:$0x1FC00] =	vst v63  }
0xce: {  	v0 =	vld [tilespmem:$0x100];
	_ =	sdelay $0x6  }
0xcf: {  	s14 =	simm.s32 $0x380  }
0xd0: {  	[spmem:s0] =	stream.indirect_vreg.scatter [tilespmem:s14], [sflag:$0x2], $0x1, v0, vm0, $0xb8;
	[tilespmem:$0x1FC00] =	vst v63  }
0xd1: {  	v0 =	vld [tilespmem:$0x110];
	_ =	sdelay $0x6  }
0xd2: {  	s29 =	simm.s32 $0x390  }
0xd3: {  	[spmem:s0] =	stream.indirect_vreg.scatter [tilespmem:s29], [sflag:$0x2], $0x1, v0, vm0, $0xb8;
	[tilespmem:$0x1FC00] =	vst v63  }
0xd4: {  	v0 =	vld [tilespmem:$0x120];
	_ =	sdelay $0x6  }
0xd5: {  	s30 =	simm.s32 $0x3A0  }
0xd6: {  	[spmem:s0] =	stream.indirect_vreg.scatter [tilespmem:s30], [sflag:$0x2], $0x1, v0, vm0, $0xb8;
	[tilespmem:$0x1FC00] =	vst v63  }
0xd7: {  	v0 =	vld [tilespmem:$0x130];
	_ =	sdelay $0x6  }
0xd8: {  	s31 =	simm.s32 $0x3B0  }
0xd9: {  	[spmem:s0] =	stream.indirect_vreg.scatter [tilespmem:s31], [sflag:$0x2], $0x1, v0, vm0, $0xb8;
	[tilespmem:$0x1FC00] =	vst v63  }
0xda: {  	v0 =	vld [tilespmem:$0x140];
	_ =	sdelay $0x6  }
0xdb: {  	s8 =	simm.s32 $0x3C0  }
0xdc: {  	[spmem:s0] =	stream.indirect_vreg.scatter [tilespmem:s8], [sflag:$0x2], $0x1, v0, vm0, $0xb8;
	[tilespmem:$0x1FC00] =	vst v63  }
0xdd: {  	v0 =	vld [tilespmem:$0x150];
	_ =	sdelay $0x6  }
0xde: {  	s12 =	simm.s32 $0x3D0  }
0xdf: {  	[spmem:s0] =	stream.indirect_vreg.scatter [tilespmem:s12], [sflag:$0x2], $0x1, v0, vm0, $0xb8;
	[tilespmem:$0x1FC00] =	vst v63  }
0xe0: {  	v0 =	vld [tilespmem:$0x160];
	_ =	sdelay $0x6  }
0xe1: {  	s13 =	simm.s32 $0x3E0  }
0xe2: {  	[spmem:s0] =	stream.indirect_vreg.scatter [tilespmem:s13], [sflag:$0x2], $0x1, v0, vm0, $0xb8;
	[tilespmem:$0x1FC00] =	vst v63  }
0xe3: {  	v0 =	vld [tilespmem:$0x170];
	_ =	sdelay $0x6  }
0xe4: {  	s14 =	simm.s32 $0x3F0  }
0xe5: {  	[spmem:s0] =	stream.indirect_vreg.scatter [tilespmem:s14], [sflag:$0x2], $0x1, v0, vm0, $0xb8;
	[tilespmem:$0x1FC00] =	vst v63  }
0xe6: {  	v0 =	vld [tilespmem:$0x180];
	_ =	sdelay $0x6  }
0xe7: {  	s29 =	simm.s32 $0x400  }
0xe8: {  	[spmem:s0] =	stream.indirect_vreg.scatter [tilespmem:s29], [sflag:$0x2], $0x1, v0, vm0, $0xb8;
	[tilespmem:$0x1FC00] =	vst v63  }
0xe9: {  	v0 =	vld [tilespmem:$0x190];
	_ =	sdelay $0x6  }
0xea: {  	s30 =	simm.s32 $0x410  }
0xeb: {  	[spmem:s0] =	stream.indirect_vreg.scatter [tilespmem:s30], [sflag:$0x2], $0x1, v0, vm0, $0xb8;
	[tilespmem:$0x1FC00] =	vst v63  }
0xec: {  	v0 =	vld [tilespmem:$0x1A0];
	_ =	sdelay $0x6  }
0xed: {  	s31 =	simm.s32 $0x420  }
0xee: {  	[spmem:s0] =	stream.indirect_vreg.scatter [tilespmem:s31], [sflag:$0x2], $0x1, v0, vm0, $0xb8;
	[tilespmem:$0x1FC00] =	vst v63  }
0xef: {  	v0 =	vld [tilespmem:$0x1B0];
	_ =	sdelay $0x6  }
0xf0: {  	s8 =	simm.s32 $0x430  }
0xf1: {  	[spmem:s0] =	stream.indirect_vreg.scatter [tilespmem:s8], [sflag:$0x2], $0x1, v0, vm0, $0xb8;
	[tilespmem:$0x1FC00] =	vst v63  }
0xf2: {  	v0 =	vld [tilespmem:$0x1C0];
	_ =	sdelay $0x6  }
0xf3: {  	s12 =	simm.s32 $0x440  }
0xf4: {  	[spmem:s0] =	stream.indirect_vreg.scatter [tilespmem:s12], [sflag:$0x2], $0x1, v0, vm0, $0xb8;
	[tilespmem:$0x1FC00] =	vst v63  }
0xf5: {  	v0 =	vld [tilespmem:$0x1D0];
	_ =	sdelay $0x6  }
0xf6: {  	s13 =	simm.s32 $0x450  }
0xf7: {  	[spmem:s0] =	stream.indirect_vreg.scatter [tilespmem:s13], [sflag:$0x2], $0x1, v0, vm0, $0xb8;
	[tilespmem:$0x1FC00] =	vst v63  }
0xf8: {  	v0 =	vld [tilespmem:$0x1E0];
	_ =	sdelay $0x6  }
0xf9: {  	s14 =	simm.s32 $0x460  }
0xfa: {  	[spmem:s0] =	stream.indirect_vreg.scatter [tilespmem:s14], [sflag:$0x2], $0x1, v0, vm0, $0xb8;
	[tilespmem:$0x1FC00] =	vst v63  }
0xfb: {  	v0 =	vld [tilespmem:$0x1F0];
	_ =	sdelay $0x6  }
0xfc: {  	s29 =	simm.s32 $0x470  }
0xfd: {  	[spmem:s0] =	stream.indirect_vreg.scatter [tilespmem:s29], [sflag:$0x2], $0x1, v0, vm0, $0xb8;
	[tilespmem:$0x1FC00] =	vst v63  }
0xfe: {  	v0 =	vld [tilespmem:$0x200];
	_ =	sdelay $0x6  }
0xff: {  	s30 =	simm.s32 $0x480  }
0x100: {  	[spmem:s0] =	stream.indirect_vreg.scatter [tilespmem:s30], [sflag:$0x2], $0x1, v0, vm0, $0xb8;
	[tilespmem:$0x1FC00] =	vst v63  }
0x101: {  	v0 =	vld [tilespmem:$0x210];
	_ =	sdelay $0x6  }
0x102: {  	s31 =	simm.s32 $0x490  }
0x103: {  	[spmem:s0] =	stream.indirect_vreg.scatter [tilespmem:s31], [sflag:$0x2], $0x1, v0, vm0, $0xb8;
	[tilespmem:$0x1FC00] =	vst v63  }
0x104: {  	v0 =	vld [tilespmem:$0x220];
	_ =	sdelay $0x6  }
0x105: {  	s8 =	simm.s32 $0x4A0  }
0x106: {  	[spmem:s0] =	stream.indirect_vreg.scatter [tilespmem:s8], [sflag:$0x2], $0x1, v0, vm0, $0xb8;
	[tilespmem:$0x1FC00] =	vst v63  }
0x107: {  	v0 =	vld [tilespmem:$0x230];
	_ =	sdelay $0x6  }
0x108: {  	s12 =	simm.s32 $0x4B0  }
0x109: {  	[spmem:s0] =	stream.indirect_vreg.scatter [tilespmem:s12], [sflag:$0x2], $0x1, v0, vm0, $0xb8;
	[tilespmem:$0x1FC00] =	vst v63  }
0x10a: {  	v0 =	vld [tilespmem:$0x240];
	_ =	sdelay $0x6  }
0x10b: {  	s13 =	simm.s32 $0x4C0  }
0x10c: {  	[spmem:s0] =	stream.indirect_vreg.scatter [tilespmem:s13], [sflag:$0x2], $0x1, v0, vm0, $0xb8;
	[tilespmem:$0x1FC00] =	vst v63  }
0x10d: {  	v0 =	vld [tilespmem:$0x250];
	_ =	sdelay $0x6  }
0x10e: {  	s14 =	simm.s32 $0x4D0  }
0x10f: {  	[spmem:s0] =	stream.indirect_vreg.scatter [tilespmem:s14], [sflag:$0x2], $0x1, v0, vm0, $0xb8;
	[tilespmem:$0x1FC00] =	vst v63  }
0x110: {  	v0 =	vld [tilespmem:$0x260];
	_ =	sdelay $0x6  }
0x111: {  	s29 =	simm.s32 $0x4E0  }
0x112: {  	[spmem:s0] =	stream.indirect_vreg.scatter [tilespmem:s29], [sflag:$0x2], $0x1, v0, vm0, $0xb8;
	[tilespmem:$0x1FC00] =	vst v63  }
0x113: {  	v0 =	vld [tilespmem:$0x270];
	_ =	sdelay $0x6  }
0x114: {  	s30 =	simm.s32 $0x4F0  }
0x115: {  	[spmem:s0] =	stream.indirect_vreg.scatter [tilespmem:s30], [sflag:$0x2], $0x1, v0, vm0, $0xb8;
	[tilespmem:$0x1FC00] =	vst v63  }
0x116: {  	_ =	swait.ge [sflag:s24], $0x10  }
0x117: {  	[sflag:s24] =	ssyncset.done $0x0  }
0x118: {  	[sflag:s24] =	ssyncadd.s32 $0xFFFFFFF0  }
0x119: {  	_ =	swait.ge [sflag:s24], $0x10  }
0x11a: {  	[sflag:s24] =	ssyncset.done $0x0  }
0x11b: {  	[sflag:s24] =	ssyncadd.s32 $0xFFFFFFF0  }
0x11c: {  	_ =	swait.ge [sflag:s24], $0x10  }
0x11d: {  	[sflag:s24] =	ssyncset.done $0x0  }
0x11e: {  	[sflag:s24] =	ssyncadd.s32 $0xFFFFFFF0  }
0x11f: {  	_ =	swait.ge [sflag:s24], $0x10  }
0x120: {  	[sflag:s24] =	ssyncset.done $0x0  }
0x121: {  	[sflag:s24] =	ssyncadd.s32 $0xFFFFFFF0  }
0x122: {  	_ =	swait.ge [sflag:s24], $0x10  }
0x123: {  	[sflag:s24] =	ssyncset.done $0x0  }
0x124: {  	[sflag:s24] =	ssyncadd.s32 $0xFFFFFFF0  }
0x125: {  	_ =	swait.ge [sflag:s24], $0x10  }
0x126: {  	[sflag:s24] =	ssyncset.done $0x0  }
0x127: {  	[sflag:s24] =	ssyncadd.s32 $0xFFFFFFF0  }
0x128: {  	_ =	swait.ge [sflag:s24], $0x10  }
0x129: {  	[sflag:s24] =	ssyncset.done $0x0  }
0x12a: {  	[sflag:s24] =	ssyncadd.s32 $0xFFFFFFF0  }
0x12b: {  	_ =	swait.ge [sflag:s24], $0x10  }
0x12c: {  	[sflag:s24] =	ssyncset.done $0x0  }
0x12d: {  	[sflag:s24] =	ssyncadd.s32 $0xFFFFFFF0  }
0x12e: {  	_ =	swait.ge [sflag:s24], $0x10  }
0x12f: {  	[sflag:s24] =	ssyncset.done $0x0  }
0x130: {  	[sflag:s24] =	ssyncadd.s32 $0xFFFFFFF0  }
0x131: {  	_ =	swait.ge [sflag:s24], $0x10  }
0x132: {  	[sflag:s24] =	ssyncset.done $0x0  }
0x133: {  	[sflag:s24] =	ssyncadd.s32 $0xFFFFFFF0  }
0x134: {  	_ =	swait.ge [sflag:s24], $0x10  }
0x135: {  	[sflag:s24] =	ssyncset.done $0x0  }
0x136: {  	[sflag:s24] =	ssyncadd.s32 $0xFFFFFFF0  }
0x137: {  	_ =	swait.ge [sflag:s24], $0x10  }
0x138: {  	[sflag:s24] =	ssyncset.done $0x0  }
0x139: {  	[sflag:s24] =	ssyncadd.s32 $0xFFFFFFF0  }
0x13a: {  	_ =	swait.ge [sflag:s24], $0x10  }
0x13b: {  	[sflag:s24] =	ssyncset.done $0x0  }
0x13c: {  	[sflag:s24] =	ssyncadd.s32 $0xFFFFFFF0  }
0x13d: {  	_ =	swait.ge [sflag:s24], $0x10  }
0x13e: {  	[sflag:s24] =	ssyncset.done $0x0  }
0x13f: {  	[sflag:s24] =	ssyncadd.s32 $0xFFFFFFF0  }
0x140: {  	_ =	swait.ge [sflag:s24], $0x10  }
0x141: {  	[sflag:s24] =	ssyncset.done $0x0  }
0x142: {  	[sflag:s24] =	ssyncadd.s32 $0xFFFFFFF0  }
0x143: {  	_ =	swait.ge [sflag:s24], $0x10  }
0x144: {  	[sflag:s24] =	ssyncset.done $0x0  }
0x145: {  	[sflag:s24] =	ssyncadd.s32 $0xFFFFFFF0  }
0x146: {  	_ =	swait.ge [sflag:s24], $0x10  }
0x147: {  	[sflag:s24] =	ssyncset.done $0x0  }
0x148: {  	[sflag:s24] =	ssyncadd.s32 $0xFFFFFFF0  }
0x149: {  	_ =	swait.ge [sflag:s24], $0x10  }
0x14a: {  	[sflag:s24] =	ssyncset.done $0x0  }
0x14b: {  	[sflag:s24] =	ssyncadd.s32 $0xFFFFFFF0  }
0x14c: {  	_ =	swait.ge [sflag:s24], $0x10  }
0x14d: {  	[sflag:s24] =	ssyncset.done $0x0  }
0x14e: {  	[sflag:s24] =	ssyncadd.s32 $0xFFFFFFF0  }
0x14f: {  	_ =	swait.ge [sflag:s24], $0x10  }
0x150: {  	[sflag:s24] =	ssyncset.done $0x0  }
0x151: {  	[sflag:s24] =	ssyncadd.s32 $0xFFFFFFF0  }
0x152: {  	_ =	swait.ge [sflag:s24], $0x10  }
0x153: {  	[sflag:s24] =	ssyncset.done $0x0  }
0x154: {  	[sflag:s24] =	ssyncadd.s32 $0xFFFFFFF0  }
0x155: {  	_ =	swait.ge [sflag:s24], $0x10  }
0x156: {  	[sflag:s24] =	ssyncset.done $0x0  }
0x157: {  	[sflag:s24] =	ssyncadd.s32 $0xFFFFFFF0  }
0x158: {  	_ =	swait.ge [sflag:s24], $0x10  }
0x159: {  	[sflag:s24] =	ssyncset.done $0x0  }
0x15a: {  	[sflag:s24] =	ssyncadd.s32 $0xFFFFFFF0  }
0x15b: {  	_ =	swait.ge [sflag:s24], $0x10  }
0x15c: {  	[sflag:s24] =	ssyncset.done $0x0  }
0x15d: {  	[sflag:s24] =	ssyncadd.s32 $0xFFFFFFF0  }
0x15e: {  	_ =	swait.ge [sflag:s24], $0x10  }
0x15f: {  	[sflag:s24] =	ssyncset.done $0x0  }
0x160: {  	[sflag:s24] =	ssyncadd.s32 $0xFFFFFFF0  }
0x161: {  	_ =	swait.ge [sflag:s24], $0x10  }
0x162: {  	[sflag:s24] =	ssyncset.done $0x0  }
0x163: {  	[sflag:s24] =	ssyncadd.s32 $0xFFFFFFF0  }
0x164: {  	_ =	swait.ge [sflag:s24], $0x10  }
0x165: {  	[sflag:s24] =	ssyncset.done $0x0  }
0x166: {  	[sflag:s24] =	ssyncadd.s32 $0xFFFFFFF0  }
0x167: {  	_ =	swait.ge [sflag:s24], $0x10  }
0x168: {  	[sflag:s24] =	ssyncset.done $0x0  }
0x169: {  	[sflag:s24] =	ssyncadd.s32 $0xFFFFFFF0  }
0x16a: {  	_ =	swait.ge [sflag:s24], $0x10  }
0x16b: {  	[sflag:s24] =	ssyncset.done $0x0  }
0x16c: {  	[sflag:s24] =	ssyncadd.s32 $0xFFFFFFF0  }
0x16d: {  	_ =	swait.ge [sflag:s24], $0x10  }
0x16e: {  	[sflag:s24] =	ssyncset.done $0x0  }
0x16f: {  	[sflag:s24] =	ssyncadd.s32 $0xFFFFFFF0  }
0x170: {  	_ =	swait.ge [sflag:s24], $0x10  }
0x171: {  	[sflag:s24] =	ssyncset.done $0x0  }
0x172: {  	[sflag:s24] =	ssyncadd.s32 $0xFFFFFFF0  }
0x173: {  	_ =	swait.ge [sflag:s24], $0x10  }
0x174: {  	[sflag:s24] =	ssyncset.done $0x0  }
0x175: {  	[sflag:s24] =	ssyncadd.s32 $0xFFFFFFF0  }
0x176: {  	_ =	swait.ge [sflag:s24], $0x10  }
0x177: {  	[sflag:s24] =	ssyncset.done $0x0  }
0x178: {  	[sflag:s24] =	ssyncadd.s32 $0xFFFFFFF0  }
0x179: {  	_ =	swait.ge [sflag:s24], $0x10  }
0x17a: {  	[sflag:s24] =	ssyncset.done $0x0  }
0x17b: {  	[sflag:s24] =	ssyncadd.s32 $0xFFFFFFF0  }
0x17c: {  	_ =	swait.ge [sflag:s24], $0x10  }
0x17d: {  	[sflag:s24] =	ssyncset.done $0x0  }
0x17e: {  	[sflag:s24] =	ssyncadd.s32 $0xFFFFFFF0  }
0x17f: {  	_ =	swait.ge [sflag:s24], $0x10  }
0x180: {  	[sflag:s24] =	ssyncset.done $0x0  }
0x181: {  	[sflag:s24] =	ssyncadd.s32 $0xFFFFFFF0  }
0x182: {  	_ =	swait.ge [sflag:s24], $0x10  }
0x183: {  	[sflag:s24] =	ssyncset.done $0x0  }
0x184: {  	[sflag:s24] =	ssyncadd.s32 $0xFFFFFFF0  }
0x185: {  	_ =	swait.ge [sflag:s24], $0x10  }
0x186: {  	[sflag:s24] =	ssyncset.done $0x0  }
0x187: {  	[sflag:s24] =	ssyncadd.s32 $0xFFFFFFF0  }
0x188: {  	_ =	swait.ge [sflag:s24], $0x10  }
0x189: {  	[sflag:s24] =	ssyncset.done $0x0  }
0x18a: {  	[sflag:s24] =	ssyncadd.s32 $0xFFFFFFF0  }
0x18b: {  	_ =	swait.ge [sflag:s24], $0x10  }
0x18c: {  	[sflag:s24] =	ssyncset.done $0x0  }
0x18d: {  	[sflag:s24] =	ssyncadd.s32 $0xFFFFFFF0  }
0x18e: {  	s31 =	simm.s32 $0x500;
	[bflag:$0x0] =	sbarrier.arrive $0xFFFF  }
0x18f: {  	[tilespmem:s31], [sflag:$0x3] =	stream.linear.gather [spmem:s0], $0x1390, $0x38;
	[tilespmem:$0x1FC00] =	vst v63  }
0x190: {  	_ =	swait.ge [sflag:s10], $0x1390  }
0x191: {  	[sflag:s10] =	ssyncset.done $0x0  }
0x192: {  	s28 =	simm.s32 $0x0;
	[sflag:s10] =	ssyncadd.s32 $0xFFFFEC70  }
.LBB2_2:
0x193: {  	_ =	sdelay $0x2  }
0x194: {  	s0 =	sshll.u32 s28, $0x3  }
0x195: {  	v0 =	vld.idx.msk [tilespmem:v42+s0+$0x500 ss:$0x1], $0xff;
	_ =	sdelay $0x4  }
0x196: {  	v1 =	vshrl.u32 v0, $0x3  }
0x197: {  	v1 =	vmul.u32 $0x278, v1  }
0x198: {  	v0 =	vand.u32 $0x7, v0  }
0x199: {  	v0 =	vor.u32 v0, v1  }
0x19a: {  	v0 =	vperm.xlane v0, v40;
	_ =	sdelay $0x1  }
0x19b: {  	v0 =	vadd.s32 v41, v0;
	_ =	sdelay $0x2  }
0x19c: {  	s3 =	rddreg [dreg:$0x1]  }
0x19d: {  	s14 =	rddreg [dreg:$0xd]  }
0x19e: {  	[tilespmem:s25], [sflag:$0x1] =	stream.indirect_vreg.gather [hbm4b:s3+s6], $0x80, v0, vm0, $0xb8;
	[tilespmem:$0x1FC00] =	vst v63  }
0x19f: {  	s8 =	simm.s32 $0x2100;
	s10 =	rddreg [dreg:$0xe]  }
0x1a0: {  	[tilespmem:s8], [sflag:$0x1] =	stream.indirect_vreg.gather [hbm4b:s14+s6], $0x80, v0, vm0, $0xb8;
	[tilespmem:$0x1FC00] =	vst v63  }
0x1a1: {  	s12 =	simm.s32 $0x2900;
	s13 =	rddreg [dreg:$0xf]  }
0x1a2: {  	[tilespmem:s12], [sflag:$0x1] =	stream.indirect_vreg.gather [hbm4b:s10+s6], $0x80, v0, vm0, $0xb8;
	[tilespmem:$0x1FC00] =	vst v63  }
0x1a3: {  	s14 =	simm.s32 $0x3100;
	s10 =	rddreg [dreg:$0x10]  }
0x1a4: {  	[tilespmem:s14], [sflag:$0x1] =	stream.indirect_vreg.gather [hbm4b:s13+s6], $0x80, v0, vm0, $0xb8;
	[tilespmem:$0x1FC00] =	vst v63  }
0x1a5: {  	s12 =	simm.s32 $0x3900;
	s13 =	rddreg [dreg:$0x11]  }
0x1a6: {  	[tilespmem:s12], [sflag:$0x1] =	stream.indirect_vreg.gather [hbm4b:s10+s6], $0x80, v0, vm0, $0xb8;
	[tilespmem:$0x1FC00] =	vst v63  }
0x1a7: {  	s14 =	simm.s32 $0x4100;
	s10 =	rddreg [dreg:$0x12]  }
0x1a8: {  	[tilespmem:s14], [sflag:$0x1] =	stream.indirect_vreg.gather [hbm4b:s13+s6], $0x80, v0, vm0, $0xb8;
	[tilespmem:$0x1FC00] =	vst v63  }
0x1a9: {  	s12 =	simm.s32 $0x4900;
	s13 =	rddreg [dreg:$0x13]  }
0x1aa: {  	[tilespmem:s12], [sflag:$0x1] =	stream.indirect_vreg.gather [hbm4b:s10+s6], $0x80, v0, vm0, $0xb8;
	[tilespmem:$0x1FC00] =	vst v63  }
0x1ab: {  	s14 =	simm.s32 $0x5100;
	s10 =	rddreg [dreg:$0x14]  }
0x1ac: {  	[tilespmem:s14], [sflag:$0x1] =	stream.indirect_vreg.gather [hbm4b:s13+s6], $0x80, v0, vm0, $0xb8;
	[tilespmem:$0x1FC00] =	vst v63  }
0x1ad: {  	s12 =	simm.s32 $0x5900;
	s13 =	rddreg [dreg:$0x15]  }
0x1ae: {  	[tilespmem:s12], [sflag:$0x1] =	stream.indirect_vreg.gather [hbm4b:s10+s6], $0x80, v0, vm0, $0xb8;
	[tilespmem:$0x1FC00] =	vst v63  }
0x1af: {  	s14 =	simm.s32 $0x6100;
	s10 =	rddreg [dreg:$0x16]  }
0x1b0: {  	[tilespmem:s14], [sflag:$0x1] =	stream.indirect_vreg.gather [hbm4b:s13+s6], $0x80, v0, vm0, $0xb8;
	[tilespmem:$0x1FC00] =	vst v63  }
0x1b1: {  	s12 =	simm.s32 $0x6900;
	s13 =	rddreg [dreg:$0x17]  }
0x1b2: {  	[tilespmem:s12], [sflag:$0x1] =	stream.indirect_vreg.gather [hbm4b:s10+s6], $0x80, v0, vm0, $0xb8;
	[tilespmem:$0x1FC00] =	vst v63  }
0x1b3: {  	s14 =	simm.s32 $0x7100;
	s10 =	rddreg [dreg:$0x18]  }
0x1b4: {  	[tilespmem:s14], [sflag:$0x1] =	stream.indirect_vreg.gather [hbm4b:s13+s6], $0x80, v0, vm0, $0xb8;
	[tilespmem:$0x1FC00] =	vst v63  }
0x1b5: {  	s12 =	simm.s32 $0x7900;
	s13 =	rddreg [dreg:$0x19]  }
0x1b6: {  	[tilespmem:s12], [sflag:$0x1] =	stream.indirect_vreg.gather [hbm4b:s10+s6], $0x80, v0, vm0, $0xb8;
	[tilespmem:$0x1FC00] =	vst v63  }
0x1b7: {  	s14 =	simm.s32 $0x8100;
	s10 =	rddreg [dreg:$0x1a]  }
0x1b8: {  	[tilespmem:s14], [sflag:$0x1] =	stream.indirect_vreg.gather [hbm4b:s13+s6], $0x80, v0, vm0, $0xb8;
	[tilespmem:$0x1FC00] =	vst v63  }
0x1b9: {  	s12 =	simm.s32 $0x8900;
	s13 =	rddreg [dreg:$0x1b]  }
0x1ba: {  	[tilespmem:s12], [sflag:$0x1] =	stream.indirect_vreg.gather [hbm4b:s10+s6], $0x80, v0, vm0, $0xb8;
	[tilespmem:$0x1FC00] =	vst v63  }
0x1bb: {  	s14 =	simm.s32 $0x9100;
	s10 =	rddreg [dreg:$0x1c]  }
0x1bc: {  	[tilespmem:s14], [sflag:$0x1] =	stream.indirect_vreg.gather [hbm4b:s13+s6], $0x80, v0, vm0, $0xb8;
	[tilespmem:$0x1FC00] =	vst v63  }
0x1bd: {  	s12 =	simm.s32 $0x9900;
	s13 =	rddreg [dreg:$0x1d]  }
0x1be: {  	[tilespmem:s12], [sflag:$0x1] =	stream.indirect_vreg.gather [hbm4b:s10+s6], $0x80, v0, vm0, $0xb8;
	[tilespmem:$0x1FC00] =	vst v63  }
0x1bf: {  	s14 =	simm.s32 $0xA100;
	s10 =	rddreg [dreg:$0x1e]  }
0x1c0: {  	[tilespmem:s14], [sflag:$0x1] =	stream.indirect_vreg.gather [hbm4b:s13+s6], $0x80, v0, vm0, $0xb8;
	[tilespmem:$0x1FC00] =	vst v63  }
0x1c1: {  	s12 =	simm.s32 $0xA900;
	s13 =	rddreg [dreg:$0x1f]  }
0x1c2: {  	[tilespmem:s12], [sflag:$0x1] =	stream.indirect_vreg.gather [hbm4b:s10+s6], $0x80, v0, vm0, $0xb8;
	[tilespmem:$0x1FC00] =	vst v63  }
0x1c3: {  	s14 =	simm.s32 $0xB100;
	s10 =	sld [smem:$0x7C9]  }
0x1c4: {  	[tilespmem:s14], [sflag:$0x1] =	stream.indirect_vreg.gather [hbm4b:s13+s6], $0x80, v0, vm0, $0xb8;
	[tilespmem:$0x1FC00] =	vst v63  }
0x1c5: {  	s12 =	simm.s32 $0xB900;
	s13 =	sld [smem:$0x7CA]  }
0x1c6: {  	[tilespmem:s12], [sflag:$0x1] =	stream.indirect_vreg.gather [hbm4b:s10+s6], $0x80, v0, vm0, $0xb8;
	[tilespmem:$0x1FC00] =	vst v63  }
0x1c7: {  	s14 =	simm.s32 $0xC100;
	s10 =	sld [smem:$0x7CB]  }
0x1c8: {  	[tilespmem:s14], [sflag:$0x1] =	stream.indirect_vreg.gather [hbm4b:s13+s6], $0x80, v0, vm0, $0xb8;
	[tilespmem:$0x1FC00] =	vst v63  }
0x1c9: {  	s12 =	simm.s32 $0xC900;
	s13 =	sld [smem:$0x7CC]  }
0x1ca: {  	[tilespmem:s12], [sflag:$0x1] =	stream.indirect_vreg.gather [hbm4b:s10+s6], $0x80, v0, vm0, $0xb8;
	[tilespmem:$0x1FC00] =	vst v63  }
0x1cb: {  	s14 =	simm.s32 $0xD100;
	s10 =	sld [smem:$0x7CD]  }
0x1cc: {  	[tilespmem:s14], [sflag:$0x1] =	stream.indirect_vreg.gather [hbm4b:s13+s6], $0x80, v0, vm0, $0xb8;
	[tilespmem:$0x1FC00] =	vst v63  }
0x1cd: {  	s12 =	simm.s32 $0xD900  }
0x1ce: {  	[tilespmem:s12], [sflag:$0x1] =	stream.indirect_vreg.gather [hbm4b:s10+s6], $0x80, v0, vm0, $0xb8;
	[tilespmem:$0x1FC00] =	vst v63  }
0x1cf: {  	s13 =	simm.s32 $0xE100  }
0x1d0: {  	[tilespmem:s13], [sflag:$0x1] =	stream.indirect_vreg.gather [hbm4b:s2+s6], $0x80, v0, vm0, $0xb8;
	[tilespmem:$0x1FC00] =	vst v63  }
0x1d1: {  	s14 =	simm.s32 $0xE900  }
0x1d2: {  	[tilespmem:s14], [sflag:$0x1] =	stream.indirect_vreg.gather [hbm4b:s1+s6], $0x80, v0, vm0, $0xb8;
	[tilespmem:$0x1FC00] =	vst v63  }
0x1d3: {  	s8 =	simm.s32 $0xF100  }
0x1d4: {  	[tilespmem:s8], [sflag:$0x1] =	stream.indirect_vreg.gather [hbm4b:s5+s6], $0x80, v0, vm0, $0xb8;
	[tilespmem:$0x1FC00] =	vst v63  }
0x1d5: {  	s10 =	simm.s32 $0xF900  }
0x1d6: {  	[tilespmem:s10], [sflag:$0x1] =	stream.indirect_vreg.gather [hbm4b:s11+s6], $0x80, v0, vm0, $0xb8;
	[tilespmem:$0x1FC00] =	vst v63  }
0x1d7: {  	s12 =	simm.s32 $0x10100  }
0x1d8: {  	[tilespmem:s12], [sflag:$0x1] =	stream.indirect_vreg.gather [hbm4b:s9+s6], $0x80, v0, vm0, $0xb8;
	[tilespmem:$0x1FC00] =	vst v63  }
0x1d9: {  	s13 =	simm.s32 $0x10900  }
0x1da: {  	[tilespmem:s13], [sflag:$0x1] =	stream.indirect_vreg.gather [hbm4b:s15+s6], $0x80, v0, vm0, $0xb8;
	[tilespmem:$0x1FC00] =	vst v63  }
0x1db: {  	s14 =	simm.s32 $0x11100  }
0x1dc: {  	[tilespmem:s14], [sflag:$0x1] =	stream.indirect_vreg.gather [hbm4b:s16+s6], $0x80, v0, vm0, $0xb8;
	[tilespmem:$0x1FC00] =	vst v63  }
0x1dd: {  	s8 =	simm.s32 $0x11900  }
0x1de: {  	[tilespmem:s8], [sflag:$0x1] =	stream.indirect_vreg.gather [hbm4b:s17+s6], $0x80, v0, vm0, $0xb8;
	[tilespmem:$0x1FC00] =	vst v63  }
0x1df: {  	s10 =	simm.s32 $0x12100  }
0x1e0: {  	[tilespmem:s10], [sflag:$0x1] =	stream.indirect_vreg.gather [hbm4b:s18+s6], $0x80, v0, vm0, $0xb8;
	[tilespmem:$0x1FC00] =	vst v63  }
0x1e1: {  	s12 =	simm.s32 $0x12900  }
0x1e2: {  	[tilespmem:s12], [sflag:$0x1] =	stream.indirect_vreg.gather [hbm4b:s19+s6], $0x80, v0, vm0, $0xb8;
	[tilespmem:$0x1FC00] =	vst v63  }
0x1e3: {  	s13 =	simm.s32 $0x13100  }
0x1e4: {  	[tilespmem:s13], [sflag:$0x1] =	stream.indirect_vreg.gather [hbm4b:s20+s6], $0x80, v0, vm0, $0xb8;
	[tilespmem:$0x1FC00] =	vst v63  }
0x1e5: {  	s14 =	simm.s32 $0x13900  }
0x1e6: {  	[tilespmem:s14], [sflag:$0x1] =	stream.indirect_vreg.gather [hbm4b:s21+s6], $0x80, v0, vm0, $0xb8;
	[tilespmem:$0x1FC00] =	vst v63  }
0x1e7: {  	p0 =	seq.s32 s28, $0x0;
	s29 =	sadd.s32 s4, s0;
	s8 =	simm.s32 $0x14100  }
0x1e8: {  	[tilespmem:s8], [sflag:$0x1] =	stream.indirect_vreg.gather [hbm4b:s22+s6], $0x80, v0, vm0, $0xb8;
	[tilespmem:$0x1FC00] =	vst v63  }
0x1e9: {  	s0 =	simm.s32 @!p0 $0x2;
	s10 =	simm.s32 $0x14900;
	s12 =	sadd.s32 $0x500, s29  }
0x1ea: {  	[tilespmem:s10], [sflag:$0x1] =	stream.indirect_vreg.gather [hbm4b:s23+s6], $0x80, v0, vm0, $0xb8;
	[tilespmem:$0x1FC00] =	vst v63  }
0x1eb: {  	s13 =	rddreg [dreg:$0x2];
	s14 =	simm.s32 $0x8;
	s10 =	simm.s32 $0x15100  }
0x1ec: {  	[tilespmem:s10], [sflag:$0x1] =	stream.indirect.gather [hbm4b:s13+s14], $0x80, s12, s14, $0xb8;
	[tilespmem:$0x1FC00] =	vst v63  }
0x1ed: {  	_ =	swait.ge @!p0 [sflag:s0], $0x1388  }
0x1ee: {  	[sflag:s0] =	ssyncset.done @!p0 $0x0  }
0x1ef: {  	[sflag:s0] =	ssyncadd.s32 @!p0 $0xFFFFEC78  }
0x1f0: {  	_ =	swait.ge @!p0 [sflag:s0], $0x1388  }
0x1f1: {  	[sflag:s0] =	ssyncset.done @!p0 $0x0  }
0x1f2: {  	[sflag:s0] =	ssyncadd.s32 @!p0 $0xFFFFEC78  }
0x1f3: {  	_ =	swait.ge @!p0 [sflag:s0], $0x1388  }
0x1f4: {  	[sflag:s0] =	ssyncset.done @!p0 $0x0  }
0x1f5: {  	[sflag:s0] =	ssyncadd.s32 @!p0 $0xFFFFEC78  }
0x1f6: {  	_ =	swait.ge @!p0 [sflag:s0], $0x1388  }
0x1f7: {  	[sflag:s0] =	ssyncset.done @!p0 $0x0  }
0x1f8: {  	[sflag:s0] =	ssyncadd.s32 @!p0 $0xFFFFEC78  }
0x1f9: {  	_ =	swait.ge @!p0 [sflag:s0], $0x1388  }
0x1fa: {  	[sflag:s0] =	ssyncset.done @!p0 $0x0  }
0x1fb: {  	[sflag:s0] =	ssyncadd.s32 @!p0 $0xFFFFEC78  }
0x1fc: {  	_ =	swait.ge @!p0 [sflag:s0], $0x1388  }
0x1fd: {  	[sflag:s0] =	ssyncset.done @!p0 $0x0  }
0x1fe: {  	[sflag:s0] =	ssyncadd.s32 @!p0 $0xFFFFEC78  }
0x1ff: {  	_ =	swait.ge @!p0 [sflag:s0], $0x1388  }
0x200: {  	[sflag:s0] =	ssyncset.done @!p0 $0x0  }
0x201: {  	[sflag:s0] =	ssyncadd.s32 @!p0 $0xFFFFEC78  }
0x202: {  	_ =	swait.ge @!p0 [sflag:s0], $0x1388  }
0x203: {  	[sflag:s0] =	ssyncset.done @!p0 $0x0  }
0x204: {  	[sflag:s0] =	ssyncadd.s32 @!p0 $0xFFFFEC78  }
0x205: {  	_ =	swait.ge [sflag:s26], $0x13800  }
0x206: {  	[sflag:s26] =	ssyncset.done $0x0  }
0x207: {  	[sflag:s26] =	ssyncadd.s32 $0xFFFEC800  }
0x208: {  	_ =	swait.ge [sflag:s26], $0x400  }
0x209: {  	[sflag:s26] =	ssyncset.done $0x0  }
0x20a: {  	s30 =	simm.s32 $0x0;
	[sflag:s26] =	ssyncadd.s32 $0xFFFFFC00  }
0x20b: {  	v0 =	vld [tilespmem:s30+$0x510];
	_ =	sdelay $0x4  }
0x20c: {  	v1 =	vshll.u32 v0, $0x3  }
0x20d: {  	v0 =	vand.u32 $0x7F, v0;
	v1 =	vand.u32 $0xFFFFFC00, v1  }
0x20e: {  	v0 =	vor.u32 v0, v1  }
0x20f: {  	v1 =	vld [tilespmem:s30+$0x500];
	_ =	sdelay $0x3  }
0x210: {  	v2 =	vld.idx.msk [tilespmem:v0+s25+$0x0], $0xffff  }
0x211: {  	v4 =	vor.u32 $0x80, v0;
	v3 =	vshll.u32 v1, $0x3  }
0x212: {  	v1 =	vand.u32 $0x7F, v1;
	v3 =	vand.u32 $0xFFFFFC00, v3  }
0x213: {  	s31 =	simm.s32 $0x20;
	v1 =	vor.u32 v1, v3  }
0x214: {  	v3 =	vld [tilespmem:s31+$0x510]  }
0x215: {  	[tilespmem:s30+$0x15510] =	vst v2;
	v2 =	vld [tilespmem:s31+$0x500]  }
0x216: {  	v4 =	vld.idx.msk [tilespmem:v4+s25+$0x0], $0xffff  }
0x217: {  	v5 =	vor.u32 $0x100, v0  }
0x218: {  	v6 =	vld.idx.msk [tilespmem:v1+s25+$0x0], $0xffff  }
0x219: {  	v44 =	vor.u32 $0x80, v1;
	v43 =	vshll.u32 v3, $0x3  }
0x21a: {  	v3 =	vand.u32 $0x7F, v3;
	v43 =	vand.u32 $0xFFFFFC00, v43;
	v45 =	vshll.u32 v2, $0x3  }
0x21b: {  	v43 =	vor.u32 v3, v43;
	v2 =	vand.u32 $0x7F, v2;
	[tilespmem:s30+$0x168A0] =	vst v4;
	v3 =	vand.u32 $0xFFFFFC00, v45  }
0x21c: {  	v4 =	vld.idx.msk [tilespmem:v5+s25+$0x0], $0xffff;
	v2 =	vor.u32 v2, v3  }
0x21d: {  	[tilespmem:s30+$0x15500] =	vst v6;
	v3 =	vor.u32 $0x180, v0  }
0x21e: {  	s0 =	simm.s32 $0x40;
	v5 =	vld.idx.msk [tilespmem:v44+s25+$0x0], $0xffff  }
0x21f: {  	v49 =	vld [tilespmem:s0+$0x500];
	v6 =	vor.u32 $0x100, v1  }
0x220: {  	v53 =	vld.idx.msk [tilespmem:v43+s25+$0x0], $0xffff  }
0x221: {  	v46 =	vor.u32 $0x80, v43;
	v54 =	vld.idx.msk [tilespmem:v2+s25+$0x0], $0xffff;
	[tilespmem:s30+$0x17C30] =	vst v4  }
0x222: {  	v4 =	vor.u32 $0x80, v2;
	v3 =	vld.idx.msk [tilespmem:v3+s25+$0x0], $0xffff  }
0x223: {  	v47 =	vor.u32 $0x200, v0;
	[tilespmem:s30+$0x16890] =	vst v5;
	v5 =	vld [tilespmem:s0+$0x510]  }
0x224: {  	v6 =	vld.idx.msk [tilespmem:v6+s25+$0x0], $0xffff  }
0x225: {  	[tilespmem:s31+$0x15510] =	vst v53  }
0x226: {  	v48 =	vor.u32 $0x180, v1;
	v46 =	vld.idx.msk [tilespmem:v46+s25+$0x0], $0xffff;
	[tilespmem:s31+$0x15500] =	vst v54  }
0x227: {  	v55 =	vor.u32 $0x100, v43;
	v4 =	vld.idx.msk [tilespmem:v4+s25+$0x0], $0xffff;
	[tilespmem:s30+$0x18FC0] =	vst v3  }
0x228: {  	v51 =	vshll.u32 v49, $0x3;
	v3 =	vor.u32 $0x100, v2;
	v56 =	vshll.u32 v5, $0x3;
	v47 =	vld.idx.msk [tilespmem:v47+s25+$0x0], $0xffff  }
0x229: {  	s3 =	simm.s32 $0x60;
	v50 =	vor.u32 $0x280, v0;
	v5 =	vand.u32 $0x7F, v5;
	[tilespmem:s30+$0x17C20] =	vst v6;
	v6 =	vand.u32 $0xFFFFFC00, v56  }
0x22a: {  	v9 =	vld [tilespmem:s3+$0x510];
	v57 =	vand.u32 $0xFFFFFC00, v51;
	v44 =	vor.u32 v5, v6;
	v6 =	vand.u32 $0x7F, v49  }
0x22b: {  	v48 =	vld.idx.msk [tilespmem:v48+s25+$0x0], $0xffff;
	[tilespmem:s31+$0x168A0] =	vst v46;
	v6 =	vor.u32 v6, v57  }
0x22c: {  	v5 =	vor.u32 $0x200, v1;
	v45 =	vld.idx.msk [tilespmem:v55+s25+$0x0], $0xffff;
	[tilespmem:s31+$0x16890] =	vst v4  }
0x22d: {  	v4 =	vor.u32 $0x180, v43;
	v3 =	vld.idx.msk [tilespmem:v3+s25+$0x0], $0xffff;
	[tilespmem:s30+$0x1A350] =	vst v47  }
0x22e: {  	v58 =	vld.idx.msk [tilespmem:v50+s25+$0x0], $0xffff  }
0x22f: {  	v60 =	vor.u32 $0x300, v0;
	v59 =	vld.idx.msk [tilespmem:v44+s25+$0x0], $0xffff  }
0x230: {  	v62 =	vor.u32 $0x80, v44;
	[tilespmem:s30+$0x18FB0] =	vst v48;
	v61 =	vld.idx.msk [tilespmem:v6+s25+$0x0], $0xffff  }
0x231: {  	v63 =	vor.u32 $0x80, v6;
	v5 =	vld.idx.msk [tilespmem:v5+s25+$0x0], $0xffff;
	[tilespmem:s31+$0x17C30] =	vst v45  }
0x232: {  	v10 =	vor.u32 $0x180, v2;
	v4 =	vld.idx.msk [tilespmem:v4+s25+$0x0], $0xffff;
	[tilespmem:s31+$0x17C20] =	vst v3  }
0x233: {  	v11 =	vld [tilespmem:s3+$0x500];
	v52 =	vor.u32 $0x200, v43;
	[tilespmem:s30+$0x1B6E0] =	vst v58  }
0x234: {  	v53 =	vor.u32 $0x280, v1;
	[tilespmem:s0+$0x15510] =	vst v59;
	v48 =	vld.idx.msk [tilespmem:v60+s25+$0x0], $0xffff  }
0x235: {  	v0 =	vor.u32 $0x380, v0;
	v54 =	vld.idx.msk [tilespmem:v62+s25+$0x0], $0xffff;
	[tilespmem:s0+$0x15500] =	vst v61  }
0x236: {  	v55 =	vor.u32 $0x100, v44;
	[tilespmem:s30+$0x1A340] =	vst v5;
	v49 =	vld.idx.msk [tilespmem:v63+s25+$0x0], $0xffff  }
0x237: {  	v5 =	vld.idx.msk [tilespmem:v10+s25+$0x0], $0xffff;
	[tilespmem:s31+$0x18FC0] =	vst v4;
	v4 =	vor.u32 $0x100, v6  }
0x238: {  	v59 =	vshll.u32 v9, $0x3;
	v58 =	vor.u32 $0x200, v2;
	v60 =	vand.u32 $0x7F, v9;
	v3 =	vld.idx.msk [tilespmem:v52+s25+$0x0], $0xffff  }
0x239: {  	v45 =	vand.u32 $0xFFFFFC00, v59;
	v61 =	vor.u32 $0x280, v43;
	v62 =	vshll.u32 v11, $0x3;
	v56 =	vld.idx.msk [tilespmem:v53+s25+$0x0], $0xffff;
	[tilespmem:s30+$0x1CA70] =	vst v48  }
0x23a: {  	v50 =	vor.u32 v60, v45;
	v63 =	vand.u32 $0x7F, v11;
	[tilespmem:s0+$0x168A0] =	vst v54;
	v7 =	vld.idx.msk [tilespmem:v0+s25+$0x0], $0xffff;
	v0 =	vand.u32 $0xFFFFFC00, v62  }
0x23b: {  	v51 =	vor.u32 $0x280, v2;
	v46 =	vor.u32 $0x380, v2;
	v8 =	vld.idx.msk [tilespmem:v55+s25+$0x0], $0xffff;
	[tilespmem:s0+$0x16890] =	vst v49;
	v9 =	vor.u32 v63, v0  }
0x23c: {  	v45 =	vor.u32 $0x380, v1;
	v54 =	vor.u32 $0x300, v1;
	[tilespmem:s31+$0x18FB0] =	vst v5;
	v1 =	vld.idx.msk [tilespmem:v4+s25+$0x0], $0xffff;
	v4 =	vor.u32 $0x180, v44  }
0x23d: {  	v57 =	vor.u32 $0x180, v6;
	v47 =	vor.u32 $0x380, v6;
	v53 =	vor.u32 $0x280, v6;
	v0 =	vld.idx.msk [tilespmem:v58+s25+$0x0], $0xffff;
	[tilespmem:s31+$0x1A350] =	vst v3  }
0x23e: {  	v48 =	vor.u32 $0x300, v2;
	v2 =	vor.u32 $0x300, v43;
	v55 =	vor.u32 $0x200, v6;
	v63 =	vld.idx.msk [tilespmem:v61+s25+$0x0], $0xffff  }
0x23f: {  	s8 =	simm.s32 $0x0;
	v49 =	vor.u32 $0x300, v6;
	[tilespmem:s30+$0x1B6D0] =	vst v56;
	v6 =	vor.u32 $0x80, v50;
	v3 =	vld.idx.msk [tilespmem:v50+s25+$0x0], $0xffff;
	v62 =	vor.u32 $0x80, v9  }
0x240: {  	s13 =	sand.u32 $0x1FE0, s8;
	v59 =	vor.u32 $0x100, v9;
	v56 =	vor.u32 $0x200, v9;
	v58 =	vor.u32 $0x280, v9;
	[tilespmem:s0+$0x17C30] =	vst v8;
	v5 =	vld.idx.msk [tilespmem:v9+s25+$0x0], $0xffff  }
0x241: {  	s12 =	simm.s32 $0x6;
	v60 =	vor.u32 $0x300, v9;
	v52 =	vor.u32 $0x380, v9;
	v61 =	vor.u32 $0x180, v9;
	[tilespmem:s13+$0x1DE00] =	vst v7;
	s13 =	simm.s32 $0x200;
	v4 =	vld.idx.msk [tilespmem:v4+s25+$0x0], $0xffff  }
.LBB2_3:
0x242: {  	[tilespmem:s0+$0x17C20] =	vst v1;
	v1 =	vld.idx.msk [tilespmem:v54+s25+$0x0], $0xffff;
	v54 =	vmov v48;
	v48 =	vmov v49;
	v49 =	vmov v60;
	s14 =	smov.u32 s0;
	s0 =	smov.u32 s3;
	s3 =	sshra.s32 s13, $0x2  }
0x243: {  	s12 =	sadd.s32 $0x2, s12;
	v8 =	vor.u32 $0x200, v44;
	v7 =	vld [tilespmem:s3+$0x510];
	[tilespmem:s31+$0x1B6E0] =	vst v63  }
0x244: {  	p0 =	slt.u32 s12, $0x136;
	[tilespmem:s0+$0x15510] =	vst v3;
	v2 =	vld.idx.msk [tilespmem:v2+s25+$0x0], $0xffff  }
0x245: {  	v3 =	vld.idx.msk [tilespmem:v6+s25+$0x0], $0xffff;
	[tilespmem:s31+$0x1A340] =	vst v0  }
0x246: {  	v0 =	vld [tilespmem:s3+$0x500];
	[tilespmem:s0+$0x15500] =	vst v5;
	v5 =	vor.u32 $0x380, v43;
	v43 =	vmov v44;
	v44 =	vmov v50  }
0x247: {  	v6 =	vld.idx.msk [tilespmem:v62+s25+$0x0], $0xffff;
	v9 =	vor.u32 $0x100, v44;
	[tilespmem:s14+$0x18FC0] =	vst v4  }
0x248: {  	v4 =	vld.idx.msk [tilespmem:v8+s25+$0x0], $0xffff;
	[tilespmem:s30+$0x1CA60] =	vst v1  }
0x249: {  	v1 =	vshll.u32 v7, $0x3;
	v8 =	vld.idx.msk [tilespmem:v57+s25+$0x0], $0xffff;
	v57 =	vmov v61  }
0x24a: {  	v60 =	vor.u32 $0x280, v43;
	v7 =	vand.u32 $0x7F, v7;
	v1 =	vand.u32 $0xFFFFFC00, v1;
	v10 =	vld.idx.msk [tilespmem:v51+s25+$0x0], $0xffff;
	[tilespmem:s31+$0x1CA70] =	vst v2;
	v51 =	vmovc v53;
	v53 =	vmovc v58  }
0x24b: {  	v50 =	vor.u32 v7, v1;
	v2 =	vand.u32 $0x7F, v0;
	v0 =	vshll.u32 v0, $0x3;
	[tilespmem:s0+$0x168A0] =	vst v3;
	v5 =	vld.idx.msk [tilespmem:v5+s25+$0x0], $0xffff  }
0x24c: {  	v0 =	vand.u32 $0xFFFFFC00, v0;
	v7 =	vld.idx.msk [tilespmem:v9+s25+$0x0], $0xffff  }
0x24d: {  	v9 =	vor.u32 v2, v0;
	[tilespmem:s0+$0x16890] =	vst v6;
	v11 =	vld.idx.msk [tilespmem:v45+s25+$0x0], $0xffff;
	v45 =	vmovc v46;
	v46 =	vmov v47;
	v47 =	vmov v52  }
0x24e: {  	v12 =	vor.u32 $0x180, v44;
	v62 =	vor.u32 $0x80, v9;
	v1 =	vld.idx.msk [tilespmem:v59+s25+$0x0], $0xffff;
	v59 =	vor.u32 $0x100, v9;
	[tilespmem:s14+$0x1A350] =	vst v4  }
.Ltmp0:
0x24f: {  	s8 =	sadd.s32 $0x20, s8;
	v61 =	vor.u32 $0x180, v9;
	v4 =	vor.u32 $0x200, v9;
	v58 =	vor.u32 $0x280, v9;
	[tilespmem:s14+$0x18FB0] =	vst v8;
	v63 =	vld.idx.msk [tilespmem:v60+s25+$0x0], $0xffff;
	(pc) =	sbr.rel @p0 .LBB2_3-.Ltmp0, $4  }
0x250: {  	s10 =	sand.u32 $0x1FE0, s8;
	v52 =	vor.u32 $0x380, v9;
	v60 =	vor.u32 $0x300, v9;
	v3 =	vld.idx.msk [tilespmem:v50+s25+$0x0], $0xffff;
	[tilespmem:s31+$0x1B6D0] =	vst v10  }
0x251: {  	v2 =	vor.u32 $0x300, v43;
	v0 =	vld.idx.msk [tilespmem:v55+s25+$0x0], $0xffff;
	[tilespmem:s10+$0x1DE00] =	vst v5;
	v55 =	vmov v56;
	v56 =	vmov v4  }
0x252: {  	v6 =	vor.u32 $0x80, v50;
	v5 =	vld.idx.msk [tilespmem:v9+s25+$0x0], $0xffff;
	[tilespmem:s0+$0x17C30] =	vst v7  }
0x253: {  	s13 =	sadd.s32 $0x80, s13;
	v4 =	vld.idx.msk [tilespmem:v12+s25+$0x0], $0xffff;
	[tilespmem:s30+$0x1DDF0] =	vst v11;
	s30 =	smov.u32 s31;
	s31 =	smov.u32 s14  }
0x254: {  	_ =	sdelay $0x2  }
0x255: {  	[tilespmem:s3+$0x15510] =	vst v3  }
0x256: {  	v3 =	vld.idx.msk [tilespmem:v6+s25+$0x0], $0xffff;
	[tilespmem:s3+$0x15500] =	vst v5  }
0x257: {  	v9 =	vor.u32 $0x100, v50;
	v10 =	vld.idx.msk [tilespmem:v62+s25+$0x0], $0xffff;
	_ =	sdelay $0x3  }
0x258: {  	[tilespmem:s3+$0x168A0] =	vst v3  }
0x259: {  	v3 =	vld.idx.msk [tilespmem:v9+s25+$0x0], $0xffff;
	[tilespmem:s3+$0x16890] =	vst v10  }
0x25a: {  	v11 =	vor.u32 $0x180, v50;
	v6 =	vld.idx.msk [tilespmem:v59+s25+$0x0], $0xffff;
	_ =	sdelay $0x2  }
0x25b: {  	v7 =	vor.u32 $0x200, v44;
	[tilespmem:s0+$0x17C20] =	vst v1  }
0x25c: {  	v59 =	vld.idx.msk [tilespmem:v57+s25+$0x0], $0xffff;
	[tilespmem:s3+$0x17C30] =	vst v3  }
0x25d: {  	v1 =	vld.idx.msk [tilespmem:v11+s25+$0x0], $0xffff;
	[tilespmem:s3+$0x17C20] =	vst v6  }
0x25e: {  	v62 =	vor.u32 $0x200, v50;
	v6 =	vld.idx.msk [tilespmem:v61+s25+$0x0], $0xffff  }
0x25f: {  	[tilespmem:s0+$0x18FC0] =	vst v4  }
0x260: {  	[tilespmem:s31+$0x1B6E0] =	vst v63;
	v4 =	vld.idx.msk [tilespmem:v7+s25+$0x0], $0xffff  }
0x261: {  	v54 =	vld.idx.msk [tilespmem:v54+s25+$0x0], $0xffff;
	v8 =	vor.u32 $0x280, v44;
	[tilespmem:s0+$0x18FB0] =	vst v59  }
0x262: {  	v3 =	vld.idx.msk [tilespmem:v55+s25+$0x0], $0xffff;
	[tilespmem:s3+$0x18FC0] =	vst v1  }
0x263: {  	v1 =	vld.idx.msk [tilespmem:v62+s25+$0x0], $0xffff;
	[tilespmem:s3+$0x18FB0] =	vst v6  }
0x264: {  	[tilespmem:s31+$0x1A340] =	vst v0;
	v55 =	vor.u32 $0x280, v50;
	v57 =	vld.idx.msk [tilespmem:v56+s25+$0x0], $0xffff  }
0x265: {  	v2 =	vld.idx.msk [tilespmem:v2+s25+$0x0], $0xffff;
	[tilespmem:s0+$0x1A350] =	vst v4  }
0x266: {  	[tilespmem:s30+$0x1CA60] =	vst v54;
	v59 =	vor.u32 $0x380, v43;
	v61 =	vld.idx.msk [tilespmem:v8+s25+$0x0], $0xffff  }
0x267: {  	v63 =	vor.u32 $0x300, v44;
	v62 =	vld.idx.msk [tilespmem:v51+s25+$0x0], $0xffff;
	[tilespmem:s0+$0x1A340] =	vst v3  }
0x268: {  	v3 =	vld.idx.msk [tilespmem:v53+s25+$0x0], $0xffff;
	[tilespmem:s3+$0x1A350] =	vst v1  }
0x269: {  	v1 =	vld.idx.msk [tilespmem:v55+s25+$0x0], $0xffff;
	[tilespmem:s3+$0x1A340] =	vst v57  }
0x26a: {  	[tilespmem:s31+$0x1CA70] =	vst v2;
	v43 =	vor.u32 $0x300, v50;
	v0 =	vld.idx.msk [tilespmem:v58+s25+$0x0], $0xffff  }
0x26b: {  	v2 =	vld.idx.msk [tilespmem:v59+s25+$0x0], $0xffff;
	[tilespmem:s0+$0x1B6E0] =	vst v61  }
0x26c: {  	v51 =	vld.idx.msk [tilespmem:v63+s25+$0x0], $0xffff;
	[tilespmem:s31+$0x1B6D0] =	vst v62  }
0x26d: {  	v54 =	vor.u32 $0x380, v44;
	v53 =	vld.idx.msk [tilespmem:v48+s25+$0x0], $0xffff;
	[tilespmem:s0+$0x1B6D0] =	vst v3  }
0x26e: {  	s8 =	sadd.s32 $0x20, s8;
	v3 =	vld.idx.msk [tilespmem:v49+s25+$0x0], $0xffff;
	[tilespmem:s3+$0x1B6E0] =	vst v1  }
0x26f: {  	s10 =	sand.u32 $0x1FE0, s8;
	v1 =	vld.idx.msk [tilespmem:v43+s25+$0x0], $0xffff;
	[tilespmem:s3+$0x1B6D0] =	vst v0  }
0x270: {  	[tilespmem:s10+$0x1DE00] =	vst v2;
	v55 =	vor.u32 $0x380, v50;
	v0 =	vld.idx.msk [tilespmem:v60+s25+$0x0], $0xffff  }
0x271: {  	v56 =	vld.idx.msk [tilespmem:v45+s25+$0x0], $0xffff;
	[tilespmem:s0+$0x1CA70] =	vst v51  }
0x272: {  	v4 =	vld.idx.msk [tilespmem:v54+s25+$0x0], $0xffff;
	[tilespmem:s31+$0x1CA60] =	vst v53  }
0x273: {  	v6 =	vld.idx.msk [tilespmem:v46+s25+$0x0], $0xffff;
	[tilespmem:s0+$0x1CA60] =	vst v3  }
0x274: {  	v3 =	vld.idx.msk [tilespmem:v47+s25+$0x0], $0xffff;
	[tilespmem:s3+$0x1CA70] =	vst v1  }
0x275: {  	s8 =	sadd.s32 $0x20, s8;
	v1 =	vld.idx.msk [tilespmem:v55+s25+$0x0], $0xffff;
	[tilespmem:s3+$0x1CA60] =	vst v0  }
0x276: {  	[tilespmem:s30+$0x1DDF0] =	vst v56;
	s30 =	sand.u32 $0x1FE0, s8;
	v0 =	vld.idx.msk [tilespmem:v52+s25+$0x0], $0xffff  }
0x277: {  	[tilespmem:s30+$0x1DE00] =	vst v4  }
0x278: {  	s8 =	sadd.s32 $0x20, s8;
	[tilespmem:s31+$0x1DDF0] =	vst v6  }
0x279: {  	s8 =	sand.u32 $0x1FE0, s8;
	[tilespmem:s0+$0x1DDF0] =	vst v3  }
0x27a: {  	[tilespmem:s8+$0x1DE00] =	vst v1  }
0x27b: {  	[tilespmem:s3+$0x1DDF0] =	vst v0  }
0x27c: {  	v0 =	vld [tilespmem:$0x1880];
	_ =	sdelay $0x4  }
0x27d: {  	v57 =	vshll.u32 v0, $0x3  }
0x27e: {  	v0 =	vand.u32 $0x7F, v0;
	v1 =	vand.u32 $0xFFFFFC00, v57  }
0x27f: {  	v0 =	vor.u32 v0, v1;
	_ =	sdelay $0x4  }
0x280: {  	v1 =	vld.idx.msk [tilespmem:v0+s25+$0x0], $0xffff  }
0x281: {  	v58 =	vor.u32 $0x80, v0;
	_ =	sdelay $0x3  }
0x282: {  	[tilespmem:$0x16880] =	vst v1  }
0x283: {  	v1 =	vld.idx.msk [tilespmem:v58+s25+$0x0], $0xffff  }
0x284: {  	v59 =	vor.u32 $0x100, v0;
	_ =	sdelay $0x3  }
0x285: {  	[tilespmem:$0x17C10] =	vst v1  }
0x286: {  	v1 =	vld.idx.msk [tilespmem:v59+s25+$0x0], $0xffff  }
0x287: {  	v60 =	vor.u32 $0x180, v0;
	_ =	sdelay $0x3  }
0x288: {  	[tilespmem:$0x18FA0] =	vst v1  }
0x289: {  	v1 =	vld.idx.msk [tilespmem:v60+s25+$0x0], $0xffff  }
0x28a: {  	v61 =	vor.u32 $0x200, v0;
	_ =	sdelay $0x3  }
0x28b: {  	[tilespmem:$0x1A330] =	vst v1  }
0x28c: {  	v1 =	vld.idx.msk [tilespmem:v61+s25+$0x0], $0xffff  }
0x28d: {  	v62 =	vor.u32 $0x280, v0;
	_ =	sdelay $0x3  }
0x28e: {  	[tilespmem:$0x1B6C0] =	vst v1  }
0x28f: {  	v1 =	vld.idx.msk [tilespmem:v62+s25+$0x0], $0xffff  }
0x290: {  	v63 =	vor.u32 $0x300, v0;
	_ =	sdelay $0x3  }
0x291: {  	[tilespmem:$0x1CA50] =	vst v1  }
0x292: {  	v1 =	vld.idx.msk [tilespmem:v63+s25+$0x0], $0xffff  }
0x293: {  	v0 =	vor.u32 $0x380, v0;
	_ =	sdelay $0x3  }
0x294: {  	[tilespmem:$0x1DDE0] =	vst v1  }
0x295: {  	v0 =	vld.idx.msk [tilespmem:v0+s25+$0x0], $0xffff;
	_ =	sdelay $0x1  }
0x296: {  	s0 =	smul.u32 $0x1388, s29  }
0x297: {  	s13 =	simm.s32 $0x16890  }
0x298: {  	s28 =	sadd.s32 $0x1, s28;
	s12 =	sadd.s32 $0x1388, s0;
	s8 =	sshrl.u32 s0, $0x3  }
0x299: {  	s10 =	simm.s32 $0x15500;
	s3 =	sadd.s32 s7, s8;
	s8 =	sshrl.u32 s12, $0x3;
	[tilespmem:$0x1F170] =	vst v0  }
0x29a: {  	[hbm4b:s3+s6] =	stream.linear.scatter [tilespmem:s10], [sflag:$0x2], $0x1388, $0x38;
	[tilespmem:$0x1FC00] =	vst v63  }
0x29b: {  	s31 =	simm.s32 $0x18FB0;
	s30 =	sadd.s32 $0x3A98, s0;
	s8 =	sadd.s32 s7, s8  }
0x29c: {  	[hbm4b:s8+s6] =	stream.linear.scatter [tilespmem:s13], [sflag:$0x2], $0x1388, $0x38;
	[tilespmem:$0x1FC00] =	vst v63  }
0x29d: {  	s29 =	simm.s32 $0x17C20;
	s14 =	sadd.s32 $0x4E2, s3;
	s8 =	sshrl.u32 s30, $0x3  }
0x29e: {  	[hbm4b:s14+s6] =	stream.linear.scatter [tilespmem:s29], [sflag:$0x2], $0x1388, $0x38;
	[tilespmem:$0x1FC00] =	vst v63  }
0x29f: {  	s12 =	simm.s32 $0x1A340;
	s13 =	sadd.s32 $0x61A8, s0;
	s8 =	sadd.s32 s7, s8  }
0x2a0: {  	[hbm4b:s8+s6] =	stream.linear.scatter [tilespmem:s31], [sflag:$0x2], $0x1388, $0x38;
	[tilespmem:$0x1FC00] =	vst v63  }
0x2a1: {  	s10 =	sadd.s32 $0x9C4, s3;
	s8 =	sshrl.u32 s13, $0x3;
	s31 =	rddreg [dreg:$0x9]  }
0x2a2: {  	[hbm4b:s10+s6] =	stream.linear.scatter [tilespmem:s12], [sflag:$0x2], $0x1388, $0x38;
	[tilespmem:$0x1FC00] =	vst v63  }
0x2a3: {  	s14 =	simm.s32 $0x1B6D0;
	s8 =	sadd.s32 s7, s8;
	p0 =	sne.s32 s28, s31  }
0x2a4: {  	[hbm4b:s8+s6] =	stream.linear.scatter [tilespmem:s14], [sflag:$0x2], $0x1388, $0x38;
	[tilespmem:$0x1FC00] =	vst v63  }
.Ltmp1:
0x2a5: {  	s0 =	sadd.s32 $0x88B8, s0;
	(pc) =	sbr.rel @p0 .LBB2_2-.Ltmp1, $4  }
0x2a6: {  	s3 =	sadd.s32 $0xEA6, s3;
	s0 =	sshrl.u32 s0, $0x3;
	s29 =	simm.s32 $0x1CA60  }
0x2a7: {  	[hbm4b:s3+s6] =	stream.linear.scatter [tilespmem:s29], [sflag:$0x2], $0x1388, $0x38;
	[tilespmem:$0x1FC00] =	vst v63  }
0x2a8: {  	s30 =	simm.s32 $0x1DDF0;
	s0 =	sadd.s32 s7, s0  }
0x2a9: {  	[hbm4b:s0+s6] =	stream.linear.scatter [tilespmem:s30], [sflag:$0x2], $0x1388, $0x38;
	[tilespmem:$0x1FC00] =	vst v63  }
0x2aa: {  	_ =	swait.ge [sflag:s24], $0x1388  }
0x2ab: {  	[sflag:s24] =	ssyncset.done $0x0  }
0x2ac: {  	[sflag:s24] =	ssyncadd.s32 $0xFFFFEC78  }
0x2ad: {  	_ =	swait.ge [sflag:s24], $0x1388  }
0x2ae: {  	[sflag:s24] =	ssyncset.done $0x0  }
0x2af: {  	[sflag:s24] =	ssyncadd.s32 $0xFFFFEC78  }
0x2b0: {  	_ =	swait.ge [sflag:s24], $0x1388  }
0x2b1: {  	[sflag:s24] =	ssyncset.done $0x0  }
0x2b2: {  	[sflag:s24] =	ssyncadd.s32 $0xFFFFEC78  }
0x2b3: {  	_ =	swait.ge [sflag:s24], $0x1388  }
0x2b4: {  	[sflag:s24] =	ssyncset.done $0x0  }
0x2b5: {  	[sflag:s24] =	ssyncadd.s32 $0xFFFFEC78  }
0x2b6: {  	_ =	swait.ge [sflag:s24], $0x1388  }
0x2b7: {  	[sflag:s24] =	ssyncset.done $0x0  }
0x2b8: {  	[sflag:s24] =	ssyncadd.s32 $0xFFFFEC78  }
0x2b9: {  	_ =	swait.ge [sflag:s24], $0x1388  }
0x2ba: {  	[sflag:s24] =	ssyncset.done $0x0  }
0x2bb: {  	[sflag:s24] =	ssyncadd.s32 $0xFFFFEC78  }
0x2bc: {  	_ =	swait.ge [sflag:s24], $0x1388  }
0x2bd: {  	[sflag:s24] =	ssyncset.done $0x0  }
0x2be: {  	[sflag:s24] =	ssyncadd.s32 $0xFFFFEC78  }
0x2bf: {  	_ =	swait.ge [sflag:s24], $0x1388  }
0x2c0: {  	[sflag:s24] =	ssyncset.done $0x0;
	s3 =	sld [smem:$0x7CE]  }
0x2c1: {  	[sflag:s24] =	ssyncadd.s32 $0xFFFFEC78  }
0x2c2: {  	s8 =	simm.s32 $0x10;
	s12 =	simm.s32 $0x1F180;
	s0 =	rddreg [dreg:$0x3]  }
0x2c3: {  	[tilespmem:s12], [sflag:$0x1] =	stream.indirect.gather [hbm4b:s0+s8], $0x80, s3, s8, $0xb8;
	[tilespmem:$0x1FC00] =	vst v63  }
0x2c4: {  	_ =	swait.ge [sflag:s26], $0x800  }
0x2c5: {  	[sflag:s26] =	ssyncset.done $0x0  }
0x2c6: {  	s10 =	simm.s32 $0x3;
	s29 =	rddreg [dreg:$0x8];
	[sflag:s26] =	ssyncadd.s32 $0xFFFFF800  }
0x2c7: {  	[hbm4b:s29+s6] =	stream.linear.scatter [tilespmem:s12], [sflag:$0x3], $0x800, $0x38;
	[tilespmem:$0x1FC00] =	vst v63  }
0x2c8: {  	_ =	swait.ge [sflag:s10], $0x800  }
0x2c9: {  	s30 =	sld [smem:$0x7CF]  }
0x2ca: {  	[sflag:s10] =	ssyncset.done $0x0  }
0x2cb: {  	[sflag:s10] =	ssyncadd.s32 $0xFFFFF800  }
0x2cc: {  	[tilespmem:s12], [sflag:$0x1] =	stream.indirect.gather [hbm4b:s0+s8], $0x80, s30, s8, $0xb8;
	[tilespmem:$0x1FC00] =	vst v63  }
0x2cd: {  	_ =	swait.ge [sflag:s26], $0x800  }
0x2ce: {  	s31 =	sld [smem:$0x7D0]  }
0x2cf: {  	[sflag:s26] =	ssyncset.done $0x0  }
0x2d0: {  	[sflag:s26] =	ssyncadd.s32 $0xFFFFF800  }
0x2d1: {  	[hbm4b:s31+s6] =	stream.linear.scatter [tilespmem:s12], [sflag:$0x3], $0x800, $0x38;
	[tilespmem:$0x1FC00] =	vst v63  }
0x2d2: {  	_ =	swait.ge [sflag:s10], $0x800  }
0x2d3: {  	s13 =	sld [smem:$0x7D1]  }
0x2d4: {  	[sflag:s10] =	ssyncset.done $0x0  }
0x2d5: {  	[sflag:s10] =	ssyncadd.s32 $0xFFFFF800  }
0x2d6: {  	[tilespmem:s12], [sflag:$0x1] =	stream.indirect.gather [hbm4b:s0+s8], $0x80, s13, s8, $0xb8;
	[tilespmem:$0x1FC00] =	vst v63  }
0x2d7: {  	_ =	swait.ge [sflag:s26], $0x800  }
0x2d8: {  	s14 =	sld [smem:$0x7D2]  }
0x2d9: {  	[sflag:s26] =	ssyncset.done $0x0  }
0x2da: {  	[sflag:s26] =	ssyncadd.s32 $0xFFFFF800  }
0x2db: {  	[hbm4b:s14+s6] =	stream.linear.scatter [tilespmem:s12], [sflag:$0x3], $0x800, $0x38;
	[tilespmem:$0x1FC00] =	vst v63  }
0x2dc: {  	_ =	swait.ge [sflag:s10], $0x800  }
0x2dd: {  	s28 =	sld [smem:$0x7D3]  }
0x2de: {  	[sflag:s10] =	ssyncset.done $0x0  }
0x2df: {  	[sflag:s10] =	ssyncadd.s32 $0xFFFFF800  }
0x2e0: {  	[tilespmem:s12], [sflag:$0x1] =	stream.indirect.gather [hbm4b:s0+s8], $0x80, s28, s8, $0xb8;
	[tilespmem:$0x1FC00] =	vst v63  }
0x2e1: {  	_ =	swait.ge [sflag:s26], $0x800  }
0x2e2: {  	s29 =	sld [smem:$0x7D4]  }
0x2e3: {  	[sflag:s26] =	ssyncset.done $0x0  }
0x2e4: {  	[sflag:s26] =	ssyncadd.s32 $0xFFFFF800  }
0x2e5: {  	[hbm4b:s29+s6] =	stream.linear.scatter [tilespmem:s12], [sflag:$0x3], $0x800, $0x38;
	[tilespmem:$0x1FC00] =	vst v63  }
0x2e6: {  	_ =	swait.ge [sflag:s10], $0x800  }
0x2e7: {  	s30 =	sld [smem:$0x7D5]  }
0x2e8: {  	[sflag:s10] =	ssyncset.done $0x0  }
0x2e9: {  	[sflag:s10] =	ssyncadd.s32 $0xFFFFF800  }
0x2ea: {  	[tilespmem:s12], [sflag:$0x1] =	stream.indirect.gather [hbm4b:s0+s8], $0x80, s30, s8, $0xb8;
	[tilespmem:$0x1FC00] =	vst v63  }
0x2eb: {  	_ =	swait.ge [sflag:s26], $0x800  }
0x2ec: {  	s31 =	sld [smem:$0x7D6]  }
0x2ed: {  	[sflag:s26] =	ssyncset.done $0x0  }
0x2ee: {  	[sflag:s26] =	ssyncadd.s32 $0xFFFFF800  }
0x2ef: {  	[hbm4b:s31+s6] =	stream.linear.scatter [tilespmem:s12], [sflag:$0x3], $0x800, $0x38;
	[tilespmem:$0x1FC00] =	vst v63  }
0x2f0: {  	_ =	swait.ge [sflag:s10], $0x800  }
0x2f1: {  	s13 =	sld [smem:$0x7D7]  }
0x2f2: {  	[sflag:s10] =	ssyncset.done $0x0  }
0x2f3: {  	[sflag:s10] =	ssyncadd.s32 $0xFFFFF800  }
0x2f4: {  	[tilespmem:s12], [sflag:$0x1] =	stream.indirect.gather [hbm4b:s0+s8], $0x80, s13, s8, $0xb8;
	[tilespmem:$0x1FC00] =	vst v63  }
0x2f5: {  	_ =	swait.ge [sflag:s26], $0x800  }
0x2f6: {  	s14 =	sld [smem:$0x7D8]  }
0x2f7: {  	[sflag:s26] =	ssyncset.done $0x0  }
0x2f8: {  	[sflag:s26] =	ssyncadd.s32 $0xFFFFF800  }
0x2f9: {  	[hbm4b:s14+s6] =	stream.linear.scatter [tilespmem:s12], [sflag:$0x3], $0x800, $0x38;
	[tilespmem:$0x1FC00] =	vst v63  }
0x2fa: {  	_ =	swait.ge [sflag:s10], $0x800  }
0x2fb: {  	s28 =	sld [smem:$0x7D9]  }
0x2fc: {  	[sflag:s10] =	ssyncset.done $0x0  }
0x2fd: {  	[sflag:s10] =	ssyncadd.s32 $0xFFFFF800  }
0x2fe: {  	[tilespmem:s12], [sflag:$0x1] =	stream.indirect.gather [hbm4b:s0+s8], $0x80, s28, s8, $0xb8;
	[tilespmem:$0x1FC00] =	vst v63  }
0x2ff: {  	_ =	swait.ge [sflag:s26], $0x800  }
0x300: {  	s29 =	sld [smem:$0x7DA]  }
0x301: {  	[sflag:s26] =	ssyncset.done $0x0  }
0x302: {  	[sflag:s26] =	ssyncadd.s32 $0xFFFFF800  }
0x303: {  	[hbm4b:s29+s6] =	stream.linear.scatter [tilespmem:s12], [sflag:$0x3], $0x800, $0x38;
	[tilespmem:$0x1FC00] =	vst v63  }
0x304: {  	_ =	swait.ge [sflag:s10], $0x800  }
0x305: {  	s30 =	sld [smem:$0x7DB]  }
0x306: {  	[sflag:s10] =	ssyncset.done $0x0  }
0x307: {  	[sflag:s10] =	ssyncadd.s32 $0xFFFFF800  }
0x308: {  	[tilespmem:s12], [sflag:$0x1] =	stream.indirect.gather [hbm4b:s0+s8], $0x80, s30, s8, $0xb8;
	[tilespmem:$0x1FC00] =	vst v63  }
0x309: {  	_ =	swait.ge [sflag:s26], $0x800  }
0x30a: {  	s31 =	sld [smem:$0x7DC]  }
0x30b: {  	[sflag:s26] =	ssyncset.done $0x0  }
0x30c: {  	[sflag:s26] =	ssyncadd.s32 $0xFFFFF800  }
0x30d: {  	[hbm4b:s31+s6] =	stream.linear.scatter [tilespmem:s12], [sflag:$0x3], $0x800, $0x38;
	[tilespmem:$0x1FC00] =	vst v63  }
0x30e: {  	_ =	swait.ge [sflag:s10], $0x800  }
0x30f: {  	s13 =	sld [smem:$0x7DD]  }
0x310: {  	[sflag:s10] =	ssyncset.done $0x0  }
0x311: {  	[sflag:s10] =	ssyncadd.s32 $0xFFFFF800  }
0x312: {  	[tilespmem:s12], [sflag:$0x1] =	stream.indirect.gather [hbm4b:s0+s8], $0x80, s13, s8, $0xb8;
	[tilespmem:$0x1FC00] =	vst v63  }
0x313: {  	_ =	swait.ge [sflag:s26], $0x800  }
0x314: {  	s14 =	sld [smem:$0x7DE]  }
0x315: {  	[sflag:s26] =	ssyncset.done $0x0  }
0x316: {  	[sflag:s26] =	ssyncadd.s32 $0xFFFFF800  }
0x317: {  	[hbm4b:s14+s6] =	stream.linear.scatter [tilespmem:s12], [sflag:$0x3], $0x800, $0x38;
	[tilespmem:$0x1FC00] =	vst v63  }
0x318: {  	_ =	swait.ge [sflag:s10], $0x800  }
0x319: {  	[sflag:s10] =	ssyncset.done $0x0  }
0x31a: {  	s28 =	rddreg [dreg:$0xb];
	[sflag:s10] =	ssyncadd.s32 $0xFFFFF800  }
0x31b: {  	[tilespmem:s12], [sflag:$0x1] =	stream.indirect.gather [hbm4b:s0+s8], $0x80, s28, s8, $0xb8;
	[tilespmem:$0x1FC00] =	vst v63  }
0x31c: {  	_ =	swait.ge [sflag:s26], $0x800  }
0x31d: {  	[sflag:s26] =	ssyncset.done $0x0  }
0x31e: {  	s29 =	rddreg [dreg:$0xc];
	[sflag:s26] =	ssyncadd.s32 $0xFFFFF800  }
0x31f: {  	[hbm4b:s29+s6] =	stream.linear.scatter [tilespmem:s12], [sflag:$0x3], $0x800, $0x38;
	[tilespmem:$0x1FC00] =	vst v63  }
0x320: {  	_ =	swait.ge [sflag:s10], $0x800  }
0x321: {  	s30 =	sld [smem:$0x7C8];
	_ =	sdelay $0x2  }
0x322: {  	s31 =	rddreg [dreg:$0xa];
	s3 =	sadd.s32 $0x1, s30  }
0x323: {  	p0 =	sne.s32 s3, s31  }
.Ltmp2:
0x324: {  	_ = 	snop;
	(pc) =	sbr.rel @p0 .LBB2_1-.Ltmp2, $3  }
0x325: {  	_ =	sdelay $0x1  }
0x326: {  	[sflag:s10] =	ssyncset.done $0x0  }
0x327: {  	[sflag:s10] =	ssyncadd.s32 $0xFFFFF800  }
0x328: {  	_ =	sfence.sel $0x180000  }
0x329: {  	[bflag:$0x0] =	sbarrier.arrive $0xFFFF  }
0x32a: {  	_ =	strace $0x90000047  }
0x32b: {  	s0 =	stileid.u32;
	[bflag:$0x2] =	sbarrier.arrive $0xFFFF  }
0x32c: {  	p0 =	sne.s32 s0, $0x0;
	s0 =	rddreg [dreg:$0x6]  }
0x32d: {  	s0 =	sadd.s32 @!p0 $0x100000, s0  }
0x32e: {  	[sflag:s0] =	ssyncadd.tile.s32 @!p0 $0x1;
	_ =	shalt  }
.Lfunc_end2:
_tile_overlayer_lowered:
.L_overlay_start_2:
0x32f: {  	(tag) =	ssettag $0x2  }
0x330: {  	s0 =	rddreg [dreg:$0x0];
	s2 =	stileid.u32  }
0x331: {  	s1 =	rddreg [dreg:$0x1];
	p0 =	sne.s32 s2, $0x0  }
0x332: {  	s3 =	rddreg [dreg:$0x2];
	[bflag:$0x3] =	sbarrier.arrive $0xFFFF;
	s2 =	simm.s32 @!p0 $0x1C03  }
0x333: {  	[timem:s3], [sflag:s2] =	dma.local @!p0 [hbm:s0], s1  }
0x334: {  	s0 =	simm.s32 @!p0 $0x3  }
0x335: {  	_ =	swait.ge @!p0 [sflag:s0], s1  }
0x336: {  	s1 =	ssub.s32 @!p0 $0x0, s1;
	[sflag:s0] =	ssyncset.done @!p0 $0x0  }
0x337: {  	[sflag:s0] =	ssyncadd.s32 @!p0 s1  }
0x338: {  	[bflag:$0x3] =	sbarrier.arrive $0xFFFF  }
0x339: {  	_ =	shalt  }

</sc_bundles>
